<compile_context>
chip_gen: v7x
topology: tpu7x:2x2x1
jax: 0.10.2.dev20260603
libtpu: 0.0.44.dev20260713+nightly
codegen_flags: <defaults>
</compile_context>

<pallas_src>
import jax
import jax.numpy as jnp
from jax import lax
from jax.experimental import pallas as pl
from jax.experimental.pallas import tpu as pltpu
from jax.experimental.pallas import tpu_sc as plsc

B = 16384
TD = 32
NNUM = 8
VD = 128
QED = 32

NUM_TABLES = 5
NW = 32
BPW = B // NW


def _gather_kernel(*args):
  nc = 2
  wid = lax.axis_index("s") * nc + lax.axis_index("c")
  base = wid * BPW

  nt = (len(args) - 4) // 3
  tables = args[:nt]
  idxs = args[nt:2 * nt]
  outs = args[2 * nt:3 * nt]
  idx_hv, rows_v, osem, gsem = args[3 * nt:]
  gsems = (gsem,)

  for f in range(nt):
    pltpu.sync_copy(idxs[f].at[pl.ds(base, BPW)], idx_hv)
    table = tables[f]

    @pl.loop(0, BPW, step=16)
    def _rows(i):
      v = idx_hv[pl.ds(i, 16)]
      for j in range(16):
        pltpu.async_copy(
            table.at[pl.ds(v[j], 1)], rows_v.at[pl.ds(i + j, 1)], gsems[0])

    pltpu.make_async_copy(table.at[pl.ds(0, BPW)], rows_v, gsems[0]).wait()
    pltpu.sync_copy(rows_v, outs[f].at[pl.ds(base, BPW)])


def _sc_gather(tables, idxs):
  nt = len(tables)
  mesh = plsc.VectorSubcoreMesh(core_axis_name="c", subcore_axis_name="s")
  out_t = tuple(
      jax.ShapeDtypeStruct((B, TD), jnp.float32) for _ in range(nt))
  if nt == 1:
    out_t = out_t[0]
  fn = pl.kernel(
      _gather_kernel,
      out_type=out_t,
      mesh=mesh,
      scratch_types=(
          [pltpu.VMEM((BPW,), jnp.int32),
           pltpu.VMEM((BPW, TD), jnp.float32)]
          + [pltpu.SemaphoreType.DMA for _ in range(2)]),
  )
  return fn(*tables, *idxs)


def _mlp_kernel(ea, eb, ec, ed, eq, num, vec,
                nw1, nb1, nw2, nb2, vw, vb, mw1, mb1, mw2, mb2,
                out):
  h = jnp.maximum(
      jnp.dot(num[...], nw1[...], preferred_element_type=jnp.float32)
      + nb1[...], 0.0)
  h = jnp.dot(h, nw2[...], preferred_element_type=jnp.float32) + nb2[...]
  v = jnp.dot(vec[...], vw[...], preferred_element_type=jnp.float32) + vb[...]
  feat = jnp.concatenate(
      [ea[...], eb[...], ec[...], ed[...], eq[...], h, v], axis=1)
  g = jnp.maximum(
      jnp.dot(feat, mw1[...], preferred_element_type=jnp.float32) + mb1[...],
      0.0)
  out[...] = (
      jnp.dot(g, mw2[...], preferred_element_type=jnp.float32) + mb2[...])


def _tc_mlp(emb_a, emb_b, emb_c, emb_d, emb_q, numericals, vec_emb,
            num_W1, num_b1, num_W2, num_b2, vec_W, vec_b,
            merge_W1, merge_b1, merge_W2, merge_b2):
  BB = 2048
  grid = (B // BB,)

  def batch_spec(width):
    return pl.BlockSpec((BB, width), lambda i: (i, 0))

  def full_spec(shape):
    return pl.BlockSpec(shape, lambda i: tuple(0 for _ in shape))

  return pl.pallas_call(
      _mlp_kernel,
      grid=grid,
      in_specs=[
          batch_spec(TD), batch_spec(TD), batch_spec(TD), batch_spec(TD),
          batch_spec(TD), batch_spec(NNUM), batch_spec(VD),
          full_spec(num_W1.shape), full_spec(num_b1.shape),
          full_spec(num_W2.shape), full_spec(num_b2.shape),
          full_spec(vec_W.shape), full_spec(vec_b.shape),
          full_spec(merge_W1.shape), full_spec(merge_b1.shape),
          full_spec(merge_W2.shape), full_spec(merge_b2.shape),
      ],
      out_specs=batch_spec(QED),
      out_shape=jax.ShapeDtypeStruct((B, QED), jnp.float32),
  )(emb_a, emb_b, emb_c, emb_d, emb_q, numericals, vec_emb,
    num_W1, num_b1, num_W2, num_b2, vec_W, vec_b,
    merge_W1, merge_b1, merge_W2, merge_b2)


def kernel(query_id, cat_a, cat_b, cat_c, cat_d, numericals, vec_emb,
           query_table, ct_a, ct_b, ct_c, ct_d,
           num_W1, num_b1, num_W2, num_b2,
           vec_W, vec_b,
           merge_W1, merge_b1, merge_W2, merge_b2):
  qid = query_id.astype(jnp.int32)
  ca = cat_a.astype(jnp.int32)
  cb = cat_b.astype(jnp.int32)
  cc = cat_c.astype(jnp.int32)
  cd = cat_d.astype(jnp.int32)

  ea, eb, ec, ed = _sc_gather((ct_a, ct_b, ct_c, ct_d), (ca, cb, cc, cd))
  eq = _sc_gather((query_table,), (qid,))

  return _tc_mlp(
      ea, eb, ec, ed, eq, numericals, vec_emb,
      num_W1, num_b1.reshape(1, -1), num_W2, num_b2.reshape(1, -1),
      vec_W, vec_b.reshape(1, -1),
      merge_W1, merge_b1.reshape(1, -1), merge_W2, merge_b2.reshape(1, -1))

# --- scband reference (transcript-rebuilt; emitter-appended) ---
"""Pipeline reference for scband-query-tower-62130996904054 (READ-ONLY COPY).

The authoritative reference and input builder live on the scoring server;
editing this copy changes nothing except your own understanding.
"""

import jax, jax.numpy as jnp
import numpy as np

B = 16384
TD = 32
QC = 1000000
CC = 100000
NNUM = 8
VD = 128
NREP = 3
QED = 32
NFEAT = 1 + 4 + NREP + 1


def setup_inputs(seed: int = 0) -> dict:
    key = jax.random.key(seed)
    ks = jax.random.split(key, 24)
    inp = {}
    inp["query_id"] = jax.random.randint(ks[0], (B,), 0, QC)
    inp["cat_a"] = jax.random.randint(ks[1], (B,), 0, CC)
    inp["cat_b"] = jax.random.randint(ks[2], (B,), 0, CC)
    inp["cat_c"] = jax.random.randint(ks[3], (B,), 0, CC)
    inp["cat_d"] = jax.random.randint(ks[4], (B,), 0, CC)
    inp["numericals"] = jax.random.normal(ks[5], (B, NNUM), dtype=jnp.float32)
    inp["vec_emb"] = jax.random.normal(ks[6], (B, VD), dtype=jnp.float32)
    inp["query_table"] = jax.random.normal(ks[7], (QC, TD), dtype=jnp.float32) * 0.02
    inp["ct_a"] = jax.random.normal(ks[8], (CC, TD), dtype=jnp.float32) * 0.02
    inp["ct_b"] = jax.random.normal(ks[9], (CC, TD), dtype=jnp.float32) * 0.02
    inp["ct_c"] = jax.random.normal(ks[10], (CC, TD), dtype=jnp.float32) * 0.02
    inp["ct_d"] = jax.random.normal(ks[11], (CC, TD), dtype=jnp.float32) * 0.02
    inp["num_W1"] = jax.random.normal(ks[12], (NNUM, NREP * TD), dtype=jnp.float32) * 0.05
    inp["num_b1"] = jnp.zeros((NREP * TD,), dtype=jnp.float32)
    inp["num_W2"] = jax.random.normal(ks[13], (NREP * TD, NREP * TD), dtype=jnp.float32) * 0.05
    inp["num_b2"] = jnp.zeros((NREP * TD,), dtype=jnp.float32)
    inp["vec_W"] = jax.random.normal(ks[14], (VD, TD), dtype=jnp.float32) * 0.05
    inp["vec_b"] = jnp.zeros((TD,), dtype=jnp.float32)
    inp["merge_W1"] = jax.random.normal(ks[15], (NFEAT * TD, QED * 4), dtype=jnp.float32) * 0.05
    inp["merge_b1"] = jnp.zeros((QED * 4,), dtype=jnp.float32)
    inp["merge_W2"] = jax.random.normal(ks[16], (QED * 4, QED), dtype=jnp.float32) * 0.05
    inp["merge_b2"] = jnp.zeros((QED,), dtype=jnp.float32)
    return inp


def reference(query_id, cat_a, cat_b, cat_c, cat_d, numericals, vec_emb,
              query_table, ct_a, ct_b, ct_c, ct_d,
              num_W1, num_b1, num_W2, num_b2,
              vec_W, vec_b,
              merge_W1, merge_b1, merge_W2, merge_b2):
    out = {}
    out["query_id"] = jnp.take(query_table, query_id, axis=0)
    out["cat_a"] = jnp.take(ct_a, cat_a, axis=0)
    out["cat_b"] = jnp.take(ct_b, cat_b, axis=0)
    out["cat_c"] = jnp.take(ct_c, cat_c, axis=0)
    out["cat_d"] = jnp.take(ct_d, cat_d, axis=0)
    h = jax.nn.relu(numericals @ num_W1 + num_b1) @ num_W2 + num_b2
    h = h.reshape(-1, NREP, TD)
    for i in range(NREP):
        out[f"query_numerical_output_{i}"] = h[:, i, :]
    out["vec_emb"] = vec_emb @ vec_W + vec_b
    all_feat = jnp.concatenate([out[k] for k in sorted(out.keys())], axis=1)
    query_embedding = jax.nn.relu(all_feat @ merge_W1 + merge_b1) @ merge_W2 + merge_b2
    return query_embedding

if __name__ == "__main__":
    import jax
    _d = setup_inputs()
    print(jax.jit(kernel)(*tuple(_d.values())))

</pallas_src>

<mosaic_0001>
#map = affine_map<(d0, d1) -> (0, 0)>
#map1 = affine_map<(d0, d1) -> (0)>
module attributes {stable_mosaic.version = 14 : i64} {
  func.func @_gather_kernel(%arg0: i32, %arg1: i32, %arg2: memref<100000x32xf32, #tpu.memory_space<hbm>>, %arg3: memref<100000x32xf32, #tpu.memory_space<hbm>>, %arg4: memref<100000x32xf32, #tpu.memory_space<hbm>>, %arg5: memref<100000x32xf32, #tpu.memory_space<hbm>>, %arg6: memref<16384xi32, #tpu.memory_space<hbm>>, %arg7: memref<16384xi32, #tpu.memory_space<hbm>>, %arg8: memref<16384xi32, #tpu.memory_space<hbm>>, %arg9: memref<16384xi32, #tpu.memory_space<hbm>>, %arg10: memref<16384x32xf32, #tpu.memory_space<hbm>>, %arg11: memref<16384x32xf32, #tpu.memory_space<hbm>>, %arg12: memref<16384x32xf32, #tpu.memory_space<hbm>>, %arg13: memref<16384x32xf32, #tpu.memory_space<hbm>>, %arg14: memref<512xi32, #tpu.memory_space<vmem>>, %arg15: memref<512x32xf32, #tpu.memory_space<vmem>>, %arg16: memref<!tpu.dma_semaphore, #tpu.memory_space<semaphore_mem>>, %arg17: memref<!tpu.dma_semaphore, #tpu.memory_space<semaphore_mem>>) attributes {dimension_semantics = [#tpu.dimension_semantics<core_parallel>, #tpu.dimension_semantics<subcore_parallel>], iteration_bounds = array<i64: 2, 16>, scalar_prefetch = 0 : i64, scratch_operands = 4 : i64, tpu.core_type = #tpu.core_type<sc_vector_subcore>, window_params = [{transform_indices = #map}, {transform_indices = #map}, {transform_indices = #map}, {transform_indices = #map}, {transform_indices = #map1}, {transform_indices = #map1}, {transform_indices = #map1}, {transform_indices = #map1}, {transform_indices = #map}, {transform_indices = #map}, {transform_indices = #map}, {transform_indices = #map}]} {
    %mul3A = arith.constant 2 : i32
    %mul3A_0 = arith.muli %arg1, %mul3A : i32
    %add3A = arith.addi %mul3A_0, %arg0 : i32
    %mul3A_1 = arith.constant 512 : i32
    %mul3A_2 = arith.muli %add3A, %mul3A_1 : i32
    "tpu.region"() ({
      %run_scoped3A = tpu.sem_alloc : memref<!tpu.dma_semaphore, #tpu.memory_space<semaphore_mem>>
      %dma_start3A = tpu.memref_slice %arg6[%mul3A_2] : memref<16384xi32, #tpu.memory_space<hbm>> -> memref<512xi32, #tpu.memory_space<hbm>>
      %dma_start3A_45 = tpu.memref_slice %arg6[%mul3A_2] : memref<16384xi32, #tpu.memory_space<hbm>> -> memref<512xi32, #tpu.memory_space<hbm>>
      tpu.enqueue_dma source(%dma_start3A_45 : memref<512xi32, #tpu.memory_space<hbm>>) target(%arg14 : memref<512xi32, #tpu.memory_space<vmem>>) target_semaphore(%run_scoped3A : memref<!tpu.dma_semaphore, #tpu.memory_space<semaphore_mem>>)
      %dma_wait3A_46 = tpu.memref_slice %arg6[%mul3A_2] : memref<16384xi32, #tpu.memory_space<hbm>> -> memref<512xi32, #tpu.memory_space<hbm>>
      %dma_wait3A_47 = tpu.memref_slice %arg6[%mul3A_2] : memref<16384xi32, #tpu.memory_space<hbm>> -> memref<512xi32, #tpu.memory_space<hbm>>
      tpu.wait_dma2 semaphore(%run_scoped3A : memref<!tpu.dma_semaphore, #tpu.memory_space<semaphore_mem>>) src(%dma_wait3A_47 : memref<512xi32, #tpu.memory_space<hbm>>) dst(%arg14 : memref<512xi32, #tpu.memory_space<vmem>>)
      tpu.yield
    }) : () -> ()
    %scan3A = arith.constant 0 : i32
    %scan3A_3 = arith.constant 32 : i32
    %scan3A_4 = arith.addi %scan3A, %scan3A_3 : i32
    %scan3A_5 = arith.constant 1 : i32
    scf.for %scan3A_45 = %scan3A to %scan3A_4 step %scan3A_5  : i32 {
      %mul3A_46 = arith.constant 16 : i32
      %mul3A_47 = arith.muli %scan3A_45, %mul3A_46 : i32
      %add3A_48 = arith.constant 0 : i32
      %add3A_49 = arith.addi %add3A_48, %mul3A_47 : i32
      %get3A = arith.index_cast %add3A_49 : i32 to index
      %get3A_50 = tpu.vector_load %arg14[%get3A] {strides = array<i32>} : memref<512xi32, #tpu.memory_space<vmem>>, vector<16xi32>,
      %get3A_51 = vector.shape_cast %get3A_50 : vector<16xi32> to vector<16xi32>
      %slice3A = vector.extract_strided_slice %get3A_51 {offsets = [0], sizes = [1], strides = [1]} : vector<16xi32> to vector<1xi32>
      %squeeze3A = vector.extract %slice3A[0] : i32 from vector<1xi32>
      %add3A_52 = arith.constant 0 : i32
      %add3A_53 = arith.addi %add3A_49, %add3A_52 : i32
      %dma_start3A = arith.constant 0 : i32
      %dma_start3A_54 = tpu.memref_slice %arg15[%add3A_53, %dma_start3A] : memref<512x32xf32, #tpu.memory_space<vmem>> -> memref<1x32xf32, #tpu.memory_space<vmem>>
      %dma_start3A_55 = arith.constant 0 : i32
      %dma_start3A_56 = tpu.memref_slice %arg2[%squeeze3A, %dma_start3A_55] : memref<100000x32xf32, #tpu.memory_space<hbm>> -> memref<1x32xf32, #tpu.memory_space<hbm>>
      %dma_start3A_57 = arith.constant 0 : i32
      %dma_start3A_58 = tpu.memref_slice %arg15[%add3A_53, %dma_start3A_57] : memref<512x32xf32, #tpu.memory_space<vmem>> -> memref<1x32xf32, #tpu.memory_space<vmem>>
      %dma_start3A_59 = arith.constant 0 : i32
      %dma_start3A_60 = tpu.memref_slice %arg2[%squeeze3A, %dma_start3A_59] : memref<100000x32xf32, #tpu.memory_space<hbm>> -> memref<1x32xf32, #tpu.memory_space<hbm>>
      tpu.enqueue_dma source(%dma_start3A_60 : memref<1x32xf32, #tpu.memory_space<hbm>>) target(%dma_start3A_58 : memref<1x32xf32, #tpu.memory_space<vmem>>) target_semaphore(%arg17 : memref<!tpu.dma_semaphore, #tpu.memory_space<semaphore_mem>>)
      %slice3A_61 = vector.extract_strided_slice %get3A_51 {offsets = [1], sizes = [1], strides = [1]} : vector<16xi32> to vector<1xi32>
      %squeeze3A_62 = vector.extract %slice3A_61[0] : i32 from vector<1xi32>
      %add3A_63 = arith.constant 1 : i32
      %add3A_64 = arith.addi %add3A_49, %add3A_63 : i32
      %dma_start3A_65 = arith.constant 0 : i32
      %dma_start3A_66 = tpu.memref_slice %arg15[%add3A_64, %dma_start3A_65] : memref<512x32xf32, #tpu.memory_space<vmem>> -> memref<1x32xf32, #tpu.memory_space<vmem>>
      %dma_start3A_67 = arith.constant 0 : i32
      %dma_start3A_68 = tpu.memref_slice %arg2[%squeeze3A_62, %dma_start3A_67] : memref<100000x32xf32, #tpu.memory_space<hbm>> -> memref<1x32xf32, #tpu.memory_space<hbm>>
      %dma_start3A_69 = arith.constant 0 : i32
      %dma_start3A_70 = tpu.memref_slice %arg15[%add3A_64, %dma_start3A_69] : memref<512x32xf32, #tpu.memory_space<vmem>> -> memref<1x32xf32, #tpu.memory_space<vmem>>
      %dma_start3A_71 = arith.constant 0 : i32
      %dma_start3A_72 = tpu.memref_slice %arg2[%squeeze3A_62, %dma_start3A_71] : memref<100000x32xf32, #tpu.memory_space<hbm>> -> memref<1x32xf32, #tpu.memory_space<hbm>>
      tpu.enqueue_dma source(%dma_start3A_72 : memref<1x32xf32, #tpu.memory_space<hbm>>) target(%dma_start3A_70 : memref<1x32xf32, #tpu.memory_space<vmem>>) target_semaphore(%arg17 : memref<!tpu.dma_semaphore, #tpu.memory_space<semaphore_mem>>)
      %slice3A_73 = vector.extract_strided_slice %get3A_51 {offsets = [2], sizes = [1], strides = [1]} : vector<16xi32> to vector<1xi32>
      %squeeze3A_74 = vector.extract %slice3A_73[0] : i32 from vector<1xi32>
      %add3A_75 = arith.constant 2 : i32
      %add3A_76 = arith.addi %add3A_49, %add3A_75 : i32
      %dma_start3A_77 = arith.constant 0 : i32
      %dma_start3A_78 = tpu.memref_slice %arg15[%add3A_76, %dma_start3A_77] : memref<512x32xf32, #tpu.memory_space<vmem>> -> memref<1x32xf32, #tpu.memory_space<vmem>>
      %dma_start3A_79 = arith.constant 0 : i32
      %dma_start3A_80 = tpu.memref_slice %arg2[%squeeze3A_74, %dma_start3A_79] : memref<100000x32xf32, #tpu.memory_space<hbm>> -> memref<1x32xf32, #tpu.memory_space<hbm>>
      %dma_start3A_81 = arith.constant 0 : i32
      %dma_start3A_82 = tpu.memref_slice %arg15[%add3A_76, %dma_start3A_81] : memref<512x32xf32, #tpu.memory_space<vmem>> -> memref<1x32xf32, #tpu.memory_space<vmem>>
      %dma_start3A_83 = arith.constant 0 : i32
      %dma_start3A_84 = tpu.memref_slice %arg2[%squeeze3A_74, %dma_start3A_83] : memref<100000x32xf32, #tpu.memory_space<hbm>> -> memref<1x32xf32, #tpu.memory_space<hbm>>
      tpu.enqueue_dma source(%dma_start3A_84 : memref<1x32xf32, #tpu.memory_space<hbm>>) target(%dma_start3A_82 : memref<1x32xf32, #tpu.memory_space<vmem>>) target_semaphore(%arg17 : memref<!tpu.dma_semaphore, #tpu.memory_space<semaphore_mem>>)
      %slice3A_85 = vector.extract_strided_slice %get3A_51 {offsets = [3], sizes = [1], strides = [1]} : vector<16xi32> to vector<1xi32>
      %squeeze3A_86 = vector.extract %slice3A_85[0] : i32 from vector<1xi32>
      %add3A_87 = arith.constant 3 : i32
      %add3A_88 = arith.addi %add3A_49, %add3A_87 : i32
      %dma_start3A_89 = arith.constant 0 : i32
      %dma_start3A_90 = tpu.memref_slice %arg15[%add3A_88, %dma_start3A_89] : memref<512x32xf32, #tpu.memory_space<vmem>> -> memref<1x32xf32, #tpu.memory_space<vmem>>
      %dma_start3A_91 = arith.constant 0 : i32
      %dma_start3A_92 = tpu.memref_slice %arg2[%squeeze3A_86, %dma_start3A_91] : memref<100000x32xf32, #tpu.memory_space<hbm>> -> memref<1x32xf32, #tpu.memory_space<hbm>>
      %dma_start3A_93 = arith.constant 0 : i32
      %dma_start3A_94 = tpu.memref_slice %arg15[%add3A_88, %dma_start3A_93] : memref<512x32xf32, #tpu.memory_space<vmem>> -> memref<1x32xf32, #tpu.memory_space<vmem>>
      %dma_start3A_95 = arith.constant 0 : i32
      %dma_start3A_96 = tpu.memref_slice %arg2[%squeeze3A_86, %dma_start3A_95] : memref<100000x32xf32, #tpu.memory_space<hbm>> -> memref<1x32xf32, #tpu.memory_space<hbm>>
      tpu.enqueue_dma source(%dma_start3A_96 : memref<1x32xf32, #tpu.memory_space<hbm>>) target(%dma_start3A_94 : memref<1x32xf32, #tpu.memory_space<vmem>>) target_semaphore(%arg17 : memref<!tpu.dma_semaphore, #tpu.memory_space<semaphore_mem>>)
      %slice3A_97 = vector.extract_strided_slice %get3A_51 {offsets = [4], sizes = [1], strides = [1]} : vector<16xi32> to vector<1xi32>
      %squeeze3A_98 = vector.extract %slice3A_97[0] : i32 from vector<1xi32>
      %add3A_99 = arith.constant 4 : i32
      %add3A_100 = arith.addi %add3A_49, %add3A_99 : i32
      %dma_start3A_101 = arith.constant 0 : i32
      %dma_start3A_102 = tpu.memref_slice %arg15[%add3A_100, %dma_start3A_101] : memref<512x32xf32, #tpu.memory_space<vmem>> -> memref<1x32xf32, #tpu.memory_space<vmem>>
      %dma_start3A_103 = arith.constant 0 : i32
      %dma_start3A_104 = tpu.memref_slice %arg2[%squeeze3A_98, %dma_start3A_103] : memref<100000x32xf32, #tpu.memory_space<hbm>> -> memref<1x32xf32, #tpu.memory_space<hbm>>
      %dma_start3A_105 = arith.constant 0 : i32
      %dma_start3A_106 = tpu.memref_slice %arg15[%add3A_100, %dma_start3A_105] : memref<512x32xf32, #tpu.memory_space<vmem>> -> memref<1x32xf32, #tpu.memory_space<vmem>>
      %dma_start3A_107 = arith.constant 0 : i32
      %dma_start3A_108 = tpu.memref_slice %arg2[%squeeze3A_98, %dma_start3A_107] : memref<100000x32xf32, #tpu.memory_space<hbm>> -> memref<1x32xf32, #tpu.memory_space<hbm>>
      tpu.enqueue_dma source(%dma_start3A_108 : memref<1x32xf32, #tpu.memory_space<hbm>>) target(%dma_start3A_106 : memref<1x32xf32, #tpu.memory_space<vmem>>) target_semaphore(%arg17 : memref<!tpu.dma_semaphore, #tpu.memory_space<semaphore_mem>>)
      %slice3A_109 = vector.extract_strided_slice %get3A_51 {offsets = [5], sizes = [1], strides = [1]} : vector<16xi32> to vector<1xi32>
      %squeeze3A_110 = vector.extract %slice3A_109[0] : i32 from vector<1xi32>
      %add3A_111 = arith.constant 5 : i32
      %add3A_112 = arith.addi %add3A_49, %add3A_111 : i32
      %dma_start3A_113 = arith.constant 0 : i32
      %dma_start3A_114 = tpu.memref_slice %arg15[%add3A_112, %dma_start3A_113] : memref<512x32xf32, #tpu.memory_space<vmem>> -> memref<1x32xf32, #tpu.memory_space<vmem>>
      %dma_start3A_115 = arith.constant 0 : i32
      %dma_start3A_116 = tpu.memref_slice %arg2[%squeeze3A_110, %dma_start3A_115] : memref<100000x32xf32, #tpu.memory_space<hbm>> -> memref<1x32xf32, #tpu.memory_space<hbm>>
      %dma_start3A_117 = arith.constant 0 : i32
      %dma_start3A_118 = tpu.memref_slice %arg15[%add3A_112, %dma_start3A_117] : memref<512x32xf32, #tpu.memory_space<vmem>> -> memref<1x32xf32, #tpu.memory_space<vmem>>
      %dma_start3A_119 = arith.constant 0 : i32
      %dma_start3A_120 = tpu.memref_slice %arg2[%squeeze3A_110, %dma_start3A_119] : memref<100000x32xf32, #tpu.memory_space<hbm>> -> memref<1x32xf32, #tpu.memory_space<hbm>>
      tpu.enqueue_dma source(%dma_start3A_120 : memref<1x32xf32, #tpu.memory_space<hbm>>) target(%dma_start3A_118 : memref<1x32xf32, #tpu.memory_space<vmem>>) target_semaphore(%arg17 : memref<!tpu.dma_semaphore, #tpu.memory_space<semaphore_mem>>)
      %slice3A_121 = vector.extract_strided_slice %get3A_51 {offsets = [6], sizes = [1], strides = [1]} : vector<16xi32> to vector<1xi32>
      %squeeze3A_122 = vector.extract %slice3A_121[0] : i32 from vector<1xi32>
      %add3A_123 = arith.constant 6 : i32
      %add3A_124 = arith.addi %add3A_49, %add3A_123 : i32
      %dma_start3A_125 = arith.constant 0 : i32
      %dma_start3A_126 = tpu.memref_slice %arg15[%add3A_124, %dma_start3A_125] : memref<512x32xf32, #tpu.memory_space<vmem>> -> memref<1x32xf32, #tpu.memory_space<vmem>>
      %dma_start3A_127 = arith.constant 0 : i32
      %dma_start3A_128 = tpu.memref_slice %arg2[%squeeze3A_122, %dma_start3A_127] : memref<100000x32xf32, #tpu.memory_space<hbm>> -> memref<1x32xf32, #tpu.memory_space<hbm>>
      %dma_start3A_129 = arith.constant 0 : i32
      %dma_start3A_130 = tpu.memref_slice %arg15[%add3A_124, %dma_start3A_129] : memref<512x32xf32, #tpu.memory_space<vmem>> -> memref<1x32xf32, #tpu.memory_space<vmem>>
      %dma_start3A_131 = arith.constant 0 : i32
      %dma_start3A_132 = tpu.memref_slice %arg2[%squeeze3A_122, %dma_start3A_131] : memref<100000x32xf32, #tpu.memory_space<hbm>> -> memref<1x32xf32, #tpu.memory_space<hbm>>
      tpu.enqueue_dma source(%dma_start3A_132 : memref<1x32xf32, #tpu.memory_space<hbm>>) target(%dma_start3A_130 : memref<1x32xf32, #tpu.memory_space<vmem>>) target_semaphore(%arg17 : memref<!tpu.dma_semaphore, #tpu.memory_space<semaphore_mem>>)
      %slice3A_133 = vector.extract_strided_slice %get3A_51 {offsets = [7], sizes = [1], strides = [1]} : vector<16xi32> to vector<1xi32>
      %squeeze3A_134 = vector.extract %slice3A_133[0] : i32 from vector<1xi32>
      %add3A_135 = arith.constant 7 : i32
      %add3A_136 = arith.addi %add3A_49, %add3A_135 : i32
      %dma_start3A_137 = arith.constant 0 : i32
      %dma_start3A_138 = tpu.memref_slice %arg15[%add3A_136, %dma_start3A_137] : memref<512x32xf32, #tpu.memory_space<vmem>> -> memref<1x32xf32, #tpu.memory_space<vmem>>
      %dma_start3A_139 = arith.constant 0 : i32
      %dma_start3A_140 = tpu.memref_slice %arg2[%squeeze3A_134, %dma_start3A_139] : memref<100000x32xf32, #tpu.memory_space<hbm>> -> memref<1x32xf32, #tpu.memory_space<hbm>>
      %dma_start3A_141 = arith.constant 0 : i32
      %dma_start3A_142 = tpu.memref_slice %arg15[%add3A_136, %dma_start3A_141] : memref<512x32xf32, #tpu.memory_space<vmem>> -> memref<1x32xf32, #tpu.memory_space<vmem>>
      %dma_start3A_143 = arith.constant 0 : i32
      %dma_start3A_144 = tpu.memref_slice %arg2[%squeeze3A_134, %dma_start3A_143] : memref<100000x32xf32, #tpu.memory_space<hbm>> -> memref<1x32xf32, #tpu.memory_space<hbm>>
      tpu.enqueue_dma source(%dma_start3A_144 : memref<1x32xf32, #tpu.memory_space<hbm>>) target(%dma_start3A_142 : memref<1x32xf32, #tpu.memory_space<vmem>>) target_semaphore(%arg17 : memref<!tpu.dma_semaphore, #tpu.memory_space<semaphore_mem>>)
      %slice3A_145 = vector.extract_strided_slice %get3A_51 {offsets = [8], sizes = [1], strides = [1]} : vector<16xi32> to vector<1xi32>
      %squeeze3A_146 = vector.extract %slice3A_145[0] : i32 from vector<1xi32>
      %add3A_147 = arith.constant 8 : i32
      %add3A_148 = arith.addi %add3A_49, %add3A_147 : i32
      %dma_start3A_149 = arith.constant 0 : i32
      %dma_start3A_150 = tpu.memref_slice %arg15[%add3A_148, %dma_start3A_149] : memref<512x32xf32, #tpu.memory_space<vmem>> -> memref<1x32xf32, #tpu.memory_space<vmem>>
      %dma_start3A_151 = arith.constant 0 : i32
      %dma_start3A_152 = tpu.memref_slice %arg2[%squeeze3A_146, %dma_start3A_151] : memref<100000x32xf32, #tpu.memory_space<hbm>> -> memref<1x32xf32, #tpu.memory_space<hbm>>
      %dma_start3A_153 = arith.constant 0 : i32
      %dma_start3A_154 = tpu.memref_slice %arg15[%add3A_148, %dma_start3A_153] : memref<512x32xf32, #tpu.memory_space<vmem>> -> memref<1x32xf32, #tpu.memory_space<vmem>>
      %dma_start3A_155 = arith.constant 0 : i32
      %dma_start3A_156 = tpu.memref_slice %arg2[%squeeze3A_146, %dma_start3A_155] : memref<100000x32xf32, #tpu.memory_space<hbm>> -> memref<1x32xf32, #tpu.memory_space<hbm>>
      tpu.enqueue_dma source(%dma_start3A_156 : memref<1x32xf32, #tpu.memory_space<hbm>>) target(%dma_start3A_154 : memref<1x32xf32, #tpu.memory_space<vmem>>) target_semaphore(%arg17 : memref<!tpu.dma_semaphore, #tpu.memory_space<semaphore_mem>>)
      %slice3A_157 = vector.extract_strided_slice %get3A_51 {offsets = [9], sizes = [1], strides = [1]} : vector<16xi32> to vector<1xi32>
      %squeeze3A_158 = vector.extract %slice3A_157[0] : i32 from vector<1xi32>
      %add3A_159 = arith.constant 9 : i32
      %add3A_160 = arith.addi %add3A_49, %add3A_159 : i32
      %dma_start3A_161 = arith.constant 0 : i32
      %dma_start3A_162 = tpu.memref_slice %arg15[%add3A_160, %dma_start3A_161] : memref<512x32xf32, #tpu.memory_space<vmem>> -> memref<1x32xf32, #tpu.memory_space<vmem>>
      %dma_start3A_163 = arith.constant 0 : i32
      %dma_start3A_164 = tpu.memref_slice %arg2[%squeeze3A_158, %dma_start3A_163] : memref<100000x32xf32, #tpu.memory_space<hbm>> -> memref<1x32xf32, #tpu.memory_space<hbm>>
      %dma_start3A_165 = arith.constant 0 : i32
      %dma_start3A_166 = tpu.memref_slice %arg15[%add3A_160, %dma_start3A_165] : memref<512x32xf32, #tpu.memory_space<vmem>> -> memref<1x32xf32, #tpu.memory_space<vmem>>
      %dma_start3A_167 = arith.constant 0 : i32
      %dma_start3A_168 = tpu.memref_slice %arg2[%squeeze3A_158, %dma_start3A_167] : memref<100000x32xf32, #tpu.memory_space<hbm>> -> memref<1x32xf32, #tpu.memory_space<hbm>>
      tpu.enqueue_dma source(%dma_start3A_168 : memref<1x32xf32, #tpu.memory_space<hbm>>) target(%dma_start3A_166 : memref<1x32xf32, #tpu.memory_space<vmem>>) target_semaphore(%arg17 : memref<!tpu.dma_semaphore, #tpu.memory_space<semaphore_mem>>)
      %slice3A_169 = vector.extract_strided_slice %get3A_51 {offsets = [10], sizes = [1], strides = [1]} : vector<16xi32> to vector<1xi32>
      %squeeze3A_170 = vector.extract %slice3A_169[0] : i32 from vector<1xi32>
      %add3A_171 = arith.constant 10 : i32
      %add3A_172 = arith.addi %add3A_49, %add3A_171 : i32
      %dma_start3A_173 = arith.constant 0 : i32
      %dma_start3A_174 = tpu.memref_slice %arg15[%add3A_172, %dma_start3A_173] : memref<512x32xf32, #tpu.memory_space<vmem>> -> memref<1x32xf32, #tpu.memory_space<vmem>>
      %dma_start3A_175 = arith.constant 0 : i32
      %dma_start3A_176 = tpu.memref_slice %arg2[%squeeze3A_170, %dma_start3A_175] : memref<100000x32xf32, #tpu.memory_space<hbm>> -> memref<1x32xf32, #tpu.memory_space<hbm>>
      %dma_start3A_177 = arith.constant 0 : i32
      %dma_start3A_178 = tpu.memref_slice %arg15[%add3A_172, %dma_start3A_177] : memref<512x32xf32, #tpu.memory_space<vmem>> -> memref<1x32xf32, #tpu.memory_space<vmem>>
      %dma_start3A_179 = arith.constant 0 : i32
      %dma_start3A_180 = tpu.memref_slice %arg2[%squeeze3A_170, %dma_start3A_179] : memref<100000x32xf32, #tpu.memory_space<hbm>> -> memref<1x32xf32, #tpu.memory_space<hbm>>
      tpu.enqueue_dma source(%dma_start3A_180 : memref<1x32xf32, #tpu.memory_space<hbm>>) target(%dma_start3A_178 : memref<1x32xf32, #tpu.memory_space<vmem>>) target_semaphore(%arg17 : memref<!tpu.dma_semaphore, #tpu.memory_space<semaphore_mem>>)
      %slice3A_181 = vector.extract_strided_slice %get3A_51 {offsets = [11], sizes = [1], strides = [1]} : vector<16xi32> to vector<1xi32>
      %squeeze3A_182 = vector.extract %slice3A_181[0] : i32 from vector<1xi32>
      %add3A_183 = arith.constant 11 : i32
      %add3A_184 = arith.addi %add3A_49, %add3A_183 : i32
      %dma_start3A_185 = arith.constant 0 : i32
      %dma_start3A_186 = tpu.memref_slice %arg15[%add3A_184, %dma_start3A_185] : memref<512x32xf32, #tpu.memory_space<vmem>> -> memref<1x32xf32, #tpu.memory_space<vmem>>
      %dma_start3A_187 = arith.constant 0 : i32
      %dma_start3A_188 = tpu.memref_slice %arg2[%squeeze3A_182, %dma_start3A_187] : memref<100000x32xf32, #tpu.memory_space<hbm>> -> memref<1x32xf32, #tpu.memory_space<hbm>>
      %dma_start3A_189 = arith.constant 0 : i32
      %dma_start3A_190 = tpu.memref_slice %arg15[%add3A_184, %dma_start3A_189] : memref<512x32xf32, #tpu.memory_space<vmem>> -> memref<1x32xf32, #tpu.memory_space<vmem>>
      %dma_start3A_191 = arith.constant 0 : i32
      %dma_start3A_192 = tpu.memref_slice %arg2[%squeeze3A_182, %dma_start3A_191] : memref<100000x32xf32, #tpu.memory_space<hbm>> -> memref<1x32xf32, #tpu.memory_space<hbm>>
      tpu.enqueue_dma source(%dma_start3A_192 : memref<1x32xf32, #tpu.memory_space<hbm>>) target(%dma_start3A_190 : memref<1x32xf32, #tpu.memory_space<vmem>>) target_semaphore(%arg17 : memref<!tpu.dma_semaphore, #tpu.memory_space<semaphore_mem>>)
      %slice3A_193 = vector.extract_strided_slice %get3A_51 {offsets = [12], sizes = [1], strides = [1]} : vector<16xi32> to vector<1xi32>
      %squeeze3A_194 = vector.extract %slice3A_193[0] : i32 from vector<1xi32>
      %add3A_195 = arith.constant 12 : i32
      %add3A_196 = arith.addi %add3A_49, %add3A_195 : i32
      %dma_start3A_197 = arith.constant 0 : i32
      %dma_start3A_198 = tpu.memref_slice %arg15[%add3A_196, %dma_start3A_197] : memref<512x32xf32, #tpu.memory_space<vmem>> -> memref<1x32xf32, #tpu.memory_space<vmem>>
      %dma_start3A_199 = arith.constant 0 : i32
      %dma_start3A_200 = tpu.memref_slice %arg2[%squeeze3A_194, %dma_start3A_199] : memref<100000x32xf32, #tpu.memory_space<hbm>> -> memref<1x32xf32, #tpu.memory_space<hbm>>
      %dma_start3A_201 = arith.constant 0 : i32
      %dma_start3A_202 = tpu.memref_slice %arg15[%add3A_196, %dma_start3A_201] : memref<512x32xf32, #tpu.memory_space<vmem>> -> memref<1x32xf32, #tpu.memory_space<vmem>>
      %dma_start3A_203 = arith.constant 0 : i32
      %dma_start3A_204 = tpu.memref_slice %arg2[%squeeze3A_194, %dma_start3A_203] : memref<100000x32xf32, #tpu.memory_space<hbm>> -> memref<1x32xf32, #tpu.memory_space<hbm>>
      tpu.enqueue_dma source(%dma_start3A_204 : memref<1x32xf32, #tpu.memory_space<hbm>>) target(%dma_start3A_202 : memref<1x32xf32, #tpu.memory_space<vmem>>) target_semaphore(%arg17 : memref<!tpu.dma_semaphore, #tpu.memory_space<semaphore_mem>>)
      %slice3A_205 = vector.extract_strided_slice %get3A_51 {offsets = [13], sizes = [1], strides = [1]} : vector<16xi32> to vector<1xi32>
      %squeeze3A_206 = vector.extract %slice3A_205[0] : i32 from vector<1xi32>
      %add3A_207 = arith.constant 13 : i32
      %add3A_208 = arith.addi %add3A_49, %add3A_207 : i32
      %dma_start3A_209 = arith.constant 0 : i32
      %dma_start3A_210 = tpu.memref_slice %arg15[%add3A_208, %dma_start3A_209] : memref<512x32xf32, #tpu.memory_space<vmem>> -> memref<1x32xf32, #tpu.memory_space<vmem>>
      %dma_start3A_211 = arith.constant 0 : i32
      %dma_start3A_212 = tpu.memref_slice %arg2[%squeeze3A_206, %dma_start3A_211] : memref<100000x32xf32, #tpu.memory_space<hbm>> -> memref<1x32xf32, #tpu.memory_space<hbm>>
      %dma_start3A_213 = arith.constant 0 : i32
      %dma_start3A_214 = tpu.memref_slice %arg15[%add3A_208, %dma_start3A_213] : memref<512x32xf32, #tpu.memory_space<vmem>> -> memref<1x32xf32, #tpu.memory_space<vmem>>
      %dma_start3A_215 = arith.constant 0 : i32
      %dma_start3A_216 = tpu.memref_slice %arg2[%squeeze3A_206, %dma_start3A_215] : memref<100000x32xf32, #tpu.memory_space<hbm>> -> memref<1x32xf32, #tpu.memory_space<hbm>>
      tpu.enqueue_dma source(%dma_start3A_216 : memref<1x32xf32, #tpu.memory_space<hbm>>) target(%dma_start3A_214 : memref<1x32xf32, #tpu.memory_space<vmem>>) target_semaphore(%arg17 : memref<!tpu.dma_semaphore, #tpu.memory_space<semaphore_mem>>)
      %slice3A_217 = vector.extract_strided_slice %get3A_51 {offsets = [14], sizes = [1], strides = [1]} : vector<16xi32> to vector<1xi32>
      %squeeze3A_218 = vector.extract %slice3A_217[0] : i32 from vector<1xi32>
      %add3A_219 = arith.constant 14 : i32
      %add3A_220 = arith.addi %add3A_49, %add3A_219 : i32
      %dma_start3A_221 = arith.constant 0 : i32
      %dma_start3A_222 = tpu.memref_slice %arg15[%add3A_220, %dma_start3A_221] : memref<512x32xf32, #tpu.memory_space<vmem>> -> memref<1x32xf32, #tpu.memory_space<vmem>>
      %dma_start3A_223 = arith.constant 0 : i32
      %dma_start3A_224 = tpu.memref_slice %arg2[%squeeze3A_218, %dma_start3A_223] : memref<100000x32xf32, #tpu.memory_space<hbm>> -> memref<1x32xf32, #tpu.memory_space<hbm>>
      %dma_start3A_225 = arith.constant 0 : i32
      %dma_start3A_226 = tpu.memref_slice %arg15[%add3A_220, %dma_start3A_225] : memref<512x32xf32, #tpu.memory_space<vmem>> -> memref<1x32xf32, #tpu.memory_space<vmem>>
      %dma_start3A_227 = arith.constant 0 : i32
      %dma_start3A_228 = tpu.memref_slice %arg2[%squeeze3A_218, %dma_start3A_227] : memref<100000x32xf32, #tpu.memory_space<hbm>> -> memref<1x32xf32, #tpu.memory_space<hbm>>
      tpu.enqueue_dma source(%dma_start3A_228 : memref<1x32xf32, #tpu.memory_space<hbm>>) target(%dma_start3A_226 : memref<1x32xf32, #tpu.memory_space<vmem>>) target_semaphore(%arg17 : memref<!tpu.dma_semaphore, #tpu.memory_space<semaphore_mem>>)
      %slice3A_229 = vector.extract_strided_slice %get3A_51 {offsets = [15], sizes = [1], strides = [1]} : vector<16xi32> to vector<1xi32>
      %squeeze3A_230 = vector.extract %slice3A_229[0] : i32 from vector<1xi32>
      %add3A_231 = arith.constant 15 : i32
      %add3A_232 = arith.addi %add3A_49, %add3A_231 : i32
      %dma_start3A_233 = arith.constant 0 : i32
      %dma_start3A_234 = tpu.memref_slice %arg15[%add3A_232, %dma_start3A_233] : memref<512x32xf32, #tpu.memory_space<vmem>> -> memref<1x32xf32, #tpu.memory_space<vmem>>
      %dma_start3A_235 = arith.constant 0 : i32
      %dma_start3A_236 = tpu.memref_slice %arg2[%squeeze3A_230, %dma_start3A_235] : memref<100000x32xf32, #tpu.memory_space<hbm>> -> memref<1x32xf32, #tpu.memory_space<hbm>>
      %dma_start3A_237 = arith.constant 0 : i32
      %dma_start3A_238 = tpu.memref_slice %arg15[%add3A_232, %dma_start3A_237] : memref<512x32xf32, #tpu.memory_space<vmem>> -> memref<1x32xf32, #tpu.memory_space<vmem>>
      %dma_start3A_239 = arith.constant 0 : i32
      %dma_start3A_240 = tpu.memref_slice %arg2[%squeeze3A_230, %dma_start3A_239] : memref<100000x32xf32, #tpu.memory_space<hbm>> -> memref<1x32xf32, #tpu.memory_space<hbm>>
      tpu.enqueue_dma source(%dma_start3A_240 : memref<1x32xf32, #tpu.memory_space<hbm>>) target(%dma_start3A_238 : memref<1x32xf32, #tpu.memory_space<vmem>>) target_semaphore(%arg17 : memref<!tpu.dma_semaphore, #tpu.memory_space<semaphore_mem>>)
    }
    %scan3A_6 = arith.constant 32 : i32
    %dma_wait3A = arith.constant 0 : i32
    %dma_wait3A_7 = arith.constant 0 : i32
    %dma_wait3A_8 = tpu.memref_slice %arg2[%dma_wait3A, %dma_wait3A_7] : memref<100000x32xf32, #tpu.memory_space<hbm>> -> memref<512x32xf32, #tpu.memory_space<hbm>>
    %dma_wait3A_9 = arith.constant 0 : i32
    %dma_wait3A_10 = arith.constant 0 : i32
    %dma_wait3A_11 = tpu.memref_slice %arg2[%dma_wait3A_9, %dma_wait3A_10] : memref<100000x32xf32, #tpu.memory_space<hbm>> -> memref<512x32xf32, #tpu.memory_space<hbm>>
    tpu.wait_dma2 semaphore(%arg17 : memref<!tpu.dma_semaphore, #tpu.memory_space<semaphore_mem>>) src(%dma_wait3A_11 : memref<512x32xf32, #tpu.memory_space<hbm>>) dst(%arg15 : memref<512x32xf32, #tpu.memory_space<vmem>>)
    "tpu.region"() ({
      %run_scoped3A = tpu.sem_alloc : memref<!tpu.dma_semaphore, #tpu.memory_space<semaphore_mem>>
      %dma_start3A = arith.constant 0 : i32
      %dma_start3A_45 = tpu.memref_slice %arg10[%mul3A_2, %dma_start3A] : memref<16384x32xf32, #tpu.memory_space<hbm>> -> memref<512x32xf32, #tpu.memory_space<hbm>>
      %dma_start3A_46 = arith.constant 0 : i32
      %dma_start3A_47 = tpu.memref_slice %arg10[%mul3A_2, %dma_start3A_46] : memref<16384x32xf32, #tpu.memory_space<hbm>> -> memref<512x32xf32, #tpu.memory_space<hbm>>
      tpu.enqueue_dma source(%arg15 : memref<512x32xf32, #tpu.memory_space<vmem>>) target(%dma_start3A_47 : memref<512x32xf32, #tpu.memory_space<hbm>>) target_semaphore(%run_scoped3A : memref<!tpu.dma_semaphore, #tpu.memory_space<semaphore_mem>>)
      %dma_wait3A_48 = arith.constant 0 : i32
      %dma_wait3A_49 = tpu.memref_slice %arg10[%mul3A_2, %dma_wait3A_48] : memref<16384x32xf32, #tpu.memory_space<hbm>> -> memref<512x32xf32, #tpu.memory_space<hbm>>
      %dma_wait3A_50 = arith.constant 0 : i32
      %dma_wait3A_51 = tpu.memref_slice %arg10[%mul3A_2, %dma_wait3A_50] : memref<16384x32xf32, #tpu.memory_space<hbm>> -> memref<512x32xf32, #tpu.memory_space<hbm>>
      tpu.wait_dma2 semaphore(%run_scoped3A : memref<!tpu.dma_semaphore, #tpu.memory_space<semaphore_mem>>) src(%arg15 : memref<512x32xf32, #tpu.memory_space<vmem>>) dst(%dma_wait3A_51 : memref<512x32xf32, #tpu.memory_space<hbm>>)
      tpu.yield
    }) : () -> ()
    "tpu.region"() ({
      %run_scoped3A = tpu.sem_alloc : memref<!tpu.dma_semaphore, #tpu.memory_space<semaphore_mem>>
      %dma_start3A = tpu.memref_slice %arg7[%mul3A_2] : memref<16384xi32, #tpu.memory_space<hbm>> -> memref<512xi32, #tpu.memory_space<hbm>>
      %dma_start3A_45 = tpu.memref_slice %arg7[%mul3A_2] : memref<16384xi32, #tpu.memory_space<hbm>> -> memref<512xi32, #tpu.memory_space<hbm>>
      tpu.enqueue_dma source(%dma_start3A_45 : memref<512xi32, #tpu.memory_space<hbm>>) target(%arg14 : memref<512xi32, #tpu.memory_space<vmem>>) target_semaphore(%run_scoped3A : memref<!tpu.dma_semaphore, #tpu.memory_space<semaphore_mem>>)
      %dma_wait3A_46 = tpu.memref_slice %arg7[%mul3A_2] : memref<16384xi32, #tpu.memory_space<hbm>> -> memref<512xi32, #tpu.memory_space<hbm>>
      %dma_wait3A_47 = tpu.memref_slice %arg7[%mul3A_2] : memref<16384xi32, #tpu.memory_space<hbm>> -> memref<512xi32, #tpu.memory_space<hbm>>
      tpu.wait_dma2 semaphore(%run_scoped3A : memref<!tpu.dma_semaphore, #tpu.memory_space<semaphore_mem>>) src(%dma_wait3A_47 : memref<512xi32, #tpu.memory_space<hbm>>) dst(%arg14 : memref<512xi32, #tpu.memory_space<vmem>>)
      tpu.yield
    }) : () -> ()
    %scan3A_12 = arith.constant 0 : i32
    %scan3A_13 = arith.constant 32 : i32
    %scan3A_14 = arith.addi %scan3A_12, %scan3A_13 : i32
    %scan3A_15 = arith.constant 1 : i32
    scf.for %scan3A_45 = %scan3A_12 to %scan3A_14 step %scan3A_15  : i32 {
      %mul3A_46 = arith.constant 16 : i32
      %mul3A_47 = arith.muli %scan3A_45, %mul3A_46 : i32
      %add3A_48 = arith.constant 0 : i32
      %add3A_49 = arith.addi %add3A_48, %mul3A_47 : i32
      %get3A = arith.index_cast %add3A_49 : i32 to index
      %get3A_50 = tpu.vector_load %arg14[%get3A] {strides = array<i32>} : memref<512xi32, #tpu.memory_space<vmem>>, vector<16xi32>,
      %get3A_51 = vector.shape_cast %get3A_50 : vector<16xi32> to vector<16xi32>
      %slice3A = vector.extract_strided_slice %get3A_51 {offsets = [0], sizes = [1], strides = [1]} : vector<16xi32> to vector<1xi32>
      %squeeze3A = vector.extract %slice3A[0] : i32 from vector<1xi32>
      %add3A_52 = arith.constant 0 : i32
      %add3A_53 = arith.addi %add3A_49, %add3A_52 : i32
      %dma_start3A = arith.constant 0 : i32
      %dma_start3A_54 = tpu.memref_slice %arg15[%add3A_53, %dma_start3A] : memref<512x32xf32, #tpu.memory_space<vmem>> -> memref<1x32xf32, #tpu.memory_space<vmem>>
      %dma_start3A_55 = arith.constant 0 : i32
      %dma_start3A_56 = tpu.memref_slice %arg3[%squeeze3A, %dma_start3A_55] : memref<100000x32xf32, #tpu.memory_space<hbm>> -> memref<1x32xf32, #tpu.memory_space<hbm>>
      %dma_start3A_57 = arith.constant 0 : i32
      %dma_start3A_58 = tpu.memref_slice %arg15[%add3A_53, %dma_start3A_57] : memref<512x32xf32, #tpu.memory_space<vmem>> -> memref<1x32xf32, #tpu.memory_space<vmem>>
      %dma_start3A_59 = arith.constant 0 : i32
      %dma_start3A_60 = tpu.memref_slice %arg3[%squeeze3A, %dma_start3A_59] : memref<100000x32xf32, #tpu.memory_space<hbm>> -> memref<1x32xf32, #tpu.memory_space<hbm>>
      tpu.enqueue_dma source(%dma_start3A_60 : memref<1x32xf32, #tpu.memory_space<hbm>>) target(%dma_start3A_58 : memref<1x32xf32, #tpu.memory_space<vmem>>) target_semaphore(%arg17 : memref<!tpu.dma_semaphore, #tpu.memory_space<semaphore_mem>>)
      %slice3A_61 = vector.extract_strided_slice %get3A_51 {offsets = [1], sizes = [1], strides = [1]} : vector<16xi32> to vector<1xi32>
      %squeeze3A_62 = vector.extract %slice3A_61[0] : i32 from vector<1xi32>
      %add3A_63 = arith.constant 1 : i32
      %add3A_64 = arith.addi %add3A_49, %add3A_63 : i32
      %dma_start3A_65 = arith.constant 0 : i32
      %dma_start3A_66 = tpu.memref_slice %arg15[%add3A_64, %dma_start3A_65] : memref<512x32xf32, #tpu.memory_space<vmem>> -> memref<1x32xf32, #tpu.memory_space<vmem>>
      %dma_start3A_67 = arith.constant 0 : i32
      %dma_start3A_68 = tpu.memref_slice %arg3[%squeeze3A_62, %dma_start3A_67] : memref<100000x32xf32, #tpu.memory_space<hbm>> -> memref<1x32xf32, #tpu.memory_space<hbm>>
      %dma_start3A_69 = arith.constant 0 : i32
      %dma_start3A_70 = tpu.memref_slice %arg15[%add3A_64, %dma_start3A_69] : memref<512x32xf32, #tpu.memory_space<vmem>> -> memref<1x32xf32, #tpu.memory_space<vmem>>
      %dma_start3A_71 = arith.constant 0 : i32
      %dma_start3A_72 = tpu.memref_slice %arg3[%squeeze3A_62, %dma_start3A_71] : memref<100000x32xf32, #tpu.memory_space<hbm>> -> memref<1x32xf32, #tpu.memory_space<hbm>>
      tpu.enqueue_dma source(%dma_start3A_72 : memref<1x32xf32, #tpu.memory_space<hbm>>) target(%dma_start3A_70 : memref<1x32xf32, #tpu.memory_space<vmem>>) target_semaphore(%arg17 : memref<!tpu.dma_semaphore, #tpu.memory_space<semaphore_mem>>)
      %slice3A_73 = vector.extract_strided_slice %get3A_51 {offsets = [2], sizes = [1], strides = [1]} : vector<16xi32> to vector<1xi32>
      %squeeze3A_74 = vector.extract %slice3A_73[0] : i32 from vector<1xi32>
      %add3A_75 = arith.constant 2 : i32
      %add3A_76 = arith.addi %add3A_49, %add3A_75 : i32
      %dma_start3A_77 = arith.constant 0 : i32
      %dma_start3A_78 = tpu.memref_slice %arg15[%add3A_76, %dma_start3A_77] : memref<512x32xf32, #tpu.memory_space<vmem>> -> memref<1x32xf32, #tpu.memory_space<vmem>>
      %dma_start3A_79 = arith.constant 0 : i32
      %dma_start3A_80 = tpu.memref_slice %arg3[%squeeze3A_74, %dma_start3A_79] : memref<100000x32xf32, #tpu.memory_space<hbm>> -> memref<1x32xf32, #tpu.memory_space<hbm>>
      %dma_start3A_81 = arith.constant 0 : i32
      %dma_start3A_82 = tpu.memref_slice %arg15[%add3A_76, %dma_start3A_81] : memref<512x32xf32, #tpu.memory_space<vmem>> -> memref<1x32xf32, #tpu.memory_space<vmem>>
      %dma_start3A_83 = arith.constant 0 : i32
      %dma_start3A_84 = tpu.memref_slice %arg3[%squeeze3A_74, %dma_start3A_83] : memref<100000x32xf32, #tpu.memory_space<hbm>> -> memref<1x32xf32, #tpu.memory_space<hbm>>
      tpu.enqueue_dma source(%dma_start3A_84 : memref<1x32xf32, #tpu.memory_space<hbm>>) target(%dma_start3A_82 : memref<1x32xf32, #tpu.memory_space<vmem>>) target_semaphore(%arg17 : memref<!tpu.dma_semaphore, #tpu.memory_space<semaphore_mem>>)
      %slice3A_85 = vector.extract_strided_slice %get3A_51 {offsets = [3], sizes = [1], strides = [1]} : vector<16xi32> to vector<1xi32>
      %squeeze3A_86 = vector.extract %slice3A_85[0] : i32 from vector<1xi32>
      %add3A_87 = arith.constant 3 : i32
      %add3A_88 = arith.addi %add3A_49, %add3A_87 : i32
      %dma_start3A_89 = arith.constant 0 : i32
      %dma_start3A_90 = tpu.memref_slice %arg15[%add3A_88, %dma_start3A_89] : memref<512x32xf32, #tpu.memory_space<vmem>> -> memref<1x32xf32, #tpu.memory_space<vmem>>
      %dma_start3A_91 = arith.constant 0 : i32
      %dma_start3A_92 = tpu.memref_slice %arg3[%squeeze3A_86, %dma_start3A_91] : memref<100000x32xf32, #tpu.memory_space<hbm>> -> memref<1x32xf32, #tpu.memory_space<hbm>>
      %dma_start3A_93 = arith.constant 0 : i32
      %dma_start3A_94 = tpu.memref_slice %arg15[%add3A_88, %dma_start3A_93] : memref<512x32xf32, #tpu.memory_space<vmem>> -> memref<1x32xf32, #tpu.memory_space<vmem>>
      %dma_start3A_95 = arith.constant 0 : i32
      %dma_start3A_96 = tpu.memref_slice %arg3[%squeeze3A_86, %dma_start3A_95] : memref<100000x32xf32, #tpu.memory_space<hbm>> -> memref<1x32xf32, #tpu.memory_space<hbm>>
      tpu.enqueue_dma source(%dma_start3A_96 : memref<1x32xf32, #tpu.memory_space<hbm>>) target(%dma_start3A_94 : memref<1x32xf32, #tpu.memory_space<vmem>>) target_semaphore(%arg17 : memref<!tpu.dma_semaphore, #tpu.memory_space<semaphore_mem>>)
      %slice3A_97 = vector.extract_strided_slice %get3A_51 {offsets = [4], sizes = [1], strides = [1]} : vector<16xi32> to vector<1xi32>
      %squeeze3A_98 = vector.extract %slice3A_97[0] : i32 from vector<1xi32>
      %add3A_99 = arith.constant 4 : i32
      %add3A_100 = arith.addi %add3A_49, %add3A_99 : i32
      %dma_start3A_101 = arith.constant 0 : i32
      %dma_start3A_102 = tpu.memref_slice %arg15[%add3A_100, %dma_start3A_101] : memref<512x32xf32, #tpu.memory_space<vmem>> -> memref<1x32xf32, #tpu.memory_space<vmem>>
      %dma_start3A_103 = arith.constant 0 : i32
      %dma_start3A_104 = tpu.memref_slice %arg3[%squeeze3A_98, %dma_start3A_103] : memref<100000x32xf32, #tpu.memory_space<hbm>> -> memref<1x32xf32, #tpu.memory_space<hbm>>
      %dma_start3A_105 = arith.constant 0 : i32
      %dma_start3A_106 = tpu.memref_slice %arg15[%add3A_100, %dma_start3A_105] : memref<512x32xf32, #tpu.memory_space<vmem>> -> memref<1x32xf32, #tpu.memory_space<vmem>>
      %dma_start3A_107 = arith.constant 0 : i32
      %dma_start3A_108 = tpu.memref_slice %arg3[%squeeze3A_98, %dma_start3A_107] : memref<100000x32xf32, #tpu.memory_space<hbm>> -> memref<1x32xf32, #tpu.memory_space<hbm>>
      tpu.enqueue_dma source(%dma_start3A_108 : memref<1x32xf32, #tpu.memory_space<hbm>>) target(%dma_start3A_106 : memref<1x32xf32, #tpu.memory_space<vmem>>) target_semaphore(%arg17 : memref<!tpu.dma_semaphore, #tpu.memory_space<semaphore_mem>>)
      %slice3A_109 = vector.extract_strided_slice %get3A_51 {offsets = [5], sizes = [1], strides = [1]} : vector<16xi32> to vector<1xi32>
      %squeeze3A_110 = vector.extract %slice3A_109[0] : i32 from vector<1xi32>
      %add3A_111 = arith.constant 5 : i32
      %add3A_112 = arith.addi %add3A_49, %add3A_111 : i32
      %dma_start3A_113 = arith.constant 0 : i32
      %dma_start3A_114 = tpu.memref_slice %arg15[%add3A_112, %dma_start3A_113] : memref<512x32xf32, #tpu.memory_space<vmem>> -> memref<1x32xf32, #tpu.memory_space<vmem>>
      %dma_start3A_115 = arith.constant 0 : i32
      %dma_start3A_116 = tpu.memref_slice %arg3[%squeeze3A_110, %dma_start3A_115] : memref<100000x32xf32, #tpu.memory_space<hbm>> -> memref<1x32xf32, #tpu.memory_space<hbm>>
      %dma_start3A_117 = arith.constant 0 : i32
      %dma_start3A_118 = tpu.memref_slice %arg15[%add3A_112, %dma_start3A_117] : memref<512x32xf32, #tpu.memory_space<vmem>> -> memref<1x32xf32, #tpu.memory_space<vmem>>
      %dma_start3A_119 = arith.constant 0 : i32
      %dma_start3A_120 = tpu.memref_slice %arg3[%squeeze3A_110, %dma_start3A_119] : memref<100000x32xf32, #tpu.memory_space<hbm>> -> memref<1x32xf32, #tpu.memory_space<hbm>>
      tpu.enqueue_dma source(%dma_start3A_120 : memref<1x32xf32, #tpu.memory_space<hbm>>) target(%dma_start3A_118 : memref<1x32xf32, #tpu.memory_space<vmem>>) target_semaphore(%arg17 : memref<!tpu.dma_semaphore, #tpu.memory_space<semaphore_mem>>)
      %slice3A_121 = vector.extract_strided_slice %get3A_51 {offsets = [6], sizes = [1], strides = [1]} : vector<16xi32> to vector<1xi32>
      %squeeze3A_122 = vector.extract %slice3A_121[0] : i32 from vector<1xi32>
      %add3A_123 = arith.constant 6 : i32
      %add3A_124 = arith.addi %add3A_49, %add3A_123 : i32
      %dma_start3A_125 = arith.constant 0 : i32
      %dma_start3A_126 = tpu.memref_slice %arg15[%add3A_124, %dma_start3A_125] : memref<512x32xf32, #tpu.memory_space<vmem>> -> memref<1x32xf32, #tpu.memory_space<vmem>>
      %dma_start3A_127 = arith.constant 0 : i32
      %dma_start3A_128 = tpu.memref_slice %arg3[%squeeze3A_122, %dma_start3A_127] : memref<100000x32xf32, #tpu.memory_space<hbm>> -> memref<1x32xf32, #tpu.memory_space<hbm>>
      %dma_start3A_129 = arith.constant 0 : i32
      %dma_start3A_130 = tpu.memref_slice %arg15[%add3A_124, %dma_start3A_129] : memref<512x32xf32, #tpu.memory_space<vmem>> -> memref<1x32xf32, #tpu.memory_space<vmem>>
      %dma_start3A_131 = arith.constant 0 : i32
      %dma_start3A_132 = tpu.memref_slice %arg3[%squeeze3A_122, %dma_start3A_131] : memref<100000x32xf32, #tpu.memory_space<hbm>> -> memref<1x32xf32, #tpu.memory_space<hbm>>
      tpu.enqueue_dma source(%dma_start3A_132 : memref<1x32xf32, #tpu.memory_space<hbm>>) target(%dma_start3A_130 : memref<1x32xf32, #tpu.memory_space<vmem>>) target_semaphore(%arg17 : memref<!tpu.dma_semaphore, #tpu.memory_space<semaphore_mem>>)
      %slice3A_133 = vector.extract_strided_slice %get3A_51 {offsets = [7], sizes = [1], strides = [1]} : vector<16xi32> to vector<1xi32>
      %squeeze3A_134 = vector.extract %slice3A_133[0] : i32 from vector<1xi32>
      %add3A_135 = arith.constant 7 : i32
      %add3A_136 = arith.addi %add3A_49, %add3A_135 : i32
      %dma_start3A_137 = arith.constant 0 : i32
      %dma_start3A_138 = tpu.memref_slice %arg15[%add3A_136, %dma_start3A_137] : memref<512x32xf32, #tpu.memory_space<vmem>> -> memref<1x32xf32, #tpu.memory_space<vmem>>
      %dma_start3A_139 = arith.constant 0 : i32
      %dma_start3A_140 = tpu.memref_slice %arg3[%squeeze3A_134, %dma_start3A_139] : memref<100000x32xf32, #tpu.memory_space<hbm>> -> memref<1x32xf32, #tpu.memory_space<hbm>>
      %dma_start3A_141 = arith.constant 0 : i32
      %dma_start3A_142 = tpu.memref_slice %arg15[%add3A_136, %dma_start3A_141] : memref<512x32xf32, #tpu.memory_space<vmem>> -> memref<1x32xf32, #tpu.memory_space<vmem>>
      %dma_start3A_143 = arith.constant 0 : i32
      %dma_start3A_144 = tpu.memref_slice %arg3[%squeeze3A_134, %dma_start3A_143] : memref<100000x32xf32, #tpu.memory_space<hbm>> -> memref<1x32xf32, #tpu.memory_space<hbm>>
      tpu.enqueue_dma source(%dma_start3A_144 : memref<1x32xf32, #tpu.memory_space<hbm>>) target(%dma_start3A_142 : memref<1x32xf32, #tpu.memory_space<vmem>>) target_semaphore(%arg17 : memref<!tpu.dma_semaphore, #tpu.memory_space<semaphore_mem>>)
      %slice3A_145 = vector.extract_strided_slice %get3A_51 {offsets = [8], sizes = [1], strides = [1]} : vector<16xi32> to vector<1xi32>
      %squeeze3A_146 = vector.extract %slice3A_145[0] : i32 from vector<1xi32>
      %add3A_147 = arith.constant 8 : i32
      %add3A_148 = arith.addi %add3A_49, %add3A_147 : i32
      %dma_start3A_149 = arith.constant 0 : i32
      %dma_start3A_150 = tpu.memref_slice %arg15[%add3A_148, %dma_start3A_149] : memref<512x32xf32, #tpu.memory_space<vmem>> -> memref<1x32xf32, #tpu.memory_space<vmem>>
      %dma_start3A_151 = arith.constant 0 : i32
      %dma_start3A_152 = tpu.memref_slice %arg3[%squeeze3A_146, %dma_start3A_151] : memref<100000x32xf32, #tpu.memory_space<hbm>> -> memref<1x32xf32, #tpu.memory_space<hbm>>
      %dma_start3A_153 = arith.constant 0 : i32
      %dma_start3A_154 = tpu.memref_slice %arg15[%add3A_148, %dma_start3A_153] : memref<512x32xf32, #tpu.memory_space<vmem>> -> memref<1x32xf32, #tpu.memory_space<vmem>>
      %dma_start3A_155 = arith.constant 0 : i32
      %dma_start3A_156 = tpu.memref_slice %arg3[%squeeze3A_146, %dma_start3A_155] : memref<100000x32xf32, #tpu.memory_space<hbm>> -> memref<1x32xf32, #tpu.memory_space<hbm>>
      tpu.enqueue_dma source(%dma_start3A_156 : memref<1x32xf32, #tpu.memory_space<hbm>>) target(%dma_start3A_154 : memref<1x32xf32, #tpu.memory_space<vmem>>) target_semaphore(%arg17 : memref<!tpu.dma_semaphore, #tpu.memory_space<semaphore_mem>>)
      %slice3A_157 = vector.extract_strided_slice %get3A_51 {offsets = [9], sizes = [1], strides = [1]} : vector<16xi32> to vector<1xi32>
      %squeeze3A_158 = vector.extract %slice3A_157[0] : i32 from vector<1xi32>
      %add3A_159 = arith.constant 9 : i32
      %add3A_160 = arith.addi %add3A_49, %add3A_159 : i32
      %dma_start3A_161 = arith.constant 0 : i32
      %dma_start3A_162 = tpu.memref_slice %arg15[%add3A_160, %dma_start3A_161] : memref<512x32xf32, #tpu.memory_space<vmem>> -> memref<1x32xf32, #tpu.memory_space<vmem>>
      %dma_start3A_163 = arith.constant 0 : i32
      %dma_start3A_164 = tpu.memref_slice %arg3[%squeeze3A_158, %dma_start3A_163] : memref<100000x32xf32, #tpu.memory_space<hbm>> -> memref<1x32xf32, #tpu.memory_space<hbm>>
      %dma_start3A_165 = arith.constant 0 : i32
      %dma_start3A_166 = tpu.memref_slice %arg15[%add3A_160, %dma_start3A_165] : memref<512x32xf32, #tpu.memory_space<vmem>> -> memref<1x32xf32, #tpu.memory_space<vmem>>
      %dma_start3A_167 = arith.constant 0 : i32
      %dma_start3A_168 = tpu.memref_slice %arg3[%squeeze3A_158, %dma_start3A_167] : memref<100000x32xf32, #tpu.memory_space<hbm>> -> memref<1x32xf32, #tpu.memory_space<hbm>>
      tpu.enqueue_dma source(%dma_start3A_168 : memref<1x32xf32, #tpu.memory_space<hbm>>) target(%dma_start3A_166 : memref<1x32xf32, #tpu.memory_space<vmem>>) target_semaphore(%arg17 : memref<!tpu.dma_semaphore, #tpu.memory_space<semaphore_mem>>)
      %slice3A_169 = vector.extract_strided_slice %get3A_51 {offsets = [10], sizes = [1], strides = [1]} : vector<16xi32> to vector<1xi32>
      %squeeze3A_170 = vector.extract %slice3A_169[0] : i32 from vector<1xi32>
      %add3A_171 = arith.constant 10 : i32
      %add3A_172 = arith.addi %add3A_49, %add3A_171 : i32
      %dma_start3A_173 = arith.constant 0 : i32
      %dma_start3A_174 = tpu.memref_slice %arg15[%add3A_172, %dma_start3A_173] : memref<512x32xf32, #tpu.memory_space<vmem>> -> memref<1x32xf32, #tpu.memory_space<vmem>>
      %dma_start3A_175 = arith.constant 0 : i32
      %dma_start3A_176 = tpu.memref_slice %arg3[%squeeze3A_170, %dma_start3A_175] : memref<100000x32xf32, #tpu.memory_space<hbm>> -> memref<1x32xf32, #tpu.memory_space<hbm>>
      %dma_start3A_177 = arith.constant 0 : i32
      %dma_start3A_178 = tpu.memref_slice %arg15[%add3A_172, %dma_start3A_177] : memref<512x32xf32, #tpu.memory_space<vmem>> -> memref<1x32xf32, #tpu.memory_space<vmem>>
      %dma_start3A_179 = arith.constant 0 : i32
      %dma_start3A_180 = tpu.memref_slice %arg3[%squeeze3A_170, %dma_start3A_179] : memref<100000x32xf32, #tpu.memory_space<hbm>> -> memref<1x32xf32, #tpu.memory_space<hbm>>
      tpu.enqueue_dma source(%dma_start3A_180 : memref<1x32xf32, #tpu.memory_space<hbm>>) target(%dma_start3A_178 : memref<1x32xf32, #tpu.memory_space<vmem>>) target_semaphore(%arg17 : memref<!tpu.dma_semaphore, #tpu.memory_space<semaphore_mem>>)
      %slice3A_181 = vector.extract_strided_slice %get3A_51 {offsets = [11], sizes = [1], strides = [1]} : vector<16xi32> to vector<1xi32>
      %squeeze3A_182 = vector.extract %slice3A_181[0] : i32 from vector<1xi32>
      %add3A_183 = arith.constant 11 : i32
      %add3A_184 = arith.addi %add3A_49, %add3A_183 : i32
      %dma_start3A_185 = arith.constant 0 : i32
      %dma_start3A_186 = tpu.memref_slice %arg15[%add3A_184, %dma_start3A_185] : memref<512x32xf32, #tpu.memory_space<vmem>> -> memref<1x32xf32, #tpu.memory_space<vmem>>
      %dma_start3A_187 = arith.constant 0 : i32
      %dma_start3A_188 = tpu.memref_slice %arg3[%squeeze3A_182, %dma_start3A_187] : memref<100000x32xf32, #tpu.memory_space<hbm>> -> memref<1x32xf32, #tpu.memory_space<hbm>>
      %dma_start3A_189 = arith.constant 0 : i32
      %dma_start3A_190 = tpu.memref_slice %arg15[%add3A_184, %dma_start3A_189] : memref<512x32xf32, #tpu.memory_space<vmem>> -> memref<1x32xf32, #tpu.memory_space<vmem>>
      %dma_start3A_191 = arith.constant 0 : i32
      %dma_start3A_192 = tpu.memref_slice %arg3[%squeeze3A_182, %dma_start3A_191] : memref<100000x32xf32, #tpu.memory_space<hbm>> -> memref<1x32xf32, #tpu.memory_space<hbm>>
      tpu.enqueue_dma source(%dma_start3A_192 : memref<1x32xf32, #tpu.memory_space<hbm>>) target(%dma_start3A_190 : memref<1x32xf32, #tpu.memory_space<vmem>>) target_semaphore(%arg17 : memref<!tpu.dma_semaphore, #tpu.memory_space<semaphore_mem>>)
      %slice3A_193 = vector.extract_strided_slice %get3A_51 {offsets = [12], sizes = [1], strides = [1]} : vector<16xi32> to vector<1xi32>
      %squeeze3A_194 = vector.extract %slice3A_193[0] : i32 from vector<1xi32>
      %add3A_195 = arith.constant 12 : i32
      %add3A_196 = arith.addi %add3A_49, %add3A_195 : i32
      %dma_start3A_197 = arith.constant 0 : i32
      %dma_start3A_198 = tpu.memref_slice %arg15[%add3A_196, %dma_start3A_197] : memref<512x32xf32, #tpu.memory_space<vmem>> -> memref<1x32xf32, #tpu.memory_space<vmem>>
      %dma_start3A_199 = arith.constant 0 : i32
      %dma_start3A_200 = tpu.memref_slice %arg3[%squeeze3A_194, %dma_start3A_199] : memref<100000x32xf32, #tpu.memory_space<hbm>> -> memref<1x32xf32, #tpu.memory_space<hbm>>
      %dma_start3A_201 = arith.constant 0 : i32
      %dma_start3A_202 = tpu.memref_slice %arg15[%add3A_196, %dma_start3A_201] : memref<512x32xf32, #tpu.memory_space<vmem>> -> memref<1x32xf32, #tpu.memory_space<vmem>>
      %dma_start3A_203 = arith.constant 0 : i32
      %dma_start3A_204 = tpu.memref_slice %arg3[%squeeze3A_194, %dma_start3A_203] : memref<100000x32xf32, #tpu.memory_space<hbm>> -> memref<1x32xf32, #tpu.memory_space<hbm>>
      tpu.enqueue_dma source(%dma_start3A_204 : memref<1x32xf32, #tpu.memory_space<hbm>>) target(%dma_start3A_202 : memref<1x32xf32, #tpu.memory_space<vmem>>) target_semaphore(%arg17 : memref<!tpu.dma_semaphore, #tpu.memory_space<semaphore_mem>>)
      %slice3A_205 = vector.extract_strided_slice %get3A_51 {offsets = [13], sizes = [1], strides = [1]} : vector<16xi32> to vector<1xi32>
      %squeeze3A_206 = vector.extract %slice3A_205[0] : i32 from vector<1xi32>
      %add3A_207 = arith.constant 13 : i32
      %add3A_208 = arith.addi %add3A_49, %add3A_207 : i32
      %dma_start3A_209 = arith.constant 0 : i32
      %dma_start3A_210 = tpu.memref_slice %arg15[%add3A_208, %dma_start3A_209] : memref<512x32xf32, #tpu.memory_space<vmem>> -> memref<1x32xf32, #tpu.memory_space<vmem>>
      %dma_start3A_211 = arith.constant 0 : i32
      %dma_start3A_212 = tpu.memref_slice %arg3[%squeeze3A_206, %dma_start3A_211] : memref<100000x32xf32, #tpu.memory_space<hbm>> -> memref<1x32xf32, #tpu.memory_space<hbm>>
      %dma_start3A_213 = arith.constant 0 : i32
      %dma_start3A_214 = tpu.memref_slice %arg15[%add3A_208, %dma_start3A_213] : memref<512x32xf32, #tpu.memory_space<vmem>> -> memref<1x32xf32, #tpu.memory_space<vmem>>
      %dma_start3A_215 = arith.constant 0 : i32
      %dma_start3A_216 = tpu.memref_slice %arg3[%squeeze3A_206, %dma_start3A_215] : memref<100000x32xf32, #tpu.memory_space<hbm>> -> memref<1x32xf32, #tpu.memory_space<hbm>>
      tpu.enqueue_dma source(%dma_start3A_216 : memref<1x32xf32, #tpu.memory_space<hbm>>) target(%dma_start3A_214 : memref<1x32xf32, #tpu.memory_space<vmem>>) target_semaphore(%arg17 : memref<!tpu.dma_semaphore, #tpu.memory_space<semaphore_mem>>)
      %slice3A_217 = vector.extract_strided_slice %get3A_51 {offsets = [14], sizes = [1], strides = [1]} : vector<16xi32> to vector<1xi32>
      %squeeze3A_218 = vector.extract %slice3A_217[0] : i32 from vector<1xi32>
      %add3A_219 = arith.constant 14 : i32
      %add3A_220 = arith.addi %add3A_49, %add3A_219 : i32
      %dma_start3A_221 = arith.constant 0 : i32
      %dma_start3A_222 = tpu.memref_slice %arg15[%add3A_220, %dma_start3A_221] : memref<512x32xf32, #tpu.memory_space<vmem>> -> memref<1x32xf32, #tpu.memory_space<vmem>>
      %dma_start3A_223 = arith.constant 0 : i32
      %dma_start3A_224 = tpu.memref_slice %arg3[%squeeze3A_218, %dma_start3A_223] : memref<100000x32xf32, #tpu.memory_space<hbm>> -> memref<1x32xf32, #tpu.memory_space<hbm>>
      %dma_start3A_225 = arith.constant 0 : i32
      %dma_start3A_226 = tpu.memref_slice %arg15[%add3A_220, %dma_start3A_225] : memref<512x32xf32, #tpu.memory_space<vmem>> -> memref<1x32xf32, #tpu.memory_space<vmem>>
      %dma_start3A_227 = arith.constant 0 : i32
      %dma_start3A_228 = tpu.memref_slice %arg3[%squeeze3A_218, %dma_start3A_227] : memref<100000x32xf32, #tpu.memory_space<hbm>> -> memref<1x32xf32, #tpu.memory_space<hbm>>
      tpu.enqueue_dma source(%dma_start3A_228 : memref<1x32xf32, #tpu.memory_space<hbm>>) target(%dma_start3A_226 : memref<1x32xf32, #tpu.memory_space<vmem>>) target_semaphore(%arg17 : memref<!tpu.dma_semaphore, #tpu.memory_space<semaphore_mem>>)
      %slice3A_229 = vector.extract_strided_slice %get3A_51 {offsets = [15], sizes = [1], strides = [1]} : vector<16xi32> to vector<1xi32>
      %squeeze3A_230 = vector.extract %slice3A_229[0] : i32 from vector<1xi32>
      %add3A_231 = arith.constant 15 : i32
      %add3A_232 = arith.addi %add3A_49, %add3A_231 : i32
      %dma_start3A_233 = arith.constant 0 : i32
      %dma_start3A_234 = tpu.memref_slice %arg15[%add3A_232, %dma_start3A_233] : memref<512x32xf32, #tpu.memory_space<vmem>> -> memref<1x32xf32, #tpu.memory_space<vmem>>
      %dma_start3A_235 = arith.constant 0 : i32
      %dma_start3A_236 = tpu.memref_slice %arg3[%squeeze3A_230, %dma_start3A_235] : memref<100000x32xf32, #tpu.memory_space<hbm>> -> memref<1x32xf32, #tpu.memory_space<hbm>>
      %dma_start3A_237 = arith.constant 0 : i32
      %dma_start3A_238 = tpu.memref_slice %arg15[%add3A_232, %dma_start3A_237] : memref<512x32xf32, #tpu.memory_space<vmem>> -> memref<1x32xf32, #tpu.memory_space<vmem>>
      %dma_start3A_239 = arith.constant 0 : i32
      %dma_start3A_240 = tpu.memref_slice %arg3[%squeeze3A_230, %dma_start3A_239] : memref<100000x32xf32, #tpu.memory_space<hbm>> -> memref<1x32xf32, #tpu.memory_space<hbm>>
      tpu.enqueue_dma source(%dma_start3A_240 : memref<1x32xf32, #tpu.memory_space<hbm>>) target(%dma_start3A_238 : memref<1x32xf32, #tpu.memory_space<vmem>>) target_semaphore(%arg17 : memref<!tpu.dma_semaphore, #tpu.memory_space<semaphore_mem>>)
    }
    %scan3A_16 = arith.constant 32 : i32
    %dma_wait3A_17 = arith.constant 0 : i32
    %dma_wait3A_18 = arith.constant 0 : i32
    %dma_wait3A_19 = tpu.memref_slice %arg3[%dma_wait3A_17, %dma_wait3A_18] : memref<100000x32xf32, #tpu.memory_space<hbm>> -> memref<512x32xf32, #tpu.memory_space<hbm>>
    %dma_wait3A_20 = arith.constant 0 : i32
    %dma_wait3A_21 = arith.constant 0 : i32
    %dma_wait3A_22 = tpu.memref_slice %arg3[%dma_wait3A_20, %dma_wait3A_21] : memref<100000x32xf32, #tpu.memory_space<hbm>> -> memref<512x32xf32, #tpu.memory_space<hbm>>
    tpu.wait_dma2 semaphore(%arg17 : memref<!tpu.dma_semaphore, #tpu.memory_space<semaphore_mem>>) src(%dma_wait3A_22 : memref<512x32xf32, #tpu.memory_space<hbm>>) dst(%arg15 : memref<512x32xf32, #tpu.memory_space<vmem>>)
    "tpu.region"() ({
      %run_scoped3A = tpu.sem_alloc : memref<!tpu.dma_semaphore, #tpu.memory_space<semaphore_mem>>
      %dma_start3A = arith.constant 0 : i32
      %dma_start3A_45 = tpu.memref_slice %arg11[%mul3A_2, %dma_start3A] : memref<16384x32xf32, #tpu.memory_space<hbm>> -> memref<512x32xf32, #tpu.memory_space<hbm>>
      %dma_start3A_46 = arith.constant 0 : i32
      %dma_start3A_47 = tpu.memref_slice %arg11[%mul3A_2, %dma_start3A_46] : memref<16384x32xf32, #tpu.memory_space<hbm>> -> memref<512x32xf32, #tpu.memory_space<hbm>>
      tpu.enqueue_dma source(%arg15 : memref<512x32xf32, #tpu.memory_space<vmem>>) target(%dma_start3A_47 : memref<512x32xf32, #tpu.memory_space<hbm>>) target_semaphore(%run_scoped3A : memref<!tpu.dma_semaphore, #tpu.memory_space<semaphore_mem>>)
      %dma_wait3A_48 = arith.constant 0 : i32
      %dma_wait3A_49 = tpu.memref_slice %arg11[%mul3A_2, %dma_wait3A_48] : memref<16384x32xf32, #tpu.memory_space<hbm>> -> memref<512x32xf32, #tpu.memory_space<hbm>>
      %dma_wait3A_50 = arith.constant 0 : i32
      %dma_wait3A_51 = tpu.memref_slice %arg11[%mul3A_2, %dma_wait3A_50] : memref<16384x32xf32, #tpu.memory_space<hbm>> -> memref<512x32xf32, #tpu.memory_space<hbm>>
      tpu.wait_dma2 semaphore(%run_scoped3A : memref<!tpu.dma_semaphore, #tpu.memory_space<semaphore_mem>>) src(%arg15 : memref<512x32xf32, #tpu.memory_space<vmem>>) dst(%dma_wait3A_51 : memref<512x32xf32, #tpu.memory_space<hbm>>)
      tpu.yield
    }) : () -> ()
    "tpu.region"() ({
      %run_scoped3A = tpu.sem_alloc : memref<!tpu.dma_semaphore, #tpu.memory_space<semaphore_mem>>
      %dma_start3A = tpu.memref_slice %arg8[%mul3A_2] : memref<16384xi32, #tpu.memory_space<hbm>> -> memref<512xi32, #tpu.memory_space<hbm>>
      %dma_start3A_45 = tpu.memref_slice %arg8[%mul3A_2] : memref<16384xi32, #tpu.memory_space<hbm>> -> memref<512xi32, #tpu.memory_space<hbm>>
      tpu.enqueue_dma source(%dma_start3A_45 : memref<512xi32, #tpu.memory_space<hbm>>) target(%arg14 : memref<512xi32, #tpu.memory_space<vmem>>) target_semaphore(%run_scoped3A : memref<!tpu.dma_semaphore, #tpu.memory_space<semaphore_mem>>)
      %dma_wait3A_46 = tpu.memref_slice %arg8[%mul3A_2] : memref<16384xi32, #tpu.memory_space<hbm>> -> memref<512xi32, #tpu.memory_space<hbm>>
      %dma_wait3A_47 = tpu.memref_slice %arg8[%mul3A_2] : memref<16384xi32, #tpu.memory_space<hbm>> -> memref<512xi32, #tpu.memory_space<hbm>>
      tpu.wait_dma2 semaphore(%run_scoped3A : memref<!tpu.dma_semaphore, #tpu.memory_space<semaphore_mem>>) src(%dma_wait3A_47 : memref<512xi32, #tpu.memory_space<hbm>>) dst(%arg14 : memref<512xi32, #tpu.memory_space<vmem>>)
      tpu.yield
    }) : () -> ()
    %scan3A_23 = arith.constant 0 : i32
    %scan3A_24 = arith.constant 32 : i32
    %scan3A_25 = arith.addi %scan3A_23, %scan3A_24 : i32
    %scan3A_26 = arith.constant 1 : i32
    scf.for %scan3A_45 = %scan3A_23 to %scan3A_25 step %scan3A_26  : i32 {
      %mul3A_46 = arith.constant 16 : i32
      %mul3A_47 = arith.muli %scan3A_45, %mul3A_46 : i32
      %add3A_48 = arith.constant 0 : i32
      %add3A_49 = arith.addi %add3A_48, %mul3A_47 : i32
      %get3A = arith.index_cast %add3A_49 : i32 to index
      %get3A_50 = tpu.vector_load %arg14[%get3A] {strides = array<i32>} : memref<512xi32, #tpu.memory_space<vmem>>, vector<16xi32>,
      %get3A_51 = vector.shape_cast %get3A_50 : vector<16xi32> to vector<16xi32>
      %slice3A = vector.extract_strided_slice %get3A_51 {offsets = [0], sizes = [1], strides = [1]} : vector<16xi32> to vector<1xi32>
      %squeeze3A = vector.extract %slice3A[0] : i32 from vector<1xi32>
      %add3A_52 = arith.constant 0 : i32
      %add3A_53 = arith.addi %add3A_49, %add3A_52 : i32
      %dma_start3A = arith.constant 0 : i32
      %dma_start3A_54 = tpu.memref_slice %arg15[%add3A_53, %dma_start3A] : memref<512x32xf32, #tpu.memory_space<vmem>> -> memref<1x32xf32, #tpu.memory_space<vmem>>
      %dma_start3A_55 = arith.constant 0 : i32
      %dma_start3A_56 = tpu.memref_slice %arg4[%squeeze3A, %dma_start3A_55] : memref<100000x32xf32, #tpu.memory_space<hbm>> -> memref<1x32xf32, #tpu.memory_space<hbm>>
      %dma_start3A_57 = arith.constant 0 : i32
      %dma_start3A_58 = tpu.memref_slice %arg15[%add3A_53, %dma_start3A_57] : memref<512x32xf32, #tpu.memory_space<vmem>> -> memref<1x32xf32, #tpu.memory_space<vmem>>
      %dma_start3A_59 = arith.constant 0 : i32
      %dma_start3A_60 = tpu.memref_slice %arg4[%squeeze3A, %dma_start3A_59] : memref<100000x32xf32, #tpu.memory_space<hbm>> -> memref<1x32xf32, #tpu.memory_space<hbm>>
      tpu.enqueue_dma source(%dma_start3A_60 : memref<1x32xf32, #tpu.memory_space<hbm>>) target(%dma_start3A_58 : memref<1x32xf32, #tpu.memory_space<vmem>>) target_semaphore(%arg17 : memref<!tpu.dma_semaphore, #tpu.memory_space<semaphore_mem>>)
      %slice3A_61 = vector.extract_strided_slice %get3A_51 {offsets = [1], sizes = [1], strides = [1]} : vector<16xi32> to vector<1xi32>
      %squeeze3A_62 = vector.extract %slice3A_61[0] : i32 from vector<1xi32>
      %add3A_63 = arith.constant 1 : i32
      %add3A_64 = arith.addi %add3A_49, %add3A_63 : i32
      %dma_start3A_65 = arith.constant 0 : i32
      %dma_start3A_66 = tpu.memref_slice %arg15[%add3A_64, %dma_start3A_65] : memref<512x32xf32, #tpu.memory_space<vmem>> -> memref<1x32xf32, #tpu.memory_space<vmem>>
      %dma_start3A_67 = arith.constant 0 : i32
      %dma_start3A_68 = tpu.memref_slice %arg4[%squeeze3A_62, %dma_start3A_67] : memref<100000x32xf32, #tpu.memory_space<hbm>> -> memref<1x32xf32, #tpu.memory_space<hbm>>
      %dma_start3A_69 = arith.constant 0 : i32
      %dma_start3A_70 = tpu.memref_slice %arg15[%add3A_64, %dma_start3A_69] : memref<512x32xf32, #tpu.memory_space<vmem>> -> memref<1x32xf32, #tpu.memory_space<vmem>>
      %dma_start3A_71 = arith.constant 0 : i32
      %dma_start3A_72 = tpu.memref_slice %arg4[%squeeze3A_62, %dma_start3A_71] : memref<100000x32xf32, #tpu.memory_space<hbm>> -> memref<1x32xf32, #tpu.memory_space<hbm>>
      tpu.enqueue_dma source(%dma_start3A_72 : memref<1x32xf32, #tpu.memory_space<hbm>>) target(%dma_start3A_70 : memref<1x32xf32, #tpu.memory_space<vmem>>) target_semaphore(%arg17 : memref<!tpu.dma_semaphore, #tpu.memory_space<semaphore_mem>>)
      %slice3A_73 = vector.extract_strided_slice %get3A_51 {offsets = [2], sizes = [1], strides = [1]} : vector<16xi32> to vector<1xi32>
      %squeeze3A_74 = vector.extract %slice3A_73[0] : i32 from vector<1xi32>
      %add3A_75 = arith.constant 2 : i32
      %add3A_76 = arith.addi %add3A_49, %add3A_75 : i32
      %dma_start3A_77 = arith.constant 0 : i32
      %dma_start3A_78 = tpu.memref_slice %arg15[%add3A_76, %dma_start3A_77] : memref<512x32xf32, #tpu.memory_space<vmem>> -> memref<1x32xf32, #tpu.memory_space<vmem>>
      %dma_start3A_79 = arith.constant 0 : i32
      %dma_start3A_80 = tpu.memref_slice %arg4[%squeeze3A_74, %dma_start3A_79] : memref<100000x32xf32, #tpu.memory_space<hbm>> -> memref<1x32xf32, #tpu.memory_space<hbm>>
      %dma_start3A_81 = arith.constant 0 : i32
      %dma_start3A_82 = tpu.memref_slice %arg15[%add3A_76, %dma_start3A_81] : memref<512x32xf32, #tpu.memory_space<vmem>> -> memref<1x32xf32, #tpu.memory_space<vmem>>
      %dma_start3A_83 = arith.constant 0 : i32
      %dma_start3A_84 = tpu.memref_slice %arg4[%squeeze3A_74, %dma_start3A_83] : memref<100000x32xf32, #tpu.memory_space<hbm>> -> memref<1x32xf32, #tpu.memory_space<hbm>>
      tpu.enqueue_dma source(%dma_start3A_84 : memref<1x32xf32, #tpu.memory_space<hbm>>) target(%dma_start3A_82 : memref<1x32xf32, #tpu.memory_space<vmem>>) target_semaphore(%arg17 : memref<!tpu.dma_semaphore, #tpu.memory_space<semaphore_mem>>)
      %slice3A_85 = vector.extract_strided_slice %get3A_51 {offsets = [3], sizes = [1], strides = [1]} : vector<16xi32> to vector<1xi32>
      %squeeze3A_86 = vector.extract %slice3A_85[0] : i32 from vector<1xi32>
      %add3A_87 = arith.constant 3 : i32
      %add3A_88 = arith.addi %add3A_49, %add3A_87 : i32
      %dma_start3A_89 = arith.constant 0 : i32
      %dma_start3A_90 = tpu.memref_slice %arg15[%add3A_88, %dma_start3A_89] : memref<512x32xf32, #tpu.memory_space<vmem>> -> memref<1x32xf32, #tpu.memory_space<vmem>>
      %dma_start3A_91 = arith.constant 0 : i32
      %dma_start3A_92 = tpu.memref_slice %arg4[%squeeze3A_86, %dma_start3A_91] : memref<100000x32xf32, #tpu.memory_space<hbm>> -> memref<1x32xf32, #tpu.memory_space<hbm>>
      %dma_start3A_93 = arith.constant 0 : i32
      %dma_start3A_94 = tpu.memref_slice %arg15[%add3A_88, %dma_start3A_93] : memref<512x32xf32, #tpu.memory_space<vmem>> -> memref<1x32xf32, #tpu.memory_space<vmem>>
      %dma_start3A_95 = arith.constant 0 : i32
      %dma_start3A_96 = tpu.memref_slice %arg4[%squeeze3A_86, %dma_start3A_95] : memref<100000x32xf32, #tpu.memory_space<hbm>> -> memref<1x32xf32, #tpu.memory_space<hbm>>
      tpu.enqueue_dma source(%dma_start3A_96 : memref<1x32xf32, #tpu.memory_space<hbm>>) target(%dma_start3A_94 : memref<1x32xf32, #tpu.memory_space<vmem>>) target_semaphore(%arg17 : memref<!tpu.dma_semaphore, #tpu.memory_space<semaphore_mem>>)
      %slice3A_97 = vector.extract_strided_slice %get3A_51 {offsets = [4], sizes = [1], strides = [1]} : vector<16xi32> to vector<1xi32>
      %squeeze3A_98 = vector.extract %slice3A_97[0] : i32 from vector<1xi32>
      %add3A_99 = arith.constant 4 : i32
      %add3A_100 = arith.addi %add3A_49, %add3A_99 : i32
      %dma_start3A_101 = arith.constant 0 : i32
      %dma_start3A_102 = tpu.memref_slice %arg15[%add3A_100, %dma_start3A_101] : memref<512x32xf32, #tpu.memory_space<vmem>> -> memref<1x32xf32, #tpu.memory_space<vmem>>
      %dma_start3A_103 = arith.constant 0 : i32
      %dma_start3A_104 = tpu.memref_slice %arg4[%squeeze3A_98, %dma_start3A_103] : memref<100000x32xf32, #tpu.memory_space<hbm>> -> memref<1x32xf32, #tpu.memory_space<hbm>>
      %dma_start3A_105 = arith.constant 0 : i32
      %dma_start3A_106 = tpu.memref_slice %arg15[%add3A_100, %dma_start3A_105] : memref<512x32xf32, #tpu.memory_space<vmem>> -> memref<1x32xf32, #tpu.memory_space<vmem>>
      %dma_start3A_107 = arith.constant 0 : i32
      %dma_start3A_108 = tpu.memref_slice %arg4[%squeeze3A_98, %dma_start3A_107] : memref<100000x32xf32, #tpu.memory_space<hbm>> -> memref<1x32xf32, #tpu.memory_space<hbm>>
      tpu.enqueue_dma source(%dma_start3A_108 : memref<1x32xf32, #tpu.memory_space<hbm>>) target(%dma_start3A_106 : memref<1x32xf32, #tpu.memory_space<vmem>>) target_semaphore(%arg17 : memref<!tpu.dma_semaphore, #tpu.memory_space<semaphore_mem>>)
      %slice3A_109 = vector.extract_strided_slice %get3A_51 {offsets = [5], sizes = [1], strides = [1]} : vector<16xi32> to vector<1xi32>
      %squeeze3A_110 = vector.extract %slice3A_109[0] : i32 from vector<1xi32>
      %add3A_111 = arith.constant 5 : i32
      %add3A_112 = arith.addi %add3A_49, %add3A_111 : i32
      %dma_start3A_113 = arith.constant 0 : i32
      %dma_start3A_114 = tpu.memref_slice %arg15[%add3A_112, %dma_start3A_113] : memref<512x32xf32, #tpu.memory_space<vmem>> -> memref<1x32xf32, #tpu.memory_space<vmem>>
      %dma_start3A_115 = arith.constant 0 : i32
      %dma_start3A_116 = tpu.memref_slice %arg4[%squeeze3A_110, %dma_start3A_115] : memref<100000x32xf32, #tpu.memory_space<hbm>> -> memref<1x32xf32, #tpu.memory_space<hbm>>
      %dma_start3A_117 = arith.constant 0 : i32
      %dma_start3A_118 = tpu.memref_slice %arg15[%add3A_112, %dma_start3A_117] : memref<512x32xf32, #tpu.memory_space<vmem>> -> memref<1x32xf32, #tpu.memory_space<vmem>>
      %dma_start3A_119 = arith.constant 0 : i32
      %dma_start3A_120 = tpu.memref_slice %arg4[%squeeze3A_110, %dma_start3A_119] : memref<100000x32xf32, #tpu.memory_space<hbm>> -> memref<1x32xf32, #tpu.memory_space<hbm>>
      tpu.enqueue_dma source(%dma_start3A_120 : memref<1x32xf32, #tpu.memory_space<hbm>>) target(%dma_start3A_118 : memref<1x32xf32, #tpu.memory_space<vmem>>) target_semaphore(%arg17 : memref<!tpu.dma_semaphore, #tpu.memory_space<semaphore_mem>>)
      %slice3A_121 = vector.extract_strided_slice %get3A_51 {offsets = [6], sizes = [1], strides = [1]} : vector<16xi32> to vector<1xi32>
      %squeeze3A_122 = vector.extract %slice3A_121[0] : i32 from vector<1xi32>
      %add3A_123 = arith.constant 6 : i32
      %add3A_124 = arith.addi %add3A_49, %add3A_123 : i32
      %dma_start3A_125 = arith.constant 0 : i32
      %dma_start3A_126 = tpu.memref_slice %arg15[%add3A_124, %dma_start3A_125] : memref<512x32xf32, #tpu.memory_space<vmem>> -> memref<1x32xf32, #tpu.memory_space<vmem>>
      %dma_start3A_127 = arith.constant 0 : i32
      %dma_start3A_128 = tpu.memref_slice %arg4[%squeeze3A_122, %dma_start3A_127] : memref<100000x32xf32, #tpu.memory_space<hbm>> -> memref<1x32xf32, #tpu.memory_space<hbm>>
      %dma_start3A_129 = arith.constant 0 : i32
      %dma_start3A_130 = tpu.memref_slice %arg15[%add3A_124, %dma_start3A_129] : memref<512x32xf32, #tpu.memory_space<vmem>> -> memref<1x32xf32, #tpu.memory_space<vmem>>
      %dma_start3A_131 = arith.constant 0 : i32
      %dma_start3A_132 = tpu.memref_slice %arg4[%squeeze3A_122, %dma_start3A_131] : memref<100000x32xf32, #tpu.memory_space<hbm>> -> memref<1x32xf32, #tpu.memory_space<hbm>>
      tpu.enqueue_dma source(%dma_start3A_132 : memref<1x32xf32, #tpu.memory_space<hbm>>) target(%dma_start3A_130 : memref<1x32xf32, #tpu.memory_space<vmem>>) target_semaphore(%arg17 : memref<!tpu.dma_semaphore, #tpu.memory_space<semaphore_mem>>)
      %slice3A_133 = vector.extract_strided_slice %get3A_51 {offsets = [7], sizes = [1], strides = [1]} : vector<16xi32> to vector<1xi32>
      %squeeze3A_134 = vector.extract %slice3A_133[0] : i32 from vector<1xi32>
      %add3A_135 = arith.constant 7 : i32
      %add3A_136 = arith.addi %add3A_49, %add3A_135 : i32
      %dma_start3A_137 = arith.constant 0 : i32
      %dma_start3A_138 = tpu.memref_slice %arg15[%add3A_136, %dma_start3A_137] : memref<512x32xf32, #tpu.memory_space<vmem>> -> memref<1x32xf32, #tpu.memory_space<vmem>>
      %dma_start3A_139 = arith.constant 0 : i32
      %dma_start3A_140 = tpu.memref_slice %arg4[%squeeze3A_134, %dma_start3A_139] : memref<100000x32xf32, #tpu.memory_space<hbm>> -> memref<1x32xf32, #tpu.memory_space<hbm>>
      %dma_start3A_141 = arith.constant 0 : i32
      %dma_start3A_142 = tpu.memref_slice %arg15[%add3A_136, %dma_start3A_141] : memref<512x32xf32, #tpu.memory_space<vmem>> -> memref<1x32xf32, #tpu.memory_space<vmem>>
      %dma_start3A_143 = arith.constant 0 : i32
      %dma_start3A_144 = tpu.memref_slice %arg4[%squeeze3A_134, %dma_start3A_143] : memref<100000x32xf32, #tpu.memory_space<hbm>> -> memref<1x32xf32, #tpu.memory_space<hbm>>
      tpu.enqueue_dma source(%dma_start3A_144 : memref<1x32xf32, #tpu.memory_space<hbm>>) target(%dma_start3A_142 : memref<1x32xf32, #tpu.memory_space<vmem>>) target_semaphore(%arg17 : memref<!tpu.dma_semaphore, #tpu.memory_space<semaphore_mem>>)
      %slice3A_145 = vector.extract_strided_slice %get3A_51 {offsets = [8], sizes = [1], strides = [1]} : vector<16xi32> to vector<1xi32>
      %squeeze3A_146 = vector.extract %slice3A_145[0] : i32 from vector<1xi32>
      %add3A_147 = arith.constant 8 : i32
      %add3A_148 = arith.addi %add3A_49, %add3A_147 : i32
      %dma_start3A_149 = arith.constant 0 : i32
      %dma_start3A_150 = tpu.memref_slice %arg15[%add3A_148, %dma_start3A_149] : memref<512x32xf32, #tpu.memory_space<vmem>> -> memref<1x32xf32, #tpu.memory_space<vmem>>
      %dma_start3A_151 = arith.constant 0 : i32
      %dma_start3A_152 = tpu.memref_slice %arg4[%squeeze3A_146, %dma_start3A_151] : memref<100000x32xf32, #tpu.memory_space<hbm>> -> memref<1x32xf32, #tpu.memory_space<hbm>>
      %dma_start3A_153 = arith.constant 0 : i32
      %dma_start3A_154 = tpu.memref_slice %arg15[%add3A_148, %dma_start3A_153] : memref<512x32xf32, #tpu.memory_space<vmem>> -> memref<1x32xf32, #tpu.memory_space<vmem>>
      %dma_start3A_155 = arith.constant 0 : i32
      %dma_start3A_156 = tpu.memref_slice %arg4[%squeeze3A_146, %dma_start3A_155] : memref<100000x32xf32, #tpu.memory_space<hbm>> -> memref<1x32xf32, #tpu.memory_space<hbm>>
      tpu.enqueue_dma source(%dma_start3A_156 : memref<1x32xf32, #tpu.memory_space<hbm>>) target(%dma_start3A_154 : memref<1x32xf32, #tpu.memory_space<vmem>>) target_semaphore(%arg17 : memref<!tpu.dma_semaphore, #tpu.memory_space<semaphore_mem>>)
      %slice3A_157 = vector.extract_strided_slice %get3A_51 {offsets = [9], sizes = [1], strides = [1]} : vector<16xi32> to vector<1xi32>
      %squeeze3A_158 = vector.extract %slice3A_157[0] : i32 from vector<1xi32>
      %add3A_159 = arith.constant 9 : i32
      %add3A_160 = arith.addi %add3A_49, %add3A_159 : i32
      %dma_start3A_161 = arith.constant 0 : i32
      %dma_start3A_162 = tpu.memref_slice %arg15[%add3A_160, %dma_start3A_161] : memref<512x32xf32, #tpu.memory_space<vmem>> -> memref<1x32xf32, #tpu.memory_space<vmem>>
      %dma_start3A_163 = arith.constant 0 : i32
      %dma_start3A_164 = tpu.memref_slice %arg4[%squeeze3A_158, %dma_start3A_163] : memref<100000x32xf32, #tpu.memory_space<hbm>> -> memref<1x32xf32, #tpu.memory_space<hbm>>
      %dma_start3A_165 = arith.constant 0 : i32
      %dma_start3A_166 = tpu.memref_slice %arg15[%add3A_160, %dma_start3A_165] : memref<512x32xf32, #tpu.memory_space<vmem>> -> memref<1x32xf32, #tpu.memory_space<vmem>>
      %dma_start3A_167 = arith.constant 0 : i32
      %dma_start3A_168 = tpu.memref_slice %arg4[%squeeze3A_158, %dma_start3A_167] : memref<100000x32xf32, #tpu.memory_space<hbm>> -> memref<1x32xf32, #tpu.memory_space<hbm>>
      tpu.enqueue_dma source(%dma_start3A_168 : memref<1x32xf32, #tpu.memory_space<hbm>>) target(%dma_start3A_166 : memref<1x32xf32, #tpu.memory_space<vmem>>) target_semaphore(%arg17 : memref<!tpu.dma_semaphore, #tpu.memory_space<semaphore_mem>>)
      %slice3A_169 = vector.extract_strided_slice %get3A_51 {offsets = [10], sizes = [1], strides = [1]} : vector<16xi32> to vector<1xi32>
      %squeeze3A_170 = vector.extract %slice3A_169[0] : i32 from vector<1xi32>
      %add3A_171 = arith.constant 10 : i32
      %add3A_172 = arith.addi %add3A_49, %add3A_171 : i32
      %dma_start3A_173 = arith.constant 0 : i32
      %dma_start3A_174 = tpu.memref_slice %arg15[%add3A_172, %dma_start3A_173] : memref<512x32xf32, #tpu.memory_space<vmem>> -> memref<1x32xf32, #tpu.memory_space<vmem>>
      %dma_start3A_175 = arith.constant 0 : i32
      %dma_start3A_176 = tpu.memref_slice %arg4[%squeeze3A_170, %dma_start3A_175] : memref<100000x32xf32, #tpu.memory_space<hbm>> -> memref<1x32xf32, #tpu.memory_space<hbm>>
      %dma_start3A_177 = arith.constant 0 : i32
      %dma_start3A_178 = tpu.memref_slice %arg15[%add3A_172, %dma_start3A_177] : memref<512x32xf32, #tpu.memory_space<vmem>> -> memref<1x32xf32, #tpu.memory_space<vmem>>
      %dma_start3A_179 = arith.constant 0 : i32
      %dma_start3A_180 = tpu.memref_slice %arg4[%squeeze3A_170, %dma_start3A_179] : memref<100000x32xf32, #tpu.memory_space<hbm>> -> memref<1x32xf32, #tpu.memory_space<hbm>>
      tpu.enqueue_dma source(%dma_start3A_180 : memref<1x32xf32, #tpu.memory_space<hbm>>) target(%dma_start3A_178 : memref<1x32xf32, #tpu.memory_space<vmem>>) target_semaphore(%arg17 : memref<!tpu.dma_semaphore, #tpu.memory_space<semaphore_mem>>)
      %slice3A_181 = vector.extract_strided_slice %get3A_51 {offsets = [11], sizes = [1], strides = [1]} : vector<16xi32> to vector<1xi32>
      %squeeze3A_182 = vector.extract %slice3A_181[0] : i32 from vector<1xi32>
      %add3A_183 = arith.constant 11 : i32
      %add3A_184 = arith.addi %add3A_49, %add3A_183 : i32
      %dma_start3A_185 = arith.constant 0 : i32
      %dma_start3A_186 = tpu.memref_slice %arg15[%add3A_184, %dma_start3A_185] : memref<512x32xf32, #tpu.memory_space<vmem>> -> memref<1x32xf32, #tpu.memory_space<vmem>>
      %dma_start3A_187 = arith.constant 0 : i32
      %dma_start3A_188 = tpu.memref_slice %arg4[%squeeze3A_182, %dma_start3A_187] : memref<100000x32xf32, #tpu.memory_space<hbm>> -> memref<1x32xf32, #tpu.memory_space<hbm>>
      %dma_start3A_189 = arith.constant 0 : i32
      %dma_start3A_190 = tpu.memref_slice %arg15[%add3A_184, %dma_start3A_189] : memref<512x32xf32, #tpu.memory_space<vmem>> -> memref<1x32xf32, #tpu.memory_space<vmem>>
      %dma_start3A_191 = arith.constant 0 : i32
      %dma_start3A_192 = tpu.memref_slice %arg4[%squeeze3A_182, %dma_start3A_191] : memref<100000x32xf32, #tpu.memory_space<hbm>> -> memref<1x32xf32, #tpu.memory_space<hbm>>
      tpu.enqueue_dma source(%dma_start3A_192 : memref<1x32xf32, #tpu.memory_space<hbm>>) target(%dma_start3A_190 : memref<1x32xf32, #tpu.memory_space<vmem>>) target_semaphore(%arg17 : memref<!tpu.dma_semaphore, #tpu.memory_space<semaphore_mem>>)
      %slice3A_193 = vector.extract_strided_slice %get3A_51 {offsets = [12], sizes = [1], strides = [1]} : vector<16xi32> to vector<1xi32>
      %squeeze3A_194 = vector.extract %slice3A_193[0] : i32 from vector<1xi32>
      %add3A_195 = arith.constant 12 : i32
      %add3A_196 = arith.addi %add3A_49, %add3A_195 : i32
      %dma_start3A_197 = arith.constant 0 : i32
      %dma_start3A_198 = tpu.memref_slice %arg15[%add3A_196, %dma_start3A_197] : memref<512x32xf32, #tpu.memory_space<vmem>> -> memref<1x32xf32, #tpu.memory_space<vmem>>
      %dma_start3A_199 = arith.constant 0 : i32
      %dma_start3A_200 = tpu.memref_slice %arg4[%squeeze3A_194, %dma_start3A_199] : memref<100000x32xf32, #tpu.memory_space<hbm>> -> memref<1x32xf32, #tpu.memory_space<hbm>>
      %dma_start3A_201 = arith.constant 0 : i32
      %dma_start3A_202 = tpu.memref_slice %arg15[%add3A_196, %dma_start3A_201] : memref<512x32xf32, #tpu.memory_space<vmem>> -> memref<1x32xf32, #tpu.memory_space<vmem>>
      %dma_start3A_203 = arith.constant 0 : i32
      %dma_start3A_204 = tpu.memref_slice %arg4[%squeeze3A_194, %dma_start3A_203] : memref<100000x32xf32, #tpu.memory_space<hbm>> -> memref<1x32xf32, #tpu.memory_space<hbm>>
      tpu.enqueue_dma source(%dma_start3A_204 : memref<1x32xf32, #tpu.memory_space<hbm>>) target(%dma_start3A_202 : memref<1x32xf32, #tpu.memory_space<vmem>>) target_semaphore(%arg17 : memref<!tpu.dma_semaphore, #tpu.memory_space<semaphore_mem>>)
      %slice3A_205 = vector.extract_strided_slice %get3A_51 {offsets = [13], sizes = [1], strides = [1]} : vector<16xi32> to vector<1xi32>
      %squeeze3A_206 = vector.extract %slice3A_205[0] : i32 from vector<1xi32>
      %add3A_207 = arith.constant 13 : i32
      %add3A_208 = arith.addi %add3A_49, %add3A_207 : i32
      %dma_start3A_209 = arith.constant 0 : i32
      %dma_start3A_210 = tpu.memref_slice %arg15[%add3A_208, %dma_start3A_209] : memref<512x32xf32, #tpu.memory_space<vmem>> -> memref<1x32xf32, #tpu.memory_space<vmem>>
      %dma_start3A_211 = arith.constant 0 : i32
      %dma_start3A_212 = tpu.memref_slice %arg4[%squeeze3A_206, %dma_start3A_211] : memref<100000x32xf32, #tpu.memory_space<hbm>> -> memref<1x32xf32, #tpu.memory_space<hbm>>
      %dma_start3A_213 = arith.constant 0 : i32
      %dma_start3A_214 = tpu.memref_slice %arg15[%add3A_208, %dma_start3A_213] : memref<512x32xf32, #tpu.memory_space<vmem>> -> memref<1x32xf32, #tpu.memory_space<vmem>>
      %dma_start3A_215 = arith.constant 0 : i32
      %dma_start3A_216 = tpu.memref_slice %arg4[%squeeze3A_206, %dma_start3A_215] : memref<100000x32xf32, #tpu.memory_space<hbm>> -> memref<1x32xf32, #tpu.memory_space<hbm>>
      tpu.enqueue_dma source(%dma_start3A_216 : memref<1x32xf32, #tpu.memory_space<hbm>>) target(%dma_start3A_214 : memref<1x32xf32, #tpu.memory_space<vmem>>) target_semaphore(%arg17 : memref<!tpu.dma_semaphore, #tpu.memory_space<semaphore_mem>>)
      %slice3A_217 = vector.extract_strided_slice %get3A_51 {offsets = [14], sizes = [1], strides = [1]} : vector<16xi32> to vector<1xi32>
      %squeeze3A_218 = vector.extract %slice3A_217[0] : i32 from vector<1xi32>
      %add3A_219 = arith.constant 14 : i32
      %add3A_220 = arith.addi %add3A_49, %add3A_219 : i32
      %dma_start3A_221 = arith.constant 0 : i32
      %dma_start3A_222 = tpu.memref_slice %arg15[%add3A_220, %dma_start3A_221] : memref<512x32xf32, #tpu.memory_space<vmem>> -> memref<1x32xf32, #tpu.memory_space<vmem>>
      %dma_start3A_223 = arith.constant 0 : i32
      %dma_start3A_224 = tpu.memref_slice %arg4[%squeeze3A_218, %dma_start3A_223] : memref<100000x32xf32, #tpu.memory_space<hbm>> -> memref<1x32xf32, #tpu.memory_space<hbm>>
      %dma_start3A_225 = arith.constant 0 : i32
      %dma_start3A_226 = tpu.memref_slice %arg15[%add3A_220, %dma_start3A_225] : memref<512x32xf32, #tpu.memory_space<vmem>> -> memref<1x32xf32, #tpu.memory_space<vmem>>
      %dma_start3A_227 = arith.constant 0 : i32
      %dma_start3A_228 = tpu.memref_slice %arg4[%squeeze3A_218, %dma_start3A_227] : memref<100000x32xf32, #tpu.memory_space<hbm>> -> memref<1x32xf32, #tpu.memory_space<hbm>>
      tpu.enqueue_dma source(%dma_start3A_228 : memref<1x32xf32, #tpu.memory_space<hbm>>) target(%dma_start3A_226 : memref<1x32xf32, #tpu.memory_space<vmem>>) target_semaphore(%arg17 : memref<!tpu.dma_semaphore, #tpu.memory_space<semaphore_mem>>)
      %slice3A_229 = vector.extract_strided_slice %get3A_51 {offsets = [15], sizes = [1], strides = [1]} : vector<16xi32> to vector<1xi32>
      %squeeze3A_230 = vector.extract %slice3A_229[0] : i32 from vector<1xi32>
      %add3A_231 = arith.constant 15 : i32
      %add3A_232 = arith.addi %add3A_49, %add3A_231 : i32
      %dma_start3A_233 = arith.constant 0 : i32
      %dma_start3A_234 = tpu.memref_slice %arg15[%add3A_232, %dma_start3A_233] : memref<512x32xf32, #tpu.memory_space<vmem>> -> memref<1x32xf32, #tpu.memory_space<vmem>>
      %dma_start3A_235 = arith.constant 0 : i32
      %dma_start3A_236 = tpu.memref_slice %arg4[%squeeze3A_230, %dma_start3A_235] : memref<100000x32xf32, #tpu.memory_space<hbm>> -> memref<1x32xf32, #tpu.memory_space<hbm>>
      %dma_start3A_237 = arith.constant 0 : i32
      %dma_start3A_238 = tpu.memref_slice %arg15[%add3A_232, %dma_start3A_237] : memref<512x32xf32, #tpu.memory_space<vmem>> -> memref<1x32xf32, #tpu.memory_space<vmem>>
      %dma_start3A_239 = arith.constant 0 : i32
      %dma_start3A_240 = tpu.memref_slice %arg4[%squeeze3A_230, %dma_start3A_239] : memref<100000x32xf32, #tpu.memory_space<hbm>> -> memref<1x32xf32, #tpu.memory_space<hbm>>
      tpu.enqueue_dma source(%dma_start3A_240 : memref<1x32xf32, #tpu.memory_space<hbm>>) target(%dma_start3A_238 : memref<1x32xf32, #tpu.memory_space<vmem>>) target_semaphore(%arg17 : memref<!tpu.dma_semaphore, #tpu.memory_space<semaphore_mem>>)
    }
    %scan3A_27 = arith.constant 32 : i32
    %dma_wait3A_28 = arith.constant 0 : i32
    %dma_wait3A_29 = arith.constant 0 : i32
    %dma_wait3A_30 = tpu.memref_slice %arg4[%dma_wait3A_28, %dma_wait3A_29] : memref<100000x32xf32, #tpu.memory_space<hbm>> -> memref<512x32xf32, #tpu.memory_space<hbm>>
    %dma_wait3A_31 = arith.constant 0 : i32
    %dma_wait3A_32 = arith.constant 0 : i32
    %dma_wait3A_33 = tpu.memref_slice %arg4[%dma_wait3A_31, %dma_wait3A_32] : memref<100000x32xf32, #tpu.memory_space<hbm>> -> memref<512x32xf32, #tpu.memory_space<hbm>>
    tpu.wait_dma2 semaphore(%arg17 : memref<!tpu.dma_semaphore, #tpu.memory_space<semaphore_mem>>) src(%dma_wait3A_33 : memref<512x32xf32, #tpu.memory_space<hbm>>) dst(%arg15 : memref<512x32xf32, #tpu.memory_space<vmem>>)
    "tpu.region"() ({
      %run_scoped3A = tpu.sem_alloc : memref<!tpu.dma_semaphore, #tpu.memory_space<semaphore_mem>>
      %dma_start3A = arith.constant 0 : i32
      %dma_start3A_45 = tpu.memref_slice %arg12[%mul3A_2, %dma_start3A] : memref<16384x32xf32, #tpu.memory_space<hbm>> -> memref<512x32xf32, #tpu.memory_space<hbm>>
      %dma_start3A_46 = arith.constant 0 : i32
      %dma_start3A_47 = tpu.memref_slice %arg12[%mul3A_2, %dma_start3A_46] : memref<16384x32xf32, #tpu.memory_space<hbm>> -> memref<512x32xf32, #tpu.memory_space<hbm>>
      tpu.enqueue_dma source(%arg15 : memref<512x32xf32, #tpu.memory_space<vmem>>) target(%dma_start3A_47 : memref<512x32xf32, #tpu.memory_space<hbm>>) target_semaphore(%run_scoped3A : memref<!tpu.dma_semaphore, #tpu.memory_space<semaphore_mem>>)
      %dma_wait3A_48 = arith.constant 0 : i32
      %dma_wait3A_49 = tpu.memref_slice %arg12[%mul3A_2, %dma_wait3A_48] : memref<16384x32xf32, #tpu.memory_space<hbm>> -> memref<512x32xf32, #tpu.memory_space<hbm>>
      %dma_wait3A_50 = arith.constant 0 : i32
      %dma_wait3A_51 = tpu.memref_slice %arg12[%mul3A_2, %dma_wait3A_50] : memref<16384x32xf32, #tpu.memory_space<hbm>> -> memref<512x32xf32, #tpu.memory_space<hbm>>
      tpu.wait_dma2 semaphore(%run_scoped3A : memref<!tpu.dma_semaphore, #tpu.memory_space<semaphore_mem>>) src(%arg15 : memref<512x32xf32, #tpu.memory_space<vmem>>) dst(%dma_wait3A_51 : memref<512x32xf32, #tpu.memory_space<hbm>>)
      tpu.yield
    }) : () -> ()
    "tpu.region"() ({
      %run_scoped3A = tpu.sem_alloc : memref<!tpu.dma_semaphore, #tpu.memory_space<semaphore_mem>>
      %dma_start3A = tpu.memref_slice %arg9[%mul3A_2] : memref<16384xi32, #tpu.memory_space<hbm>> -> memref<512xi32, #tpu.memory_space<hbm>>
      %dma_start3A_45 = tpu.memref_slice %arg9[%mul3A_2] : memref<16384xi32, #tpu.memory_space<hbm>> -> memref<512xi32, #tpu.memory_space<hbm>>
      tpu.enqueue_dma source(%dma_start3A_45 : memref<512xi32, #tpu.memory_space<hbm>>) target(%arg14 : memref<512xi32, #tpu.memory_space<vmem>>) target_semaphore(%run_scoped3A : memref<!tpu.dma_semaphore, #tpu.memory_space<semaphore_mem>>)
      %dma_wait3A_46 = tpu.memref_slice %arg9[%mul3A_2] : memref<16384xi32, #tpu.memory_space<hbm>> -> memref<512xi32, #tpu.memory_space<hbm>>
      %dma_wait3A_47 = tpu.memref_slice %arg9[%mul3A_2] : memref<16384xi32, #tpu.memory_space<hbm>> -> memref<512xi32, #tpu.memory_space<hbm>>
      tpu.wait_dma2 semaphore(%run_scoped3A : memref<!tpu.dma_semaphore, #tpu.memory_space<semaphore_mem>>) src(%dma_wait3A_47 : memref<512xi32, #tpu.memory_space<hbm>>) dst(%arg14 : memref<512xi32, #tpu.memory_space<vmem>>)
      tpu.yield
    }) : () -> ()
    %scan3A_34 = arith.constant 0 : i32
    %scan3A_35 = arith.constant 32 : i32
    %scan3A_36 = arith.addi %scan3A_34, %scan3A_35 : i32
    %scan3A_37 = arith.constant 1 : i32
    scf.for %scan3A_45 = %scan3A_34 to %scan3A_36 step %scan3A_37  : i32 {
      %mul3A_46 = arith.constant 16 : i32
      %mul3A_47 = arith.muli %scan3A_45, %mul3A_46 : i32
      %add3A_48 = arith.constant 0 : i32
      %add3A_49 = arith.addi %add3A_48, %mul3A_47 : i32
      %get3A = arith.index_cast %add3A_49 : i32 to index
      %get3A_50 = tpu.vector_load %arg14[%get3A] {strides = array<i32>} : memref<512xi32, #tpu.memory_space<vmem>>, vector<16xi32>,
      %get3A_51 = vector.shape_cast %get3A_50 : vector<16xi32> to vector<16xi32>
      %slice3A = vector.extract_strided_slice %get3A_51 {offsets = [0], sizes = [1], strides = [1]} : vector<16xi32> to vector<1xi32>
      %squeeze3A = vector.extract %slice3A[0] : i32 from vector<1xi32>
      %add3A_52 = arith.constant 0 : i32
      %add3A_53 = arith.addi %add3A_49, %add3A_52 : i32
      %dma_start3A = arith.constant 0 : i32
      %dma_start3A_54 = tpu.memref_slice %arg15[%add3A_53, %dma_start3A] : memref<512x32xf32, #tpu.memory_space<vmem>> -> memref<1x32xf32, #tpu.memory_space<vmem>>
      %dma_start3A_55 = arith.constant 0 : i32
      %dma_start3A_56 = tpu.memref_slice %arg5[%squeeze3A, %dma_start3A_55] : memref<100000x32xf32, #tpu.memory_space<hbm>> -> memref<1x32xf32, #tpu.memory_space<hbm>>
      %dma_start3A_57 = arith.constant 0 : i32
      %dma_start3A_58 = tpu.memref_slice %arg15[%add3A_53, %dma_start3A_57] : memref<512x32xf32, #tpu.memory_space<vmem>> -> memref<1x32xf32, #tpu.memory_space<vmem>>
      %dma_start3A_59 = arith.constant 0 : i32
      %dma_start3A_60 = tpu.memref_slice %arg5[%squeeze3A, %dma_start3A_59] : memref<100000x32xf32, #tpu.memory_space<hbm>> -> memref<1x32xf32, #tpu.memory_space<hbm>>
      tpu.enqueue_dma source(%dma_start3A_60 : memref<1x32xf32, #tpu.memory_space<hbm>>) target(%dma_start3A_58 : memref<1x32xf32, #tpu.memory_space<vmem>>) target_semaphore(%arg17 : memref<!tpu.dma_semaphore, #tpu.memory_space<semaphore_mem>>)
      %slice3A_61 = vector.extract_strided_slice %get3A_51 {offsets = [1], sizes = [1], strides = [1]} : vector<16xi32> to vector<1xi32>
      %squeeze3A_62 = vector.extract %slice3A_61[0] : i32 from vector<1xi32>
      %add3A_63 = arith.constant 1 : i32
      %add3A_64 = arith.addi %add3A_49, %add3A_63 : i32
      %dma_start3A_65 = arith.constant 0 : i32
      %dma_start3A_66 = tpu.memref_slice %arg15[%add3A_64, %dma_start3A_65] : memref<512x32xf32, #tpu.memory_space<vmem>> -> memref<1x32xf32, #tpu.memory_space<vmem>>
      %dma_start3A_67 = arith.constant 0 : i32
      %dma_start3A_68 = tpu.memref_slice %arg5[%squeeze3A_62, %dma_start3A_67] : memref<100000x32xf32, #tpu.memory_space<hbm>> -> memref<1x32xf32, #tpu.memory_space<hbm>>
      %dma_start3A_69 = arith.constant 0 : i32
      %dma_start3A_70 = tpu.memref_slice %arg15[%add3A_64, %dma_start3A_69] : memref<512x32xf32, #tpu.memory_space<vmem>> -> memref<1x32xf32, #tpu.memory_space<vmem>>
      %dma_start3A_71 = arith.constant 0 : i32
      %dma_start3A_72 = tpu.memref_slice %arg5[%squeeze3A_62, %dma_start3A_71] : memref<100000x32xf32, #tpu.memory_space<hbm>> -> memref<1x32xf32, #tpu.memory_space<hbm>>
      tpu.enqueue_dma source(%dma_start3A_72 : memref<1x32xf32, #tpu.memory_space<hbm>>) target(%dma_start3A_70 : memref<1x32xf32, #tpu.memory_space<vmem>>) target_semaphore(%arg17 : memref<!tpu.dma_semaphore, #tpu.memory_space<semaphore_mem>>)
      %slice3A_73 = vector.extract_strided_slice %get3A_51 {offsets = [2], sizes = [1], strides = [1]} : vector<16xi32> to vector<1xi32>
      %squeeze3A_74 = vector.extract %slice3A_73[0] : i32 from vector<1xi32>
      %add3A_75 = arith.constant 2 : i32
      %add3A_76 = arith.addi %add3A_49, %add3A_75 : i32
      %dma_start3A_77 = arith.constant 0 : i32
      %dma_start3A_78 = tpu.memref_slice %arg15[%add3A_76, %dma_start3A_77] : memref<512x32xf32, #tpu.memory_space<vmem>> -> memref<1x32xf32, #tpu.memory_space<vmem>>
      %dma_start3A_79 = arith.constant 0 : i32
      %dma_start3A_80 = tpu.memref_slice %arg5[%squeeze3A_74, %dma_start3A_79] : memref<100000x32xf32, #tpu.memory_space<hbm>> -> memref<1x32xf32, #tpu.memory_space<hbm>>
      %dma_start3A_81 = arith.constant 0 : i32
      %dma_start3A_82 = tpu.memref_slice %arg15[%add3A_76, %dma_start3A_81] : memref<512x32xf32, #tpu.memory_space<vmem>> -> memref<1x32xf32, #tpu.memory_space<vmem>>
      %dma_start3A_83 = arith.constant 0 : i32
      %dma_start3A_84 = tpu.memref_slice %arg5[%squeeze3A_74, %dma_start3A_83] : memref<100000x32xf32, #tpu.memory_space<hbm>> -> memref<1x32xf32, #tpu.memory_space<hbm>>
      tpu.enqueue_dma source(%dma_start3A_84 : memref<1x32xf32, #tpu.memory_space<hbm>>) target(%dma_start3A_82 : memref<1x32xf32, #tpu.memory_space<vmem>>) target_semaphore(%arg17 : memref<!tpu.dma_semaphore, #tpu.memory_space<semaphore_mem>>)
      %slice3A_85 = vector.extract_strided_slice %get3A_51 {offsets = [3], sizes = [1], strides = [1]} : vector<16xi32> to vector<1xi32>
      %squeeze3A_86 = vector.extract %slice3A_85[0] : i32 from vector<1xi32>
      %add3A_87 = arith.constant 3 : i32
      %add3A_88 = arith.addi %add3A_49, %add3A_87 : i32
      %dma_start3A_89 = arith.constant 0 : i32
      %dma_start3A_90 = tpu.memref_slice %arg15[%add3A_88, %dma_start3A_89] : memref<512x32xf32, #tpu.memory_space<vmem>> -> memref<1x32xf32, #tpu.memory_space<vmem>>
      %dma_start3A_91 = arith.constant 0 : i32
      %dma_start3A_92 = tpu.memref_slice %arg5[%squeeze3A_86, %dma_start3A_91] : memref<100000x32xf32, #tpu.memory_space<hbm>> -> memref<1x32xf32, #tpu.memory_space<hbm>>
      %dma_start3A_93 = arith.constant 0 : i32
      %dma_start3A_94 = tpu.memref_slice %arg15[%add3A_88, %dma_start3A_93] : memref<512x32xf32, #tpu.memory_space<vmem>> -> memref<1x32xf32, #tpu.memory_space<vmem>>
      %dma_start3A_95 = arith.constant 0 : i32
      %dma_start3A_96 = tpu.memref_slice %arg5[%squeeze3A_86, %dma_start3A_95] : memref<100000x32xf32, #tpu.memory_space<hbm>> -> memref<1x32xf32, #tpu.memory_space<hbm>>
      tpu.enqueue_dma source(%dma_start3A_96 : memref<1x32xf32, #tpu.memory_space<hbm>>) target(%dma_start3A_94 : memref<1x32xf32, #tpu.memory_space<vmem>>) target_semaphore(%arg17 : memref<!tpu.dma_semaphore, #tpu.memory_space<semaphore_mem>>)
      %slice3A_97 = vector.extract_strided_slice %get3A_51 {offsets = [4], sizes = [1], strides = [1]} : vector<16xi32> to vector<1xi32>
      %squeeze3A_98 = vector.extract %slice3A_97[0] : i32 from vector<1xi32>
      %add3A_99 = arith.constant 4 : i32
      %add3A_100 = arith.addi %add3A_49, %add3A_99 : i32
      %dma_start3A_101 = arith.constant 0 : i32
      %dma_start3A_102 = tpu.memref_slice %arg15[%add3A_100, %dma_start3A_101] : memref<512x32xf32, #tpu.memory_space<vmem>> -> memref<1x32xf32, #tpu.memory_space<vmem>>
      %dma_start3A_103 = arith.constant 0 : i32
      %dma_start3A_104 = tpu.memref_slice %arg5[%squeeze3A_98, %dma_start3A_103] : memref<100000x32xf32, #tpu.memory_space<hbm>> -> memref<1x32xf32, #tpu.memory_space<hbm>>
      %dma_start3A_105 = arith.constant 0 : i32
      %dma_start3A_106 = tpu.memref_slice %arg15[%add3A_100, %dma_start3A_105] : memref<512x32xf32, #tpu.memory_space<vmem>> -> memref<1x32xf32, #tpu.memory_space<vmem>>
      %dma_start3A_107 = arith.constant 0 : i32
      %dma_start3A_108 = tpu.memref_slice %arg5[%squeeze3A_98, %dma_start3A_107] : memref<100000x32xf32, #tpu.memory_space<hbm>> -> memref<1x32xf32, #tpu.memory_space<hbm>>
      tpu.enqueue_dma source(%dma_start3A_108 : memref<1x32xf32, #tpu.memory_space<hbm>>) target(%dma_start3A_106 : memref<1x32xf32, #tpu.memory_space<vmem>>) target_semaphore(%arg17 : memref<!tpu.dma_semaphore, #tpu.memory_space<semaphore_mem>>)
      %slice3A_109 = vector.extract_strided_slice %get3A_51 {offsets = [5], sizes = [1], strides = [1]} : vector<16xi32> to vector<1xi32>
      %squeeze3A_110 = vector.extract %slice3A_109[0] : i32 from vector<1xi32>
      %add3A_111 = arith.constant 5 : i32
      %add3A_112 = arith.addi %add3A_49, %add3A_111 : i32
      %dma_start3A_113 = arith.constant 0 : i32
      %dma_start3A_114 = tpu.memref_slice %arg15[%add3A_112, %dma_start3A_113] : memref<512x32xf32, #tpu.memory_space<vmem>> -> memref<1x32xf32, #tpu.memory_space<vmem>>
      %dma_start3A_115 = arith.constant 0 : i32
      %dma_start3A_116 = tpu.memref_slice %arg5[%squeeze3A_110, %dma_start3A_115] : memref<100000x32xf32, #tpu.memory_space<hbm>> -> memref<1x32xf32, #tpu.memory_space<hbm>>
      %dma_start3A_117 = arith.constant 0 : i32
      %dma_start3A_118 = tpu.memref_slice %arg15[%add3A_112, %dma_start3A_117] : memref<512x32xf32, #tpu.memory_space<vmem>> -> memref<1x32xf32, #tpu.memory_space<vmem>>
      %dma_start3A_119 = arith.constant 0 : i32
      %dma_start3A_120 = tpu.memref_slice %arg5[%squeeze3A_110, %dma_start3A_119] : memref<100000x32xf32, #tpu.memory_space<hbm>> -> memref<1x32xf32, #tpu.memory_space<hbm>>
      tpu.enqueue_dma source(%dma_start3A_120 : memref<1x32xf32, #tpu.memory_space<hbm>>) target(%dma_start3A_118 : memref<1x32xf32, #tpu.memory_space<vmem>>) target_semaphore(%arg17 : memref<!tpu.dma_semaphore, #tpu.memory_space<semaphore_mem>>)
      %slice3A_121 = vector.extract_strided_slice %get3A_51 {offsets = [6], sizes = [1], strides = [1]} : vector<16xi32> to vector<1xi32>
      %squeeze3A_122 = vector.extract %slice3A_121[0] : i32 from vector<1xi32>
      %add3A_123 = arith.constant 6 : i32
      %add3A_124 = arith.addi %add3A_49, %add3A_123 : i32
      %dma_start3A_125 = arith.constant 0 : i32
      %dma_start3A_126 = tpu.memref_slice %arg15[%add3A_124, %dma_start3A_125] : memref<512x32xf32, #tpu.memory_space<vmem>> -> memref<1x32xf32, #tpu.memory_space<vmem>>
      %dma_start3A_127 = arith.constant 0 : i32
      %dma_start3A_128 = tpu.memref_slice %arg5[%squeeze3A_122, %dma_start3A_127] : memref<100000x32xf32, #tpu.memory_space<hbm>> -> memref<1x32xf32, #tpu.memory_space<hbm>>
      %dma_start3A_129 = arith.constant 0 : i32
      %dma_start3A_130 = tpu.memref_slice %arg15[%add3A_124, %dma_start3A_129] : memref<512x32xf32, #tpu.memory_space<vmem>> -> memref<1x32xf32, #tpu.memory_space<vmem>>
      %dma_start3A_131 = arith.constant 0 : i32
      %dma_start3A_132 = tpu.memref_slice %arg5[%squeeze3A_122, %dma_start3A_131] : memref<100000x32xf32, #tpu.memory_space<hbm>> -> memref<1x32xf32, #tpu.memory_space<hbm>>
      tpu.enqueue_dma source(%dma_start3A_132 : memref<1x32xf32, #tpu.memory_space<hbm>>) target(%dma_start3A_130 : memref<1x32xf32, #tpu.memory_space<vmem>>) target_semaphore(%arg17 : memref<!tpu.dma_semaphore, #tpu.memory_space<semaphore_mem>>)
      %slice3A_133 = vector.extract_strided_slice %get3A_51 {offsets = [7], sizes = [1], strides = [1]} : vector<16xi32> to vector<1xi32>
      %squeeze3A_134 = vector.extract %slice3A_133[0] : i32 from vector<1xi32>
      %add3A_135 = arith.constant 7 : i32
      %add3A_136 = arith.addi %add3A_49, %add3A_135 : i32
      %dma_start3A_137 = arith.constant 0 : i32
      %dma_start3A_138 = tpu.memref_slice %arg15[%add3A_136, %dma_start3A_137] : memref<512x32xf32, #tpu.memory_space<vmem>> -> memref<1x32xf32, #tpu.memory_space<vmem>>
      %dma_start3A_139 = arith.constant 0 : i32
      %dma_start3A_140 = tpu.memref_slice %arg5[%squeeze3A_134, %dma_start3A_139] : memref<100000x32xf32, #tpu.memory_space<hbm>> -> memref<1x32xf32, #tpu.memory_space<hbm>>
      %dma_start3A_141 = arith.constant 0 : i32
      %dma_start3A_142 = tpu.memref_slice %arg15[%add3A_136, %dma_start3A_141] : memref<512x32xf32, #tpu.memory_space<vmem>> -> memref<1x32xf32, #tpu.memory_space<vmem>>
      %dma_start3A_143 = arith.constant 0 : i32
      %dma_start3A_144 = tpu.memref_slice %arg5[%squeeze3A_134, %dma_start3A_143] : memref<100000x32xf32, #tpu.memory_space<hbm>> -> memref<1x32xf32, #tpu.memory_space<hbm>>
      tpu.enqueue_dma source(%dma_start3A_144 : memref<1x32xf32, #tpu.memory_space<hbm>>) target(%dma_start3A_142 : memref<1x32xf32, #tpu.memory_space<vmem>>) target_semaphore(%arg17 : memref<!tpu.dma_semaphore, #tpu.memory_space<semaphore_mem>>)
      %slice3A_145 = vector.extract_strided_slice %get3A_51 {offsets = [8], sizes = [1], strides = [1]} : vector<16xi32> to vector<1xi32>
      %squeeze3A_146 = vector.extract %slice3A_145[0] : i32 from vector<1xi32>
      %add3A_147 = arith.constant 8 : i32
      %add3A_148 = arith.addi %add3A_49, %add3A_147 : i32
      %dma_start3A_149 = arith.constant 0 : i32
      %dma_start3A_150 = tpu.memref_slice %arg15[%add3A_148, %dma_start3A_149] : memref<512x32xf32, #tpu.memory_space<vmem>> -> memref<1x32xf32, #tpu.memory_space<vmem>>
      %dma_start3A_151 = arith.constant 0 : i32
      %dma_start3A_152 = tpu.memref_slice %arg5[%squeeze3A_146, %dma_start3A_151] : memref<100000x32xf32, #tpu.memory_space<hbm>> -> memref<1x32xf32, #tpu.memory_space<hbm>>
      %dma_start3A_153 = arith.constant 0 : i32
      %dma_start3A_154 = tpu.memref_slice %arg15[%add3A_148, %dma_start3A_153] : memref<512x32xf32, #tpu.memory_space<vmem>> -> memref<1x32xf32, #tpu.memory_space<vmem>>
      %dma_start3A_155 = arith.constant 0 : i32
      %dma_start3A_156 = tpu.memref_slice %arg5[%squeeze3A_146, %dma_start3A_155] : memref<100000x32xf32, #tpu.memory_space<hbm>> -> memref<1x32xf32, #tpu.memory_space<hbm>>
      tpu.enqueue_dma source(%dma_start3A_156 : memref<1x32xf32, #tpu.memory_space<hbm>>) target(%dma_start3A_154 : memref<1x32xf32, #tpu.memory_space<vmem>>) target_semaphore(%arg17 : memref<!tpu.dma_semaphore, #tpu.memory_space<semaphore_mem>>)
      %slice3A_157 = vector.extract_strided_slice %get3A_51 {offsets = [9], sizes = [1], strides = [1]} : vector<16xi32> to vector<1xi32>
      %squeeze3A_158 = vector.extract %slice3A_157[0] : i32 from vector<1xi32>
      %add3A_159 = arith.constant 9 : i32
      %add3A_160 = arith.addi %add3A_49, %add3A_159 : i32
      %dma_start3A_161 = arith.constant 0 : i32
      %dma_start3A_162 = tpu.memref_slice %arg15[%add3A_160, %dma_start3A_161] : memref<512x32xf32, #tpu.memory_space<vmem>> -> memref<1x32xf32, #tpu.memory_space<vmem>>
      %dma_start3A_163 = arith.constant 0 : i32
      %dma_start3A_164 = tpu.memref_slice %arg5[%squeeze3A_158, %dma_start3A_163] : memref<100000x32xf32, #tpu.memory_space<hbm>> -> memref<1x32xf32, #tpu.memory_space<hbm>>
      %dma_start3A_165 = arith.constant 0 : i32
      %dma_start3A_166 = tpu.memref_slice %arg15[%add3A_160, %dma_start3A_165] : memref<512x32xf32, #tpu.memory_space<vmem>> -> memref<1x32xf32, #tpu.memory_space<vmem>>
      %dma_start3A_167 = arith.constant 0 : i32
      %dma_start3A_168 = tpu.memref_slice %arg5[%squeeze3A_158, %dma_start3A_167] : memref<100000x32xf32, #tpu.memory_space<hbm>> -> memref<1x32xf32, #tpu.memory_space<hbm>>
      tpu.enqueue_dma source(%dma_start3A_168 : memref<1x32xf32, #tpu.memory_space<hbm>>) target(%dma_start3A_166 : memref<1x32xf32, #tpu.memory_space<vmem>>) target_semaphore(%arg17 : memref<!tpu.dma_semaphore, #tpu.memory_space<semaphore_mem>>)
      %slice3A_169 = vector.extract_strided_slice %get3A_51 {offsets = [10], sizes = [1], strides = [1]} : vector<16xi32> to vector<1xi32>
      %squeeze3A_170 = vector.extract %slice3A_169[0] : i32 from vector<1xi32>
      %add3A_171 = arith.constant 10 : i32
      %add3A_172 = arith.addi %add3A_49, %add3A_171 : i32
      %dma_start3A_173 = arith.constant 0 : i32
      %dma_start3A_174 = tpu.memref_slice %arg15[%add3A_172, %dma_start3A_173] : memref<512x32xf32, #tpu.memory_space<vmem>> -> memref<1x32xf32, #tpu.memory_space<vmem>>
      %dma_start3A_175 = arith.constant 0 : i32
      %dma_start3A_176 = tpu.memref_slice %arg5[%squeeze3A_170, %dma_start3A_175] : memref<100000x32xf32, #tpu.memory_space<hbm>> -> memref<1x32xf32, #tpu.memory_space<hbm>>
      %dma_start3A_177 = arith.constant 0 : i32
      %dma_start3A_178 = tpu.memref_slice %arg15[%add3A_172, %dma_start3A_177] : memref<512x32xf32, #tpu.memory_space<vmem>> -> memref<1x32xf32, #tpu.memory_space<vmem>>
      %dma_start3A_179 = arith.constant 0 : i32
      %dma_start3A_180 = tpu.memref_slice %arg5[%squeeze3A_170, %dma_start3A_179] : memref<100000x32xf32, #tpu.memory_space<hbm>> -> memref<1x32xf32, #tpu.memory_space<hbm>>
      tpu.enqueue_dma source(%dma_start3A_180 : memref<1x32xf32, #tpu.memory_space<hbm>>) target(%dma_start3A_178 : memref<1x32xf32, #tpu.memory_space<vmem>>) target_semaphore(%arg17 : memref<!tpu.dma_semaphore, #tpu.memory_space<semaphore_mem>>)
      %slice3A_181 = vector.extract_strided_slice %get3A_51 {offsets = [11], sizes = [1], strides = [1]} : vector<16xi32> to vector<1xi32>
      %squeeze3A_182 = vector.extract %slice3A_181[0] : i32 from vector<1xi32>
      %add3A_183 = arith.constant 11 : i32
      %add3A_184 = arith.addi %add3A_49, %add3A_183 : i32
      %dma_start3A_185 = arith.constant 0 : i32
      %dma_start3A_186 = tpu.memref_slice %arg15[%add3A_184, %dma_start3A_185] : memref<512x32xf32, #tpu.memory_space<vmem>> -> memref<1x32xf32, #tpu.memory_space<vmem>>
      %dma_start3A_187 = arith.constant 0 : i32
      %dma_start3A_188 = tpu.memref_slice %arg5[%squeeze3A_182, %dma_start3A_187] : memref<100000x32xf32, #tpu.memory_space<hbm>> -> memref<1x32xf32, #tpu.memory_space<hbm>>
      %dma_start3A_189 = arith.constant 0 : i32
      %dma_start3A_190 = tpu.memref_slice %arg15[%add3A_184, %dma_start3A_189] : memref<512x32xf32, #tpu.memory_space<vmem>> -> memref<1x32xf32, #tpu.memory_space<vmem>>
      %dma_start3A_191 = arith.constant 0 : i32
      %dma_start3A_192 = tpu.memref_slice %arg5[%squeeze3A_182, %dma_start3A_191] : memref<100000x32xf32, #tpu.memory_space<hbm>> -> memref<1x32xf32, #tpu.memory_space<hbm>>
      tpu.enqueue_dma source(%dma_start3A_192 : memref<1x32xf32, #tpu.memory_space<hbm>>) target(%dma_start3A_190 : memref<1x32xf32, #tpu.memory_space<vmem>>) target_semaphore(%arg17 : memref<!tpu.dma_semaphore, #tpu.memory_space<semaphore_mem>>)
      %slice3A_193 = vector.extract_strided_slice %get3A_51 {offsets = [12], sizes = [1], strides = [1]} : vector<16xi32> to vector<1xi32>
      %squeeze3A_194 = vector.extract %slice3A_193[0] : i32 from vector<1xi32>
      %add3A_195 = arith.constant 12 : i32
      %add3A_196 = arith.addi %add3A_49, %add3A_195 : i32
      %dma_start3A_197 = arith.constant 0 : i32
      %dma_start3A_198 = tpu.memref_slice %arg15[%add3A_196, %dma_start3A_197] : memref<512x32xf32, #tpu.memory_space<vmem>> -> memref<1x32xf32, #tpu.memory_space<vmem>>
      %dma_start3A_199 = arith.constant 0 : i32
      %dma_start3A_200 = tpu.memref_slice %arg5[%squeeze3A_194, %dma_start3A_199] : memref<100000x32xf32, #tpu.memory_space<hbm>> -> memref<1x32xf32, #tpu.memory_space<hbm>>
      %dma_start3A_201 = arith.constant 0 : i32
      %dma_start3A_202 = tpu.memref_slice %arg15[%add3A_196, %dma_start3A_201] : memref<512x32xf32, #tpu.memory_space<vmem>> -> memref<1x32xf32, #tpu.memory_space<vmem>>
      %dma_start3A_203 = arith.constant 0 : i32
      %dma_start3A_204 = tpu.memref_slice %arg5[%squeeze3A_194, %dma_start3A_203] : memref<100000x32xf32, #tpu.memory_space<hbm>> -> memref<1x32xf32, #tpu.memory_space<hbm>>
      tpu.enqueue_dma source(%dma_start3A_204 : memref<1x32xf32, #tpu.memory_space<hbm>>) target(%dma_start3A_202 : memref<1x32xf32, #tpu.memory_space<vmem>>) target_semaphore(%arg17 : memref<!tpu.dma_semaphore, #tpu.memory_space<semaphore_mem>>)
      %slice3A_205 = vector.extract_strided_slice %get3A_51 {offsets = [13], sizes = [1], strides = [1]} : vector<16xi32> to vector<1xi32>
      %squeeze3A_206 = vector.extract %slice3A_205[0] : i32 from vector<1xi32>
      %add3A_207 = arith.constant 13 : i32
      %add3A_208 = arith.addi %add3A_49, %add3A_207 : i32
      %dma_start3A_209 = arith.constant 0 : i32
      %dma_start3A_210 = tpu.memref_slice %arg15[%add3A_208, %dma_start3A_209] : memref<512x32xf32, #tpu.memory_space<vmem>> -> memref<1x32xf32, #tpu.memory_space<vmem>>
      %dma_start3A_211 = arith.constant 0 : i32
      %dma_start3A_212 = tpu.memref_slice %arg5[%squeeze3A_206, %dma_start3A_211] : memref<100000x32xf32, #tpu.memory_space<hbm>> -> memref<1x32xf32, #tpu.memory_space<hbm>>
      %dma_start3A_213 = arith.constant 0 : i32
      %dma_start3A_214 = tpu.memref_slice %arg15[%add3A_208, %dma_start3A_213] : memref<512x32xf32, #tpu.memory_space<vmem>> -> memref<1x32xf32, #tpu.memory_space<vmem>>
      %dma_start3A_215 = arith.constant 0 : i32
      %dma_start3A_216 = tpu.memref_slice %arg5[%squeeze3A_206, %dma_start3A_215] : memref<100000x32xf32, #tpu.memory_space<hbm>> -> memref<1x32xf32, #tpu.memory_space<hbm>>
      tpu.enqueue_dma source(%dma_start3A_216 : memref<1x32xf32, #tpu.memory_space<hbm>>) target(%dma_start3A_214 : memref<1x32xf32, #tpu.memory_space<vmem>>) target_semaphore(%arg17 : memref<!tpu.dma_semaphore, #tpu.memory_space<semaphore_mem>>)
      %slice3A_217 = vector.extract_strided_slice %get3A_51 {offsets = [14], sizes = [1], strides = [1]} : vector<16xi32> to vector<1xi32>
      %squeeze3A_218 = vector.extract %slice3A_217[0] : i32 from vector<1xi32>
      %add3A_219 = arith.constant 14 : i32
      %add3A_220 = arith.addi %add3A_49, %add3A_219 : i32
      %dma_start3A_221 = arith.constant 0 : i32
      %dma_start3A_222 = tpu.memref_slice %arg15[%add3A_220, %dma_start3A_221] : memref<512x32xf32, #tpu.memory_space<vmem>> -> memref<1x32xf32, #tpu.memory_space<vmem>>
      %dma_start3A_223 = arith.constant 0 : i32
      %dma_start3A_224 = tpu.memref_slice %arg5[%squeeze3A_218, %dma_start3A_223] : memref<100000x32xf32, #tpu.memory_space<hbm>> -> memref<1x32xf32, #tpu.memory_space<hbm>>
      %dma_start3A_225 = arith.constant 0 : i32
      %dma_start3A_226 = tpu.memref_slice %arg15[%add3A_220, %dma_start3A_225] : memref<512x32xf32, #tpu.memory_space<vmem>> -> memref<1x32xf32, #tpu.memory_space<vmem>>
      %dma_start3A_227 = arith.constant 0 : i32
      %dma_start3A_228 = tpu.memref_slice %arg5[%squeeze3A_218, %dma_start3A_227] : memref<100000x32xf32, #tpu.memory_space<hbm>> -> memref<1x32xf32, #tpu.memory_space<hbm>>
      tpu.enqueue_dma source(%dma_start3A_228 : memref<1x32xf32, #tpu.memory_space<hbm>>) target(%dma_start3A_226 : memref<1x32xf32, #tpu.memory_space<vmem>>) target_semaphore(%arg17 : memref<!tpu.dma_semaphore, #tpu.memory_space<semaphore_mem>>)
      %slice3A_229 = vector.extract_strided_slice %get3A_51 {offsets = [15], sizes = [1], strides = [1]} : vector<16xi32> to vector<1xi32>
      %squeeze3A_230 = vector.extract %slice3A_229[0] : i32 from vector<1xi32>
      %add3A_231 = arith.constant 15 : i32
      %add3A_232 = arith.addi %add3A_49, %add3A_231 : i32
      %dma_start3A_233 = arith.constant 0 : i32
      %dma_start3A_234 = tpu.memref_slice %arg15[%add3A_232, %dma_start3A_233] : memref<512x32xf32, #tpu.memory_space<vmem>> -> memref<1x32xf32, #tpu.memory_space<vmem>>
      %dma_start3A_235 = arith.constant 0 : i32
      %dma_start3A_236 = tpu.memref_slice %arg5[%squeeze3A_230, %dma_start3A_235] : memref<100000x32xf32, #tpu.memory_space<hbm>> -> memref<1x32xf32, #tpu.memory_space<hbm>>
      %dma_start3A_237 = arith.constant 0 : i32
      %dma_start3A_238 = tpu.memref_slice %arg15[%add3A_232, %dma_start3A_237] : memref<512x32xf32, #tpu.memory_space<vmem>> -> memref<1x32xf32, #tpu.memory_space<vmem>>
      %dma_start3A_239 = arith.constant 0 : i32
      %dma_start3A_240 = tpu.memref_slice %arg5[%squeeze3A_230, %dma_start3A_239] : memref<100000x32xf32, #tpu.memory_space<hbm>> -> memref<1x32xf32, #tpu.memory_space<hbm>>
      tpu.enqueue_dma source(%dma_start3A_240 : memref<1x32xf32, #tpu.memory_space<hbm>>) target(%dma_start3A_238 : memref<1x32xf32, #tpu.memory_space<vmem>>) target_semaphore(%arg17 : memref<!tpu.dma_semaphore, #tpu.memory_space<semaphore_mem>>)
    }
    %scan3A_38 = arith.constant 32 : i32
    %dma_wait3A_39 = arith.constant 0 : i32
    %dma_wait3A_40 = arith.constant 0 : i32
    %dma_wait3A_41 = tpu.memref_slice %arg5[%dma_wait3A_39, %dma_wait3A_40] : memref<100000x32xf32, #tpu.memory_space<hbm>> -> memref<512x32xf32, #tpu.memory_space<hbm>>
    %dma_wait3A_42 = arith.constant 0 : i32
    %dma_wait3A_43 = arith.constant 0 : i32
    %dma_wait3A_44 = tpu.memref_slice %arg5[%dma_wait3A_42, %dma_wait3A_43] : memref<100000x32xf32, #tpu.memory_space<hbm>> -> memref<512x32xf32, #tpu.memory_space<hbm>>
    tpu.wait_dma2 semaphore(%arg17 : memref<!tpu.dma_semaphore, #tpu.memory_space<semaphore_mem>>) src(%dma_wait3A_44 : memref<512x32xf32, #tpu.memory_space<hbm>>) dst(%arg15 : memref<512x32xf32, #tpu.memory_space<vmem>>)
    "tpu.region"() ({
      %run_scoped3A = tpu.sem_alloc : memref<!tpu.dma_semaphore, #tpu.memory_space<semaphore_mem>>
      %dma_start3A = arith.constant 0 : i32
      %dma_start3A_45 = tpu.memref_slice %arg13[%mul3A_2, %dma_start3A] : memref<16384x32xf32, #tpu.memory_space<hbm>> -> memref<512x32xf32, #tpu.memory_space<hbm>>
      %dma_start3A_46 = arith.constant 0 : i32
      %dma_start3A_47 = tpu.memref_slice %arg13[%mul3A_2, %dma_start3A_46] : memref<16384x32xf32, #tpu.memory_space<hbm>> -> memref<512x32xf32, #tpu.memory_space<hbm>>
      tpu.enqueue_dma source(%arg15 : memref<512x32xf32, #tpu.memory_space<vmem>>) target(%dma_start3A_47 : memref<512x32xf32, #tpu.memory_space<hbm>>) target_semaphore(%run_scoped3A : memref<!tpu.dma_semaphore, #tpu.memory_space<semaphore_mem>>)
      %dma_wait3A_48 = arith.constant 0 : i32
      %dma_wait3A_49 = tpu.memref_slice %arg13[%mul3A_2, %dma_wait3A_48] : memref<16384x32xf32, #tpu.memory_space<hbm>> -> memref<512x32xf32, #tpu.memory_space<hbm>>
      %dma_wait3A_50 = arith.constant 0 : i32
      %dma_wait3A_51 = tpu.memref_slice %arg13[%mul3A_2, %dma_wait3A_50] : memref<16384x32xf32, #tpu.memory_space<hbm>> -> memref<512x32xf32, #tpu.memory_space<hbm>>
      tpu.wait_dma2 semaphore(%run_scoped3A : memref<!tpu.dma_semaphore, #tpu.memory_space<semaphore_mem>>) src(%arg15 : memref<512x32xf32, #tpu.memory_space<vmem>>) dst(%dma_wait3A_51 : memref<512x32xf32, #tpu.memory_space<hbm>>)
      tpu.yield
    }) : () -> ()
    return
  }
}

#map = affine_map<(d0, d1) -> (0, 0)>
#map1 = affine_map<(d0, d1) -> (0)>
module attributes {stable_mosaic.version = 14 : i64} {
  func.func @_gather_kernel(%arg0: i32, %arg1: i32, %arg2: memref<1000000x32xf32, #tpu.memory_space<hbm>>, %arg3: memref<16384xi32, #tpu.memory_space<hbm>>, %arg4: memref<16384x32xf32, #tpu.memory_space<hbm>>, %arg5: memref<512xi32, #tpu.memory_space<vmem>>, %arg6: memref<512x32xf32, #tpu.memory_space<vmem>>, %arg7: memref<!tpu.dma_semaphore, #tpu.memory_space<semaphore_mem>>, %arg8: memref<!tpu.dma_semaphore, #tpu.memory_space<semaphore_mem>>) attributes {dimension_semantics = [#tpu.dimension_semantics<core_parallel>, #tpu.dimension_semantics<subcore_parallel>], iteration_bounds = array<i64: 2, 16>, scalar_prefetch = 0 : i64, scratch_operands = 4 : i64, tpu.core_type = #tpu.core_type<sc_vector_subcore>, window_params = [{transform_indices = #map}, {transform_indices = #map1}, {transform_indices = #map}]} {
    %mul3A = arith.constant 2 : i32
    %mul3A_0 = arith.muli %arg1, %mul3A : i32
    %add3A = arith.addi %mul3A_0, %arg0 : i32
    %mul3A_1 = arith.constant 512 : i32
    %mul3A_2 = arith.muli %add3A, %mul3A_1 : i32
    "tpu.region"() ({
      %run_scoped3A = tpu.sem_alloc : memref<!tpu.dma_semaphore, #tpu.memory_space<semaphore_mem>>
      %dma_start3A = tpu.memref_slice %arg3[%mul3A_2] : memref<16384xi32, #tpu.memory_space<hbm>> -> memref<512xi32, #tpu.memory_space<hbm>>
      %dma_start3A_12 = tpu.memref_slice %arg3[%mul3A_2] : memref<16384xi32, #tpu.memory_space<hbm>> -> memref<512xi32, #tpu.memory_space<hbm>>
      tpu.enqueue_dma source(%dma_start3A_12 : memref<512xi32, #tpu.memory_space<hbm>>) target(%arg5 : memref<512xi32, #tpu.memory_space<vmem>>) target_semaphore(%run_scoped3A : memref<!tpu.dma_semaphore, #tpu.memory_space<semaphore_mem>>)
      %dma_wait3A_13 = tpu.memref_slice %arg3[%mul3A_2] : memref<16384xi32, #tpu.memory_space<hbm>> -> memref<512xi32, #tpu.memory_space<hbm>>
      %dma_wait3A_14 = tpu.memref_slice %arg3[%mul3A_2] : memref<16384xi32, #tpu.memory_space<hbm>> -> memref<512xi32, #tpu.memory_space<hbm>>
      tpu.wait_dma2 semaphore(%run_scoped3A : memref<!tpu.dma_semaphore, #tpu.memory_space<semaphore_mem>>) src(%dma_wait3A_14 : memref<512xi32, #tpu.memory_space<hbm>>) dst(%arg5 : memref<512xi32, #tpu.memory_space<vmem>>)
      tpu.yield
    }) : () -> ()
    %scan3A = arith.constant 0 : i32
    %scan3A_3 = arith.constant 32 : i32
    %scan3A_4 = arith.addi %scan3A, %scan3A_3 : i32
    %scan3A_5 = arith.constant 1 : i32
    scf.for %scan3A_12 = %scan3A to %scan3A_4 step %scan3A_5  : i32 {
      %mul3A_13 = arith.constant 16 : i32
      %mul3A_14 = arith.muli %scan3A_12, %mul3A_13 : i32
      %add3A_15 = arith.constant 0 : i32
      %add3A_16 = arith.addi %add3A_15, %mul3A_14 : i32
      %get3A = arith.index_cast %add3A_16 : i32 to index
      %get3A_17 = tpu.vector_load %arg5[%get3A] {strides = array<i32>} : memref<512xi32, #tpu.memory_space<vmem>>, vector<16xi32>,
      %get3A_18 = vector.shape_cast %get3A_17 : vector<16xi32> to vector<16xi32>
      %slice3A = vector.extract_strided_slice %get3A_18 {offsets = [0], sizes = [1], strides = [1]} : vector<16xi32> to vector<1xi32>
      %squeeze3A = vector.extract %slice3A[0] : i32 from vector<1xi32>
      %add3A_19 = arith.constant 0 : i32
      %add3A_20 = arith.addi %add3A_16, %add3A_19 : i32
      %dma_start3A = arith.constant 0 : i32
      %dma_start3A_21 = tpu.memref_slice %arg6[%add3A_20, %dma_start3A] : memref<512x32xf32, #tpu.memory_space<vmem>> -> memref<1x32xf32, #tpu.memory_space<vmem>>
      %dma_start3A_22 = arith.constant 0 : i32
      %dma_start3A_23 = tpu.memref_slice %arg2[%squeeze3A, %dma_start3A_22] : memref<1000000x32xf32, #tpu.memory_space<hbm>> -> memref<1x32xf32, #tpu.memory_space<hbm>>
      %dma_start3A_24 = arith.constant 0 : i32
      %dma_start3A_25 = tpu.memref_slice %arg6[%add3A_20, %dma_start3A_24] : memref<512x32xf32, #tpu.memory_space<vmem>> -> memref<1x32xf32, #tpu.memory_space<vmem>>
      %dma_start3A_26 = arith.constant 0 : i32
      %dma_start3A_27 = tpu.memref_slice %arg2[%squeeze3A, %dma_start3A_26] : memref<1000000x32xf32, #tpu.memory_space<hbm>> -> memref<1x32xf32, #tpu.memory_space<hbm>>
      tpu.enqueue_dma source(%dma_start3A_27 : memref<1x32xf32, #tpu.memory_space<hbm>>) target(%dma_start3A_25 : memref<1x32xf32, #tpu.memory_space<vmem>>) target_semaphore(%arg8 : memref<!tpu.dma_semaphore, #tpu.memory_space<semaphore_mem>>)
      %slice3A_28 = vector.extract_strided_slice %get3A_18 {offsets = [1], sizes = [1], strides = [1]} : vector<16xi32> to vector<1xi32>
      %squeeze3A_29 = vector.extract %slice3A_28[0] : i32 from vector<1xi32>
      %add3A_30 = arith.constant 1 : i32
      %add3A_31 = arith.addi %add3A_16, %add3A_30 : i32
      %dma_start3A_32 = arith.constant 0 : i32
      %dma_start3A_33 = tpu.memref_slice %arg6[%add3A_31, %dma_start3A_32] : memref<512x32xf32, #tpu.memory_space<vmem>> -> memref<1x32xf32, #tpu.memory_space<vmem>>
      %dma_start3A_34 = arith.constant 0 : i32
      %dma_start3A_35 = tpu.memref_slice %arg2[%squeeze3A_29, %dma_start3A_34] : memref<1000000x32xf32, #tpu.memory_space<hbm>> -> memref<1x32xf32, #tpu.memory_space<hbm>>
      %dma_start3A_36 = arith.constant 0 : i32
      %dma_start3A_37 = tpu.memref_slice %arg6[%add3A_31, %dma_start3A_36] : memref<512x32xf32, #tpu.memory_space<vmem>> -> memref<1x32xf32, #tpu.memory_space<vmem>>
      %dma_start3A_38 = arith.constant 0 : i32
      %dma_start3A_39 = tpu.memref_slice %arg2[%squeeze3A_29, %dma_start3A_38] : memref<1000000x32xf32, #tpu.memory_space<hbm>> -> memref<1x32xf32, #tpu.memory_space<hbm>>
      tpu.enqueue_dma source(%dma_start3A_39 : memref<1x32xf32, #tpu.memory_space<hbm>>) target(%dma_start3A_37 : memref<1x32xf32, #tpu.memory_space<vmem>>) target_semaphore(%arg8 : memref<!tpu.dma_semaphore, #tpu.memory_space<semaphore_mem>>)
      %slice3A_40 = vector.extract_strided_slice %get3A_18 {offsets = [2], sizes = [1], strides = [1]} : vector<16xi32> to vector<1xi32>
      %squeeze3A_41 = vector.extract %slice3A_40[0] : i32 from vector<1xi32>
      %add3A_42 = arith.constant 2 : i32
      %add3A_43 = arith.addi %add3A_16, %add3A_42 : i32
      %dma_start3A_44 = arith.constant 0 : i32
      %dma_start3A_45 = tpu.memref_slice %arg6[%add3A_43, %dma_start3A_44] : memref<512x32xf32, #tpu.memory_space<vmem>> -> memref<1x32xf32, #tpu.memory_space<vmem>>
      %dma_start3A_46 = arith.constant 0 : i32
      %dma_start3A_47 = tpu.memref_slice %arg2[%squeeze3A_41, %dma_start3A_46] : memref<1000000x32xf32, #tpu.memory_space<hbm>> -> memref<1x32xf32, #tpu.memory_space<hbm>>
      %dma_start3A_48 = arith.constant 0 : i32
      %dma_start3A_49 = tpu.memref_slice %arg6[%add3A_43, %dma_start3A_48] : memref<512x32xf32, #tpu.memory_space<vmem>> -> memref<1x32xf32, #tpu.memory_space<vmem>>
      %dma_start3A_50 = arith.constant 0 : i32
      %dma_start3A_51 = tpu.memref_slice %arg2[%squeeze3A_41, %dma_start3A_50] : memref<1000000x32xf32, #tpu.memory_space<hbm>> -> memref<1x32xf32, #tpu.memory_space<hbm>>
      tpu.enqueue_dma source(%dma_start3A_51 : memref<1x32xf32, #tpu.memory_space<hbm>>) target(%dma_start3A_49 : memref<1x32xf32, #tpu.memory_space<vmem>>) target_semaphore(%arg8 : memref<!tpu.dma_semaphore, #tpu.memory_space<semaphore_mem>>)
      %slice3A_52 = vector.extract_strided_slice %get3A_18 {offsets = [3], sizes = [1], strides = [1]} : vector<16xi32> to vector<1xi32>
      %squeeze3A_53 = vector.extract %slice3A_52[0] : i32 from vector<1xi32>
      %add3A_54 = arith.constant 3 : i32
      %add3A_55 = arith.addi %add3A_16, %add3A_54 : i32
      %dma_start3A_56 = arith.constant 0 : i32
      %dma_start3A_57 = tpu.memref_slice %arg6[%add3A_55, %dma_start3A_56] : memref<512x32xf32, #tpu.memory_space<vmem>> -> memref<1x32xf32, #tpu.memory_space<vmem>>
      %dma_start3A_58 = arith.constant 0 : i32
      %dma_start3A_59 = tpu.memref_slice %arg2[%squeeze3A_53, %dma_start3A_58] : memref<1000000x32xf32, #tpu.memory_space<hbm>> -> memref<1x32xf32, #tpu.memory_space<hbm>>
      %dma_start3A_60 = arith.constant 0 : i32
      %dma_start3A_61 = tpu.memref_slice %arg6[%add3A_55, %dma_start3A_60] : memref<512x32xf32, #tpu.memory_space<vmem>> -> memref<1x32xf32, #tpu.memory_space<vmem>>
      %dma_start3A_62 = arith.constant 0 : i32
      %dma_start3A_63 = tpu.memref_slice %arg2[%squeeze3A_53, %dma_start3A_62] : memref<1000000x32xf32, #tpu.memory_space<hbm>> -> memref<1x32xf32, #tpu.memory_space<hbm>>
      tpu.enqueue_dma source(%dma_start3A_63 : memref<1x32xf32, #tpu.memory_space<hbm>>) target(%dma_start3A_61 : memref<1x32xf32, #tpu.memory_space<vmem>>) target_semaphore(%arg8 : memref<!tpu.dma_semaphore, #tpu.memory_space<semaphore_mem>>)
      %slice3A_64 = vector.extract_strided_slice %get3A_18 {offsets = [4], sizes = [1], strides = [1]} : vector<16xi32> to vector<1xi32>
      %squeeze3A_65 = vector.extract %slice3A_64[0] : i32 from vector<1xi32>
      %add3A_66 = arith.constant 4 : i32
      %add3A_67 = arith.addi %add3A_16, %add3A_66 : i32
      %dma_start3A_68 = arith.constant 0 : i32
      %dma_start3A_69 = tpu.memref_slice %arg6[%add3A_67, %dma_start3A_68] : memref<512x32xf32, #tpu.memory_space<vmem>> -> memref<1x32xf32, #tpu.memory_space<vmem>>
      %dma_start3A_70 = arith.constant 0 : i32
      %dma_start3A_71 = tpu.memref_slice %arg2[%squeeze3A_65, %dma_start3A_70] : memref<1000000x32xf32, #tpu.memory_space<hbm>> -> memref<1x32xf32, #tpu.memory_space<hbm>>
      %dma_start3A_72 = arith.constant 0 : i32
      %dma_start3A_73 = tpu.memref_slice %arg6[%add3A_67, %dma_start3A_72] : memref<512x32xf32, #tpu.memory_space<vmem>> -> memref<1x32xf32, #tpu.memory_space<vmem>>
      %dma_start3A_74 = arith.constant 0 : i32
      %dma_start3A_75 = tpu.memref_slice %arg2[%squeeze3A_65, %dma_start3A_74] : memref<1000000x32xf32, #tpu.memory_space<hbm>> -> memref<1x32xf32, #tpu.memory_space<hbm>>
      tpu.enqueue_dma source(%dma_start3A_75 : memref<1x32xf32, #tpu.memory_space<hbm>>) target(%dma_start3A_73 : memref<1x32xf32, #tpu.memory_space<vmem>>) target_semaphore(%arg8 : memref<!tpu.dma_semaphore, #tpu.memory_space<semaphore_mem>>)
      %slice3A_76 = vector.extract_strided_slice %get3A_18 {offsets = [5], sizes = [1], strides = [1]} : vector<16xi32> to vector<1xi32>
      %squeeze3A_77 = vector.extract %slice3A_76[0] : i32 from vector<1xi32>
      %add3A_78 = arith.constant 5 : i32
      %add3A_79 = arith.addi %add3A_16, %add3A_78 : i32
      %dma_start3A_80 = arith.constant 0 : i32
      %dma_start3A_81 = tpu.memref_slice %arg6[%add3A_79, %dma_start3A_80] : memref<512x32xf32, #tpu.memory_space<vmem>> -> memref<1x32xf32, #tpu.memory_space<vmem>>
      %dma_start3A_82 = arith.constant 0 : i32
      %dma_start3A_83 = tpu.memref_slice %arg2[%squeeze3A_77, %dma_start3A_82] : memref<1000000x32xf32, #tpu.memory_space<hbm>> -> memref<1x32xf32, #tpu.memory_space<hbm>>
      %dma_start3A_84 = arith.constant 0 : i32
      %dma_start3A_85 = tpu.memref_slice %arg6[%add3A_79, %dma_start3A_84] : memref<512x32xf32, #tpu.memory_space<vmem>> -> memref<1x32xf32, #tpu.memory_space<vmem>>
      %dma_start3A_86 = arith.constant 0 : i32
      %dma_start3A_87 = tpu.memref_slice %arg2[%squeeze3A_77, %dma_start3A_86] : memref<1000000x32xf32, #tpu.memory_space<hbm>> -> memref<1x32xf32, #tpu.memory_space<hbm>>
      tpu.enqueue_dma source(%dma_start3A_87 : memref<1x32xf32, #tpu.memory_space<hbm>>) target(%dma_start3A_85 : memref<1x32xf32, #tpu.memory_space<vmem>>) target_semaphore(%arg8 : memref<!tpu.dma_semaphore, #tpu.memory_space<semaphore_mem>>)
      %slice3A_88 = vector.extract_strided_slice %get3A_18 {offsets = [6], sizes = [1], strides = [1]} : vector<16xi32> to vector<1xi32>
      %squeeze3A_89 = vector.extract %slice3A_88[0] : i32 from vector<1xi32>
      %add3A_90 = arith.constant 6 : i32
      %add3A_91 = arith.addi %add3A_16, %add3A_90 : i32
      %dma_start3A_92 = arith.constant 0 : i32
      %dma_start3A_93 = tpu.memref_slice %arg6[%add3A_91, %dma_start3A_92] : memref<512x32xf32, #tpu.memory_space<vmem>> -> memref<1x32xf32, #tpu.memory_space<vmem>>
      %dma_start3A_94 = arith.constant 0 : i32
      %dma_start3A_95 = tpu.memref_slice %arg2[%squeeze3A_89, %dma_start3A_94] : memref<1000000x32xf32, #tpu.memory_space<hbm>> -> memref<1x32xf32, #tpu.memory_space<hbm>>
      %dma_start3A_96 = arith.constant 0 : i32
      %dma_start3A_97 = tpu.memref_slice %arg6[%add3A_91, %dma_start3A_96] : memref<512x32xf32, #tpu.memory_space<vmem>> -> memref<1x32xf32, #tpu.memory_space<vmem>>
      %dma_start3A_98 = arith.constant 0 : i32
      %dma_start3A_99 = tpu.memref_slice %arg2[%squeeze3A_89, %dma_start3A_98] : memref<1000000x32xf32, #tpu.memory_space<hbm>> -> memref<1x32xf32, #tpu.memory_space<hbm>>
      tpu.enqueue_dma source(%dma_start3A_99 : memref<1x32xf32, #tpu.memory_space<hbm>>) target(%dma_start3A_97 : memref<1x32xf32, #tpu.memory_space<vmem>>) target_semaphore(%arg8 : memref<!tpu.dma_semaphore, #tpu.memory_space<semaphore_mem>>)
      %slice3A_100 = vector.extract_strided_slice %get3A_18 {offsets = [7], sizes = [1], strides = [1]} : vector<16xi32> to vector<1xi32>
      %squeeze3A_101 = vector.extract %slice3A_100[0] : i32 from vector<1xi32>
      %add3A_102 = arith.constant 7 : i32
      %add3A_103 = arith.addi %add3A_16, %add3A_102 : i32
      %dma_start3A_104 = arith.constant 0 : i32
      %dma_start3A_105 = tpu.memref_slice %arg6[%add3A_103, %dma_start3A_104] : memref<512x32xf32, #tpu.memory_space<vmem>> -> memref<1x32xf32, #tpu.memory_space<vmem>>
      %dma_start3A_106 = arith.constant 0 : i32
      %dma_start3A_107 = tpu.memref_slice %arg2[%squeeze3A_101, %dma_start3A_106] : memref<1000000x32xf32, #tpu.memory_space<hbm>> -> memref<1x32xf32, #tpu.memory_space<hbm>>
      %dma_start3A_108 = arith.constant 0 : i32
      %dma_start3A_109 = tpu.memref_slice %arg6[%add3A_103, %dma_start3A_108] : memref<512x32xf32, #tpu.memory_space<vmem>> -> memref<1x32xf32, #tpu.memory_space<vmem>>
      %dma_start3A_110 = arith.constant 0 : i32
      %dma_start3A_111 = tpu.memref_slice %arg2[%squeeze3A_101, %dma_start3A_110] : memref<1000000x32xf32, #tpu.memory_space<hbm>> -> memref<1x32xf32, #tpu.memory_space<hbm>>
      tpu.enqueue_dma source(%dma_start3A_111 : memref<1x32xf32, #tpu.memory_space<hbm>>) target(%dma_start3A_109 : memref<1x32xf32, #tpu.memory_space<vmem>>) target_semaphore(%arg8 : memref<!tpu.dma_semaphore, #tpu.memory_space<semaphore_mem>>)
      %slice3A_112 = vector.extract_strided_slice %get3A_18 {offsets = [8], sizes = [1], strides = [1]} : vector<16xi32> to vector<1xi32>
      %squeeze3A_113 = vector.extract %slice3A_112[0] : i32 from vector<1xi32>
      %add3A_114 = arith.constant 8 : i32
      %add3A_115 = arith.addi %add3A_16, %add3A_114 : i32
      %dma_start3A_116 = arith.constant 0 : i32
      %dma_start3A_117 = tpu.memref_slice %arg6[%add3A_115, %dma_start3A_116] : memref<512x32xf32, #tpu.memory_space<vmem>> -> memref<1x32xf32, #tpu.memory_space<vmem>>
      %dma_start3A_118 = arith.constant 0 : i32
      %dma_start3A_119 = tpu.memref_slice %arg2[%squeeze3A_113, %dma_start3A_118] : memref<1000000x32xf32, #tpu.memory_space<hbm>> -> memref<1x32xf32, #tpu.memory_space<hbm>>
      %dma_start3A_120 = arith.constant 0 : i32
      %dma_start3A_121 = tpu.memref_slice %arg6[%add3A_115, %dma_start3A_120] : memref<512x32xf32, #tpu.memory_space<vmem>> -> memref<1x32xf32, #tpu.memory_space<vmem>>
      %dma_start3A_122 = arith.constant 0 : i32
      %dma_start3A_123 = tpu.memref_slice %arg2[%squeeze3A_113, %dma_start3A_122] : memref<1000000x32xf32, #tpu.memory_space<hbm>> -> memref<1x32xf32, #tpu.memory_space<hbm>>
      tpu.enqueue_dma source(%dma_start3A_123 : memref<1x32xf32, #tpu.memory_space<hbm>>) target(%dma_start3A_121 : memref<1x32xf32, #tpu.memory_space<vmem>>) target_semaphore(%arg8 : memref<!tpu.dma_semaphore, #tpu.memory_space<semaphore_mem>>)
      %slice3A_124 = vector.extract_strided_slice %get3A_18 {offsets = [9], sizes = [1], strides = [1]} : vector<16xi32> to vector<1xi32>
      %squeeze3A_125 = vector.extract %slice3A_124[0] : i32 from vector<1xi32>
      %add3A_126 = arith.constant 9 : i32
      %add3A_127 = arith.addi %add3A_16, %add3A_126 : i32
      %dma_start3A_128 = arith.constant 0 : i32
      %dma_start3A_129 = tpu.memref_slice %arg6[%add3A_127, %dma_start3A_128] : memref<512x32xf32, #tpu.memory_space<vmem>> -> memref<1x32xf32, #tpu.memory_space<vmem>>
      %dma_start3A_130 = arith.constant 0 : i32
      %dma_start3A_131 = tpu.memref_slice %arg2[%squeeze3A_125, %dma_start3A_130] : memref<1000000x32xf32, #tpu.memory_space<hbm>> -> memref<1x32xf32, #tpu.memory_space<hbm>>
      %dma_start3A_132 = arith.constant 0 : i32
      %dma_start3A_133 = tpu.memref_slice %arg6[%add3A_127, %dma_start3A_132] : memref<512x32xf32, #tpu.memory_space<vmem>> -> memref<1x32xf32, #tpu.memory_space<vmem>>
      %dma_start3A_134 = arith.constant 0 : i32
      %dma_start3A_135 = tpu.memref_slice %arg2[%squeeze3A_125, %dma_start3A_134] : memref<1000000x32xf32, #tpu.memory_space<hbm>> -> memref<1x32xf32, #tpu.memory_space<hbm>>
      tpu.enqueue_dma source(%dma_start3A_135 : memref<1x32xf32, #tpu.memory_space<hbm>>) target(%dma_start3A_133 : memref<1x32xf32, #tpu.memory_space<vmem>>) target_semaphore(%arg8 : memref<!tpu.dma_semaphore, #tpu.memory_space<semaphore_mem>>)
      %slice3A_136 = vector.extract_strided_slice %get3A_18 {offsets = [10], sizes = [1], strides = [1]} : vector<16xi32> to vector<1xi32>
      %squeeze3A_137 = vector.extract %slice3A_136[0] : i32 from vector<1xi32>
      %add3A_138 = arith.constant 10 : i32
      %add3A_139 = arith.addi %add3A_16, %add3A_138 : i32
      %dma_start3A_140 = arith.constant 0 : i32
      %dma_start3A_141 = tpu.memref_slice %arg6[%add3A_139, %dma_start3A_140] : memref<512x32xf32, #tpu.memory_space<vmem>> -> memref<1x32xf32, #tpu.memory_space<vmem>>
      %dma_start3A_142 = arith.constant 0 : i32
      %dma_start3A_143 = tpu.memref_slice %arg2[%squeeze3A_137, %dma_start3A_142] : memref<1000000x32xf32, #tpu.memory_space<hbm>> -> memref<1x32xf32, #tpu.memory_space<hbm>>
      %dma_start3A_144 = arith.constant 0 : i32
      %dma_start3A_145 = tpu.memref_slice %arg6[%add3A_139, %dma_start3A_144] : memref<512x32xf32, #tpu.memory_space<vmem>> -> memref<1x32xf32, #tpu.memory_space<vmem>>
      %dma_start3A_146 = arith.constant 0 : i32
      %dma_start3A_147 = tpu.memref_slice %arg2[%squeeze3A_137, %dma_start3A_146] : memref<1000000x32xf32, #tpu.memory_space<hbm>> -> memref<1x32xf32, #tpu.memory_space<hbm>>
      tpu.enqueue_dma source(%dma_start3A_147 : memref<1x32xf32, #tpu.memory_space<hbm>>) target(%dma_start3A_145 : memref<1x32xf32, #tpu.memory_space<vmem>>) target_semaphore(%arg8 : memref<!tpu.dma_semaphore, #tpu.memory_space<semaphore_mem>>)
      %slice3A_148 = vector.extract_strided_slice %get3A_18 {offsets = [11], sizes = [1], strides = [1]} : vector<16xi32> to vector<1xi32>
      %squeeze3A_149 = vector.extract %slice3A_148[0] : i32 from vector<1xi32>
      %add3A_150 = arith.constant 11 : i32
      %add3A_151 = arith.addi %add3A_16, %add3A_150 : i32
      %dma_start3A_152 = arith.constant 0 : i32
      %dma_start3A_153 = tpu.memref_slice %arg6[%add3A_151, %dma_start3A_152] : memref<512x32xf32, #tpu.memory_space<vmem>> -> memref<1x32xf32, #tpu.memory_space<vmem>>
      %dma_start3A_154 = arith.constant 0 : i32
      %dma_start3A_155 = tpu.memref_slice %arg2[%squeeze3A_149, %dma_start3A_154] : memref<1000000x32xf32, #tpu.memory_space<hbm>> -> memref<1x32xf32, #tpu.memory_space<hbm>>
      %dma_start3A_156 = arith.constant 0 : i32
      %dma_start3A_157 = tpu.memref_slice %arg6[%add3A_151, %dma_start3A_156] : memref<512x32xf32, #tpu.memory_space<vmem>> -> memref<1x32xf32, #tpu.memory_space<vmem>>
      %dma_start3A_158 = arith.constant 0 : i32
      %dma_start3A_159 = tpu.memref_slice %arg2[%squeeze3A_149, %dma_start3A_158] : memref<1000000x32xf32, #tpu.memory_space<hbm>> -> memref<1x32xf32, #tpu.memory_space<hbm>>
      tpu.enqueue_dma source(%dma_start3A_159 : memref<1x32xf32, #tpu.memory_space<hbm>>) target(%dma_start3A_157 : memref<1x32xf32, #tpu.memory_space<vmem>>) target_semaphore(%arg8 : memref<!tpu.dma_semaphore, #tpu.memory_space<semaphore_mem>>)
      %slice3A_160 = vector.extract_strided_slice %get3A_18 {offsets = [12], sizes = [1], strides = [1]} : vector<16xi32> to vector<1xi32>
      %squeeze3A_161 = vector.extract %slice3A_160[0] : i32 from vector<1xi32>
      %add3A_162 = arith.constant 12 : i32
      %add3A_163 = arith.addi %add3A_16, %add3A_162 : i32
      %dma_start3A_164 = arith.constant 0 : i32
      %dma_start3A_165 = tpu.memref_slice %arg6[%add3A_163, %dma_start3A_164] : memref<512x32xf32, #tpu.memory_space<vmem>> -> memref<1x32xf32, #tpu.memory_space<vmem>>
      %dma_start3A_166 = arith.constant 0 : i32
      %dma_start3A_167 = tpu.memref_slice %arg2[%squeeze3A_161, %dma_start3A_166] : memref<1000000x32xf32, #tpu.memory_space<hbm>> -> memref<1x32xf32, #tpu.memory_space<hbm>>
      %dma_start3A_168 = arith.constant 0 : i32
      %dma_start3A_169 = tpu.memref_slice %arg6[%add3A_163, %dma_start3A_168] : memref<512x32xf32, #tpu.memory_space<vmem>> -> memref<1x32xf32, #tpu.memory_space<vmem>>
      %dma_start3A_170 = arith.constant 0 : i32
      %dma_start3A_171 = tpu.memref_slice %arg2[%squeeze3A_161, %dma_start3A_170] : memref<1000000x32xf32, #tpu.memory_space<hbm>> -> memref<1x32xf32, #tpu.memory_space<hbm>>
      tpu.enqueue_dma source(%dma_start3A_171 : memref<1x32xf32, #tpu.memory_space<hbm>>) target(%dma_start3A_169 : memref<1x32xf32, #tpu.memory_space<vmem>>) target_semaphore(%arg8 : memref<!tpu.dma_semaphore, #tpu.memory_space<semaphore_mem>>)
      %slice3A_172 = vector.extract_strided_slice %get3A_18 {offsets = [13], sizes = [1], strides = [1]} : vector<16xi32> to vector<1xi32>
      %squeeze3A_173 = vector.extract %slice3A_172[0] : i32 from vector<1xi32>
      %add3A_174 = arith.constant 13 : i32
      %add3A_175 = arith.addi %add3A_16, %add3A_174 : i32
      %dma_start3A_176 = arith.constant 0 : i32
      %dma_start3A_177 = tpu.memref_slice %arg6[%add3A_175, %dma_start3A_176] : memref<512x32xf32, #tpu.memory_space<vmem>> -> memref<1x32xf32, #tpu.memory_space<vmem>>
      %dma_start3A_178 = arith.constant 0 : i32
      %dma_start3A_179 = tpu.memref_slice %arg2[%squeeze3A_173, %dma_start3A_178] : memref<1000000x32xf32, #tpu.memory_space<hbm>> -> memref<1x32xf32, #tpu.memory_space<hbm>>
      %dma_start3A_180 = arith.constant 0 : i32
      %dma_start3A_181 = tpu.memref_slice %arg6[%add3A_175, %dma_start3A_180] : memref<512x32xf32, #tpu.memory_space<vmem>> -> memref<1x32xf32, #tpu.memory_space<vmem>>
      %dma_start3A_182 = arith.constant 0 : i32
      %dma_start3A_183 = tpu.memref_slice %arg2[%squeeze3A_173, %dma_start3A_182] : memref<1000000x32xf32, #tpu.memory_space<hbm>> -> memref<1x32xf32, #tpu.memory_space<hbm>>
      tpu.enqueue_dma source(%dma_start3A_183 : memref<1x32xf32, #tpu.memory_space<hbm>>) target(%dma_start3A_181 : memref<1x32xf32, #tpu.memory_space<vmem>>) target_semaphore(%arg8 : memref<!tpu.dma_semaphore, #tpu.memory_space<semaphore_mem>>)
      %slice3A_184 = vector.extract_strided_slice %get3A_18 {offsets = [14], sizes = [1], strides = [1]} : vector<16xi32> to vector<1xi32>
      %squeeze3A_185 = vector.extract %slice3A_184[0] : i32 from vector<1xi32>
      %add3A_186 = arith.constant 14 : i32
      %add3A_187 = arith.addi %add3A_16, %add3A_186 : i32
      %dma_start3A_188 = arith.constant 0 : i32
      %dma_start3A_189 = tpu.memref_slice %arg6[%add3A_187, %dma_start3A_188] : memref<512x32xf32, #tpu.memory_space<vmem>> -> memref<1x32xf32, #tpu.memory_space<vmem>>
      %dma_start3A_190 = arith.constant 0 : i32
      %dma_start3A_191 = tpu.memref_slice %arg2[%squeeze3A_185, %dma_start3A_190] : memref<1000000x32xf32, #tpu.memory_space<hbm>> -> memref<1x32xf32, #tpu.memory_space<hbm>>
      %dma_start3A_192 = arith.constant 0 : i32
      %dma_start3A_193 = tpu.memref_slice %arg6[%add3A_187, %dma_start3A_192] : memref<512x32xf32, #tpu.memory_space<vmem>> -> memref<1x32xf32, #tpu.memory_space<vmem>>
      %dma_start3A_194 = arith.constant 0 : i32
      %dma_start3A_195 = tpu.memref_slice %arg2[%squeeze3A_185, %dma_start3A_194] : memref<1000000x32xf32, #tpu.memory_space<hbm>> -> memref<1x32xf32, #tpu.memory_space<hbm>>
      tpu.enqueue_dma source(%dma_start3A_195 : memref<1x32xf32, #tpu.memory_space<hbm>>) target(%dma_start3A_193 : memref<1x32xf32, #tpu.memory_space<vmem>>) target_semaphore(%arg8 : memref<!tpu.dma_semaphore, #tpu.memory_space<semaphore_mem>>)
      %slice3A_196 = vector.extract_strided_slice %get3A_18 {offsets = [15], sizes = [1], strides = [1]} : vector<16xi32> to vector<1xi32>
      %squeeze3A_197 = vector.extract %slice3A_196[0] : i32 from vector<1xi32>
      %add3A_198 = arith.constant 15 : i32
      %add3A_199 = arith.addi %add3A_16, %add3A_198 : i32
      %dma_start3A_200 = arith.constant 0 : i32
      %dma_start3A_201 = tpu.memref_slice %arg6[%add3A_199, %dma_start3A_200] : memref<512x32xf32, #tpu.memory_space<vmem>> -> memref<1x32xf32, #tpu.memory_space<vmem>>
      %dma_start3A_202 = arith.constant 0 : i32
      %dma_start3A_203 = tpu.memref_slice %arg2[%squeeze3A_197, %dma_start3A_202] : memref<1000000x32xf32, #tpu.memory_space<hbm>> -> memref<1x32xf32, #tpu.memory_space<hbm>>
      %dma_start3A_204 = arith.constant 0 : i32
      %dma_start3A_205 = tpu.memref_slice %arg6[%add3A_199, %dma_start3A_204] : memref<512x32xf32, #tpu.memory_space<vmem>> -> memref<1x32xf32, #tpu.memory_space<vmem>>
      %dma_start3A_206 = arith.constant 0 : i32
      %dma_start3A_207 = tpu.memref_slice %arg2[%squeeze3A_197, %dma_start3A_206] : memref<1000000x32xf32, #tpu.memory_space<hbm>> -> memref<1x32xf32, #tpu.memory_space<hbm>>
      tpu.enqueue_dma source(%dma_start3A_207 : memref<1x32xf32, #tpu.memory_space<hbm>>) target(%dma_start3A_205 : memref<1x32xf32, #tpu.memory_space<vmem>>) target_semaphore(%arg8 : memref<!tpu.dma_semaphore, #tpu.memory_space<semaphore_mem>>)
    }
    %scan3A_6 = arith.constant 32 : i32
    %dma_wait3A = arith.constant 0 : i32
    %dma_wait3A_7 = arith.constant 0 : i32
    %dma_wait3A_8 = tpu.memref_slice %arg2[%dma_wait3A, %dma_wait3A_7] : memref<1000000x32xf32, #tpu.memory_space<hbm>> -> memref<512x32xf32, #tpu.memory_space<hbm>>
    %dma_wait3A_9 = arith.constant 0 : i32
    %dma_wait3A_10 = arith.constant 0 : i32
    %dma_wait3A_11 = tpu.memref_slice %arg2[%dma_wait3A_9, %dma_wait3A_10] : memref<1000000x32xf32, #tpu.memory_space<hbm>> -> memref<512x32xf32, #tpu.memory_space<hbm>>
    tpu.wait_dma2 semaphore(%arg8 : memref<!tpu.dma_semaphore, #tpu.memory_space<semaphore_mem>>) src(%dma_wait3A_11 : memref<512x32xf32, #tpu.memory_space<hbm>>) dst(%arg6 : memref<512x32xf32, #tpu.memory_space<vmem>>)
    "tpu.region"() ({
      %run_scoped3A = tpu.sem_alloc : memref<!tpu.dma_semaphore, #tpu.memory_space<semaphore_mem>>
      %dma_start3A = arith.constant 0 : i32
      %dma_start3A_12 = tpu.memref_slice %arg4[%mul3A_2, %dma_start3A] : memref<16384x32xf32, #tpu.memory_space<hbm>> -> memref<512x32xf32, #tpu.memory_space<hbm>>
      %dma_start3A_13 = arith.constant 0 : i32
      %dma_start3A_14 = tpu.memref_slice %arg4[%mul3A_2, %dma_start3A_13] : memref<16384x32xf32, #tpu.memory_space<hbm>> -> memref<512x32xf32, #tpu.memory_space<hbm>>
      tpu.enqueue_dma source(%arg6 : memref<512x32xf32, #tpu.memory_space<vmem>>) target(%dma_start3A_14 : memref<512x32xf32, #tpu.memory_space<hbm>>) target_semaphore(%run_scoped3A : memref<!tpu.dma_semaphore, #tpu.memory_space<semaphore_mem>>)
      %dma_wait3A_15 = arith.constant 0 : i32
      %dma_wait3A_16 = tpu.memref_slice %arg4[%mul3A_2, %dma_wait3A_15] : memref<16384x32xf32, #tpu.memory_space<hbm>> -> memref<512x32xf32, #tpu.memory_space<hbm>>
      %dma_wait3A_17 = arith.constant 0 : i32
      %dma_wait3A_18 = tpu.memref_slice %arg4[%mul3A_2, %dma_wait3A_17] : memref<16384x32xf32, #tpu.memory_space<hbm>> -> memref<512x32xf32, #tpu.memory_space<hbm>>
      tpu.wait_dma2 semaphore(%run_scoped3A : memref<!tpu.dma_semaphore, #tpu.memory_space<semaphore_mem>>) src(%arg6 : memref<512x32xf32, #tpu.memory_space<vmem>>) dst(%dma_wait3A_18 : memref<512x32xf32, #tpu.memory_space<hbm>>)
      tpu.yield
    }) : () -> ()
    return
  }
}

module attributes {stable_mosaic.version = 14 : i64} {
  func.func @_mlp_kernel(%arg0: i32, %arg1: memref<2048x32xf32, #tpu.memory_space<vmem>>, %arg2: memref<2048x32xf32, #tpu.memory_space<vmem>>, %arg3: memref<2048x32xf32, #tpu.memory_space<vmem>>, %arg4: memref<2048x32xf32, #tpu.memory_space<vmem>>, %arg5: memref<2048x32xf32, #tpu.memory_space<vmem>>, %arg6: memref<2048x8xf32, #tpu.memory_space<vmem>>, %arg7: memref<2048x128xf32, #tpu.memory_space<vmem>>, %arg8: memref<8x96xf32, #tpu.memory_space<vmem>>, %arg9: memref<1x96xf32, #tpu.memory_space<vmem>>, %arg10: memref<96x96xf32, #tpu.memory_space<vmem>>, %arg11: memref<1x96xf32, #tpu.memory_space<vmem>>, %arg12: memref<128x32xf32, #tpu.memory_space<vmem>>, %arg13: memref<1x32xf32, #tpu.memory_space<vmem>>, %arg14: memref<288x128xf32, #tpu.memory_space<vmem>>, %arg15: memref<1x128xf32, #tpu.memory_space<vmem>>, %arg16: memref<128x32xf32, #tpu.memory_space<vmem>>, %arg17: memref<1x32xf32, #tpu.memory_space<vmem>>, %arg18: memref<2048x32xf32, #tpu.memory_space<vmem>>) attributes {dimension_semantics = [#tpu.dimension_semantics<arbitrary>], iteration_bounds = array<i64: 8>, scalar_prefetch = 0 : i64, scratch_operands = 0 : i64, tpu.core_type = #tpu.core_type<tc>, window_params = [{transform_indices = @transform_0, window_bounds = array<i64: 2048, 32>}, {transform_indices = @transform_1, window_bounds = array<i64: 2048, 32>}, {transform_indices = @transform_2, window_bounds = array<i64: 2048, 32>}, {transform_indices = @transform_3, window_bounds = array<i64: 2048, 32>}, {transform_indices = @transform_4, window_bounds = array<i64: 2048, 32>}, {transform_indices = @transform_5, window_bounds = array<i64: 2048, 8>}, {transform_indices = @transform_6, window_bounds = array<i64: 2048, 128>}, {pipeline_mode = #tpu.pipeline_mode<synchronous>, transform_indices = @transform_7, window_bounds = array<i64: 8, 96>}, {pipeline_mode = #tpu.pipeline_mode<synchronous>, transform_indices = @transform_8, window_bounds = array<i64: 1, 96>}, {pipeline_mode = #tpu.pipeline_mode<synchronous>, transform_indices = @transform_9, window_bounds = array<i64: 96, 96>}, {pipeline_mode = #tpu.pipeline_mode<synchronous>, transform_indices = @transform_10, window_bounds = array<i64: 1, 96>}, {pipeline_mode = #tpu.pipeline_mode<synchronous>, transform_indices = @transform_11, window_bounds = array<i64: 128, 32>}, {pipeline_mode = #tpu.pipeline_mode<synchronous>, transform_indices = @transform_12, window_bounds = array<i64: 1, 32>}, {pipeline_mode = #tpu.pipeline_mode<synchronous>, transform_indices = @transform_13, window_bounds = array<i64: 288, 128>}, {pipeline_mode = #tpu.pipeline_mode<synchronous>, transform_indices = @transform_14, window_bounds = array<i64: 1, 128>}, {pipeline_mode = #tpu.pipeline_mode<synchronous>, transform_indices = @transform_15, window_bounds = array<i64: 128, 32>}, {pipeline_mode = #tpu.pipeline_mode<synchronous>, transform_indices = @transform_16, window_bounds = array<i64: 1, 32>}, {transform_indices = @transform_17, window_bounds = array<i64: 2048, 32>}]} {
    %get3A = arith.constant 0 : index
    %get3A_0 = arith.constant 0 : index
    %get3A_1 = vector.load %arg6[%get3A, %get3A_0] : memref<2048x8xf32, #tpu.memory_space<vmem>>, vector<2048x8xf32>
    %get3A_2 = arith.constant 0 : index
    %get3A_3 = arith.constant 0 : index
    %get3A_4 = vector.load %arg8[%get3A_2, %get3A_3] : memref<8x96xf32, #tpu.memory_space<vmem>>, vector<8x96xf32>
    %dot_general3A = arith.constant dense<0.000000e+00> : vector<2048x96xf32>
    %dot_general3A_5 = tpu.matmul %get3A_1, %get3A_4, %dot_general3A {dimension_numbers = #tpu.dot_dimension_numbers<[1], [0], [0], [1], [0, 0, 1, 1], [], []>, transpose_lhs_hint = false} : vector<2048x8xf32>, vector<8x96xf32>, vector<2048x96xf32> -> vector<2048x96xf32>
    %get3A_6 = arith.constant 0 : index
    %get3A_7 = arith.constant 0 : index
    %get3A_8 = vector.load %arg9[%get3A_6, %get3A_7] : memref<1x96xf32, #tpu.memory_space<vmem>>, vector<1x96xf32>
    %add3A = vector.broadcast %get3A_8 : vector<1x96xf32> to vector<2048x96xf32>
    %add3A_9 = arith.addf %dot_general3A_5, %add3A : vector<2048x96xf32>
    %max3A = arith.constant 0.000000e+00 : f32
    %max3A_10 = vector.broadcast %max3A : f32 to vector<2048x96xf32>
    %max3A_11 = arith.maximumf %add3A_9, %max3A_10 : vector<2048x96xf32>
    %get3A_12 = arith.constant 0 : index
    %get3A_13 = arith.constant 0 : index
    %get3A_14 = vector.load %arg10[%get3A_12, %get3A_13] : memref<96x96xf32, #tpu.memory_space<vmem>>, vector<96x96xf32>
    %dot_general3A_15 = arith.constant dense<0.000000e+00> : vector<2048x96xf32>
    %dot_general3A_16 = tpu.matmul %max3A_11, %get3A_14, %dot_general3A_15 {dimension_numbers = #tpu.dot_dimension_numbers<[1], [0], [0], [1], [0, 0, 1, 1], [], []>, transpose_lhs_hint = false} : vector<2048x96xf32>, vector<96x96xf32>, vector<2048x96xf32> -> vector<2048x96xf32>
    %get3A_17 = arith.constant 0 : index
    %get3A_18 = arith.constant 0 : index
    %get3A_19 = vector.load %arg11[%get3A_17, %get3A_18] : memref<1x96xf32, #tpu.memory_space<vmem>>, vector<1x96xf32>
    %add3A_20 = vector.broadcast %get3A_19 : vector<1x96xf32> to vector<2048x96xf32>
    %add3A_21 = arith.addf %dot_general3A_16, %add3A_20 : vector<2048x96xf32>
    %get3A_22 = arith.constant 0 : index
    %get3A_23 = arith.constant 0 : index
    %get3A_24 = vector.load %arg7[%get3A_22, %get3A_23] : memref<2048x128xf32, #tpu.memory_space<vmem>>, vector<2048x128xf32>
    %get3A_25 = arith.constant 0 : index
    %get3A_26 = arith.constant 0 : index
    %get3A_27 = vector.load %arg12[%get3A_25, %get3A_26] : memref<128x32xf32, #tpu.memory_space<vmem>>, vector<128x32xf32>
    %dot_general3A_28 = arith.constant dense<0.000000e+00> : vector<2048x32xf32>
    %dot_general3A_29 = tpu.matmul %get3A_24, %get3A_27, %dot_general3A_28 {dimension_numbers = #tpu.dot_dimension_numbers<[1], [0], [0], [1], [0, 0, 1, 1], [], []>, transpose_lhs_hint = false} : vector<2048x128xf32>, vector<128x32xf32>, vector<2048x32xf32> -> vector<2048x32xf32>
    %get3A_30 = arith.constant 0 : index
    %get3A_31 = arith.constant 0 : index
    %get3A_32 = vector.load %arg13[%get3A_30, %get3A_31] : memref<1x32xf32, #tpu.memory_space<vmem>>, vector<1x32xf32>
    %add3A_33 = vector.broadcast %get3A_32 : vector<1x32xf32> to vector<2048x32xf32>
    %add3A_34 = arith.addf %dot_general3A_29, %add3A_33 : vector<2048x32xf32>
    %get3A_35 = arith.constant 0 : index
    %get3A_36 = arith.constant 0 : index
    %get3A_37 = vector.load %arg1[%get3A_35, %get3A_36] : memref<2048x32xf32, #tpu.memory_space<vmem>>, vector<2048x32xf32>
    %get3A_38 = arith.constant 0 : index
    %get3A_39 = arith.constant 0 : index
    %get3A_40 = vector.load %arg2[%get3A_38, %get3A_39] : memref<2048x32xf32, #tpu.memory_space<vmem>>, vector<2048x32xf32>
    %get3A_41 = arith.constant 0 : index
    %get3A_42 = arith.constant 0 : index
    %get3A_43 = vector.load %arg3[%get3A_41, %get3A_42] : memref<2048x32xf32, #tpu.memory_space<vmem>>, vector<2048x32xf32>
    %get3A_44 = arith.constant 0 : index
    %get3A_45 = arith.constant 0 : index
    %get3A_46 = vector.load %arg4[%get3A_44, %get3A_45] : memref<2048x32xf32, #tpu.memory_space<vmem>>, vector<2048x32xf32>
    %get3A_47 = arith.constant 0 : index
    %get3A_48 = arith.constant 0 : index
    %get3A_49 = vector.load %arg5[%get3A_47, %get3A_48] : memref<2048x32xf32, #tpu.memory_space<vmem>>, vector<2048x32xf32>
    %concatenate3A = tpu.concatenate %get3A_37, %get3A_40, %get3A_43, %get3A_46, %get3A_49, %add3A_21, %add3A_34 in 1 : vector<2048x32xf32>, vector<2048x32xf32>, vector<2048x32xf32>, vector<2048x32xf32>, vector<2048x32xf32>, vector<2048x96xf32>, vector<2048x32xf32> -> vector<2048x288xf32>
    %get3A_50 = arith.constant 0 : index
    %get3A_51 = arith.constant 0 : index
    %get3A_52 = vector.load %arg14[%get3A_50, %get3A_51] : memref<288x128xf32, #tpu.memory_space<vmem>>, vector<288x128xf32>
    %dot_general3A_53 = arith.constant dense<0.000000e+00> : vector<2048x128xf32>
    %dot_general3A_54 = tpu.matmul %concatenate3A, %get3A_52, %dot_general3A_53 {dimension_numbers = #tpu.dot_dimension_numbers<[1], [0], [0], [1], [0, 0, 1, 1], [], []>, transpose_lhs_hint = false} : vector<2048x288xf32>, vector<288x128xf32>, vector<2048x128xf32> -> vector<2048x128xf32>
    %get3A_55 = arith.constant 0 : index
    %get3A_56 = arith.constant 0 : index
    %get3A_57 = vector.load %arg15[%get3A_55, %get3A_56] : memref<1x128xf32, #tpu.memory_space<vmem>>, vector<1x128xf32>
    %add3A_58 = vector.broadcast %get3A_57 : vector<1x128xf32> to vector<2048x128xf32>
    %add3A_59 = arith.addf %dot_general3A_54, %add3A_58 : vector<2048x128xf32>
    %max3A_60 = arith.constant 0.000000e+00 : f32
    %max3A_61 = vector.broadcast %max3A_60 : f32 to vector<2048x128xf32>
    %max3A_62 = arith.maximumf %add3A_59, %max3A_61 : vector<2048x128xf32>
    %get3A_63 = arith.constant 0 : index
    %get3A_64 = arith.constant 0 : index
    %get3A_65 = vector.load %arg16[%get3A_63, %get3A_64] : memref<128x32xf32, #tpu.memory_space<vmem>>, vector<128x32xf32>
    %dot_general3A_66 = arith.constant dense<0.000000e+00> : vector<2048x32xf32>
    %dot_general3A_67 = tpu.matmul %max3A_62, %get3A_65, %dot_general3A_66 {dimension_numbers = #tpu.dot_dimension_numbers<[1], [0], [0], [1], [0, 0, 1, 1], [], []>, transpose_lhs_hint = false} : vector<2048x128xf32>, vector<128x32xf32>, vector<2048x32xf32> -> vector<2048x32xf32>
    %get3A_68 = arith.constant 0 : index
    %get3A_69 = arith.constant 0 : index
    %get3A_70 = vector.load %arg17[%get3A_68, %get3A_69] : memref<1x32xf32, #tpu.memory_space<vmem>>, vector<1x32xf32>
    %add3A_71 = vector.broadcast %get3A_70 : vector<1x32xf32> to vector<2048x32xf32>
    %add3A_72 = arith.addf %dot_general3A_67, %add3A_71 : vector<2048x32xf32>
    %swap3A = arith.constant 0 : index
    %swap3A_73 = arith.constant 0 : index
    %swap3A_74 = vector.load %arg18[%swap3A, %swap3A_73] : memref<2048x32xf32, #tpu.memory_space<vmem>>, vector<2048x32xf32>
    tpu.vector_store %arg18[%swap3A, %swap3A_73], %add3A_72 {strides = array<i32>} : memref<2048x32xf32, #tpu.memory_space<vmem>>, vector<2048x32xf32>,
    return
  }
  func.func @transform_0(%arg0: i32) -> (i32, i32) {
    %c0_i32 = arith.constant 0 : i32
    %c0_i32_0 = arith.constant 0 : i32
    return %arg0, %c0_i32 : i32, i32
  }
  func.func @transform_1(%arg0: i32) -> (i32, i32) {
    %c0_i32 = arith.constant 0 : i32
    %c0_i32_0 = arith.constant 0 : i32
    return %arg0, %c0_i32 : i32, i32
  }
  func.func @transform_2(%arg0: i32) -> (i32, i32) {
    %c0_i32 = arith.constant 0 : i32
    %c0_i32_0 = arith.constant 0 : i32
    return %arg0, %c0_i32 : i32, i32
  }
  func.func @transform_3(%arg0: i32) -> (i32, i32) {
    %c0_i32 = arith.constant 0 : i32
    %c0_i32_0 = arith.constant 0 : i32
    return %arg0, %c0_i32 : i32, i32
  }
  func.func @transform_4(%arg0: i32) -> (i32, i32) {
    %c0_i32 = arith.constant 0 : i32
    %c0_i32_0 = arith.constant 0 : i32
    return %arg0, %c0_i32 : i32, i32
  }
  func.func @transform_5(%arg0: i32) -> (i32, i32) {
    %c0_i32 = arith.constant 0 : i32
    %c0_i32_0 = arith.constant 0 : i32
    return %arg0, %c0_i32 : i32, i32
  }
  func.func @transform_6(%arg0: i32) -> (i32, i32) {
    %c0_i32 = arith.constant 0 : i32
    %c0_i32_0 = arith.constant 0 : i32
    return %arg0, %c0_i32 : i32, i32
  }
  func.func @transform_7(%arg0: i32) -> (i32, i32) {
    %c0_i32 = arith.constant 0 : i32
    %c0_i32_0 = arith.constant 0 : i32
    %c0_i32_1 = arith.constant 0 : i32
    return %c0_i32, %c0_i32_0 : i32, i32
  }
  func.func @transform_8(%arg0: i32) -> (i32, i32) {
    %c0_i32 = arith.constant 0 : i32
    %c0_i32_0 = arith.constant 0 : i32
    %c0_i32_1 = arith.constant 0 : i32
    return %c0_i32, %c0_i32_0 : i32, i32
  }
  func.func @transform_9(%arg0: i32) -> (i32, i32) {
    %c0_i32 = arith.constant 0 : i32
    %c0_i32_0 = arith.constant 0 : i32
    %c0_i32_1 = arith.constant 0 : i32
    return %c0_i32, %c0_i32_0 : i32, i32
  }
  func.func @transform_10(%arg0: i32) -> (i32, i32) {
    %c0_i32 = arith.constant 0 : i32
    %c0_i32_0 = arith.constant 0 : i32
    %c0_i32_1 = arith.constant 0 : i32
    return %c0_i32, %c0_i32_0 : i32, i32
  }
  func.func @transform_11(%arg0: i32) -> (i32, i32) {
    %c0_i32 = arith.constant 0 : i32
    %c0_i32_0 = arith.constant 0 : i32
    %c0_i32_1 = arith.constant 0 : i32
    return %c0_i32, %c0_i32_0 : i32, i32
  }
  func.func @transform_12(%arg0: i32) -> (i32, i32) {
    %c0_i32 = arith.constant 0 : i32
    %c0_i32_0 = arith.constant 0 : i32
    %c0_i32_1 = arith.constant 0 : i32
    return %c0_i32, %c0_i32_0 : i32, i32
  }
  func.func @transform_13(%arg0: i32) -> (i32, i32) {
    %c0_i32 = arith.constant 0 : i32
    %c0_i32_0 = arith.constant 0 : i32
    %c0_i32_1 = arith.constant 0 : i32
    return %c0_i32, %c0_i32_0 : i32, i32
  }
  func.func @transform_14(%arg0: i32) -> (i32, i32) {
    %c0_i32 = arith.constant 0 : i32
    %c0_i32_0 = arith.constant 0 : i32
    %c0_i32_1 = arith.constant 0 : i32
    return %c0_i32, %c0_i32_0 : i32, i32
  }
  func.func @transform_15(%arg0: i32) -> (i32, i32) {
    %c0_i32 = arith.constant 0 : i32
    %c0_i32_0 = arith.constant 0 : i32
    %c0_i32_1 = arith.constant 0 : i32
    return %c0_i32, %c0_i32_0 : i32, i32
  }
  func.func @transform_16(%arg0: i32) -> (i32, i32) {
    %c0_i32 = arith.constant 0 : i32
    %c0_i32_0 = arith.constant 0 : i32
    %c0_i32_1 = arith.constant 0 : i32
    return %c0_i32, %c0_i32_0 : i32, i32
  }
  func.func @transform_17(%arg0: i32) -> (i32, i32) {
    %c0_i32 = arith.constant 0 : i32
    %c0_i32_0 = arith.constant 0 : i32
    return %arg0, %c0_i32 : i32, i32
  }
}

</mosaic_0001>

<sc_bundles>
// kernel: kernel.5.cloned.1.call-start
scs
__scs_entry_jumppad:
0x0: {  	(pc) =	sbr.rel $0x88, $3  }
0x1: {  	(tag) =	ssettag $0x0;
	lr =	simm.s32 $0x1  }
0x2: {  	[smem:$0x3F8B] =	sst lr;
	_ =	strace $0xD0000000  }
0x3: {  	_ = 	snop  }
0x4: {  	_ = 	snop  }
0x5: {  	_ = 	snop  }
0x6: {  	_ = 	snop  }
0x7: {  	_ = 	snop  }
__scs_overlays_trampoline_lowered:
0x8: {  	[smem:$0x3F9A] =	sst s0  }
0x9: {  	[smem:$0x3F9B] =	sst s1  }
0xa: {  	[smem:$0x3F9C] =	sst s2  }
0xb: {  	[smem:$0x3F9D] =	sst s3  }
0xc: {  	[smem:$0x3F9E] =	sst s4  }
0xd: {  	[smem:$0x3F9F] =	sst s5  }
0xe: {  	[smem:$0x3FA0] =	sst s6  }
0xf: {  	[smem:$0x3FA1] =	sst s7  }
0x10: {  	[smem:$0x3FA2] =	sst s8  }
0x11: {  	[smem:$0x3FA3] =	sst s9;
	s0 =	simm.s32 @!p0 $0x0  }
0x12: {  	s1 =	sld [smem:$0x3F89];
	s0 =	simm.s32 @p0 $0x1  }
0x13: {  	[smem:$0x3FA4] =	sst s0;
	s0 =	simm.s32 @!p1 $0x0  }
0x14: {  	s2 =	sld [smem:$0x3F88];
	s0 =	simm.s32 @p1 $0x1  }
0x15: {  	[smem:$0x3FA5] =	sst s0;
	s0 =	simm.s32 @!p2 $0x0  }
0x16: {  	s3 =	sld [smem:$0x3FDB];
	s0 =	simm.s32 @p2 $0x1  }
0x17: {  	s4 =	simm.s32 $0x1BF5;
	[smem:$0x3FA7] =	sst s0  }
0x18: {  	s0 =	sld [smem:$0x3F8A];
	_ =	swait.ge [sflag:s4], $0x0  }
0x19: {  	s7 =	sld [smem:$0x3F8B]  }
0x1a: {  	s8 =	sadd.s32 $0xFFFFE003, lr  }
0x1b: {  	s9 =	sadd.s32 $0xFFFFFEF7, lr;
	s5 =	simm.s32 $0xFFFFFFFF;
	p2 =	slt.u32 s8, $0xFFFFF086  }
0x1c: {  	p1 =	slt.u32 s9, $0xF7A;
	s5 =	simm.s32 @!p2 $0x0  }
0x1d: {  	s5 =	simm.s32 @p1 $0x1;
	p0 =	seq.s32 s7, s2  }
0x1e: {  	s7 =	smul.u32 @!p0 $0xF7A, s2;
	p2 =	seq.s32 @!p0 s5, $0x0  }
0x1f: {  	s9 =	smul.u32 $0xF7A, s1;
	s8 =	simm.s32 @!p0 $0x1BF5;
	p2 =	por !p2, p0  }
0x20: {  	[sflag:s8] =	ssyncset.s32 @!p0 $0xFFFFF086;
	s6 =	sadd.s32 @!p0 s3, s7;
	s7 =	simm.s32 @!p0 $0x108  }
0x21: {  	s3 =	sadd.s32 s3, s9;
	s6 =	sadd.s32 @!p0 $0x88, s6;
	s7 =	simm.s32 @p2 $0x1082  }
0x22: {  	[simem:s7], [sflag:s8] =	dma.local @!p0 [hbm:s6], $0xF7A  }
0x23: {  	s9 =	sor.u32 $0xD0000000, s2;
	s6 =	simm.s32 $0x108;
	_ =	swait.ge @!p0 [sflag:s8], $0x0  }
0x24: {  	s3 =	sadd.s32 $0x88, s3;
	s6 =	simm.s32 @!p1 $0x1082;
	[sflag:s4] =	ssyncset.s32 $0xFFFFF086  }
0x25: {  	[simem:s6], [sflag:s4] =	dma.local [hbm:s3], $0xF7A  }
0x26: {  	[smem:$0x3F8B] =	sst s1;
	(tag) =	ssettag s2;
	_ =	strace s9  }
0x27: {  	s1 =	sld [smem:$0x3F9B]  }
0x28: {  	s2 =	sld [smem:$0x3F9C]  }
0x29: {  	s4 =	sld [smem:$0x3F9E]  }
0x2a: {  	p0 =	seq.s32 s5, $0x0;
	s5 =	sld [smem:$0x3F9F]  }
0x2b: {  	s6 =	sld [smem:$0x3FA0]  }
0x2c: {  	s7 =	sld [smem:$0x3FA1]  }
0x2d: {  	s3 =	simm.s32 $0x108;
	s8 =	sld [smem:$0x3FA2]  }
0x2e: {  	s3 =	simm.s32 @!p0 $0x1082;
	s9 =	sld [smem:$0x3FA3]  }
0x2f: {  	lr =	sadd.s32 s0, s3;
	s0 =	sld [smem:$0x3F9A]  }
0x30: {  	s3 =	sld [smem:$0x3F9D]  }
0x31: {  	[smem:$0x3FA6] =	sst s10  }
0x32: {  	s10 =	sld [smem:$0x3FA4];
	_ =	sdelay $0x3  }
0x33: {  	p0 =	seq.s32 s10, $0x1;
	s10 =	sld [smem:$0x3FA6];
	_ =	sdelay $0x3  }
0x34: {  	[smem:$0x3FA6] =	sst s10  }
0x35: {  	s10 =	sld [smem:$0x3FA5];
	_ =	sdelay $0x3  }
0x36: {  	p1 =	seq.s32 s10, $0x1;
	s10 =	sld [smem:$0x3FA6];
	_ =	sdelay $0x3  }
0x37: {  	[smem:$0x3FA6] =	sst s10  }
0x38: {  	s10 =	sld [smem:$0x3FA7]  }
0x39: {  	_ = 	snop;
	(pc) =	sbr.ind lr, $3  }
0x3a: {  	_ = 	snop  }
0x3b: {  	_ = 	snop  }
0x3c: {  	p2 =	seq.s32 s10, $0x1;
	s10 =	sld [smem:$0x3FA6]  }
0x3d: {  	_ =	shalt  }
0x3e: {  	_ =	shalt  }
0x3f: {  	_ =	shalt  }
0x40: {  	_ =	shalt  }
0x41: {  	_ =	shalt  }
0x42: {  	_ =	shalt  }
0x43: {  	_ =	shalt  }
0x44: {  	_ =	shalt  }
0x45: {  	_ =	shalt  }
0x46: {  	_ =	shalt  }
0x47: {  	_ =	shalt  }
0x48: {  	_ =	shalt  }
0x49: {  	_ =	shalt  }
0x4a: {  	_ =	shalt  }
0x4b: {  	_ =	shalt  }
0x4c: {  	_ =	shalt  }
0x4d: {  	_ =	shalt  }
0x4e: {  	_ =	shalt  }
0x4f: {  	_ =	shalt  }
0x50: {  	_ =	shalt  }
0x51: {  	_ =	shalt  }
0x52: {  	_ =	shalt  }
0x53: {  	_ =	shalt  }
0x54: {  	_ =	shalt  }
0x55: {  	_ =	shalt  }
0x56: {  	_ =	shalt  }
0x57: {  	_ =	shalt  }
0x58: {  	_ =	shalt  }
0x59: {  	_ =	shalt  }
0x5a: {  	_ =	shalt  }
0x5b: {  	_ =	shalt  }
0x5c: {  	_ =	shalt  }
0x5d: {  	_ =	shalt  }
0x5e: {  	_ =	shalt  }
0x5f: {  	_ =	shalt  }
0x60: {  	_ =	shalt  }
0x61: {  	_ =	shalt  }
0x62: {  	_ =	shalt  }
0x63: {  	_ =	shalt  }
0x64: {  	_ =	shalt  }
0x65: {  	_ =	shalt  }
0x66: {  	_ =	shalt  }
0x67: {  	_ =	shalt  }
0x68: {  	_ =	shalt  }
0x69: {  	_ =	shalt  }
0x6a: {  	_ =	shalt  }
0x6b: {  	_ =	shalt  }
0x6c: {  	_ =	shalt  }
0x6d: {  	_ =	shalt  }
0x6e: {  	_ =	shalt  }
0x6f: {  	_ =	shalt  }
0x70: {  	_ =	shalt  }
0x71: {  	_ =	shalt  }
0x72: {  	_ =	shalt  }
0x73: {  	_ =	shalt  }
0x74: {  	_ =	shalt  }
0x75: {  	_ =	shalt  }
0x76: {  	_ =	shalt  }
0x77: {  	_ =	shalt  }
0x78: {  	_ =	shalt  }
0x79: {  	_ =	shalt  }
0x7a: {  	_ =	shalt  }
0x7b: {  	_ =	shalt  }
0x7c: {  	_ =	shalt  }
0x7d: {  	_ =	shalt  }
0x7e: {  	_ =	shalt  }
0x7f: {  	_ =	shalt  }
0x80: {  	_ =	shalt  }
0x81: {  	_ =	shalt  }
0x82: {  	_ =	shalt  }
0x83: {  	_ =	shalt  }
0x84: {  	_ =	shalt  }
0x85: {  	_ =	shalt  }
0x86: {  	_ =	shalt  }
0x87: {  	_ =	shalt  }
.Lfunc_end0:
.L_simem_size_0:
called_computation_lowered:
.L_overlay_start_0:
0x88: {  	s2 =	sld [smem:$0x3FD9]  }
0x89: {  	s3 =	sld [smem:$0x3FFE];
	_ =	sdelay $0x1  }
0x8a: {  	s1 =	srdreg.scid  }
0x8b: {  	s0 =	sand.u32 $0x1, s1  }
0x8c: {  	s17 =	sshll.u32 s0, $0xA;
	s2 =	sadd.s32 s3, s2  }
0x8d: {  	s2 =	sadd.s32 s2, s17  }
0x8e: {  	[smem:$0x3FB2] =	sst s2  }
0x8f: {  	_ = 	snop  }
0x90: {  	s2 =	sld [smem:$0x3FC8]  }
0x91: {  	s18 =	sld [smem:$0x3FC7]  }
0x92: {  	s4 =	sld [smem:$0x3FC6]  }
0x93: {  	s5 =	sld [smem:$0x3FC5];
	(tm) =	ssettm $0x1  }
0x94: {  	s6 =	sld [smem:$0x3FFB];
	_ =	sdelay $0x3  }
0x95: {  	_ =	strace s6  }
0x96: {  	s6 =	sld [smem:$0x3FFC];
	_ =	sdelay $0x3  }
0x97: {  	_ =	strace s6  }
0x98: {  	s6 =	sld [smem:$0x3FFD];
	_ =	sdelay $0x3  }
0x99: {  	_ =	strace s6  }
0x9a: {  	_ =	strace $0x8FFFFFFF  }
0x9b: {  	s19 =	sld [smem:$0x3FDB];
	_ =	sdelay $0x1  }
0x9c: {  	s7 =	simm.s32 $_scs_section_size  }
0x9d: {  	s8 =	simm.s32 $_size__tile_overlayer_lowered;
	s9 =	simm.s32 $_tile_overlayer_lowered  }
0x9e: {  	s22 =	simm.s32 $0x1BFF;
	s21 =	sshll.u32 s9, $0x1;
	s6 =	sadd.s32 s7, s19  }
0x9f: {  	s10 =	simm.s32 $0x0;
	s20 =	sshll.u32 s8, $0x1;
	s8 =	sadd.s32 s21, s6  }
0xa0: {  	[timem:s10], [sflag:s22] =	dma.local [hbm:s8], s20  }
0xa1: {  	_ =	swait.ge [sflag:s22], s20  }
0xa2: {  	s7 =	ssub.s32 $0x0, s20;
	[sflag:s22] =	ssyncset.done $0x0  }
0xa3: {  	[sflag:s22] =	ssyncadd.s32 s7;
	_ =	sdelay $0x1  }
0xa4: {  	s23 =	simm.s32 $0x1B8B  }
0xa5: {  	_ =	swait.ge [sflag:s23], $0x1  }
0xa6: {  	[sflag:s23] =	ssyncset.done $0x0  }
0xa7: {  	s25 =	simm.s32 $0x1B8E;
	s24 =	sld [smem:$0x3FFE];
	[sflag:s23] =	ssyncadd.s32 $0xFFFFFFFF  }
0xa8: {  	s26 =	simm.s32 $execute0_lowered;
	[smem:$0x3FD2] =	sst s25  }
0xa9: {  	s8 =	sshll.u32 s26, $0x1;
	_ =	strace $0x80000046;
	[dreg:$0x1] =	wrdreg $0xFFFFFFFF  }
0xaa: {  	s28 =	simm.s32 $_size_execute0_lowered;
	s6 =	sadd.s32 s6, s8;
	[dreg:$0x0] =	wrdreg $0x0  }
0xab: {  	s8 =	sshll.u32 s28, $0x1;
	[dreg:$0x2] =	wrdreg s6  }
0xac: {  	[dreg:$0x3] =	wrdreg s8  }
0xad: {  	[dreg:$0x4] =	wrdreg $0xC0  }
0xae: {  	_ =	task [dreg:s10], $0x5FFFF  }
0xaf: {  	[dreg:$0x1] =	wrdreg $0xFFFFFFFF  }
0xb0: {  	[dreg:$0x0] =	wrdreg $0x60  }
0xb1: {  	[dreg:$0x2] =	wrdreg s24  }
0xb2: {  	[dreg:$0x3] =	wrdreg s2  }
0xb3: {  	[dreg:$0x4] =	wrdreg s18  }
0xb4: {  	[dreg:$0x5] =	wrdreg s4  }
0xb5: {  	[dreg:$0x6] =	wrdreg s5  }
0xb6: {  	[dreg:$0x7] =	wrdreg $0x9  }
0xb7: {  	_ =	task.clear_ibuf [dreg:s10], $0x8FFFF;
	_ =	strace $0x90000046  }
0xb8: {  	s29 =	simm.s32 $0x9;
	_ =	strace $0x80000048  }
0xb9: {  	_ =	swait.ge [sflag:s29], $0x1  }
0xba: {  	[sflag:s29] =	ssyncadd.s32 $0xFFFFFFFF  }
0xbb: {  	_ =	strace $0x90000048  }
0xbc: {  	_ =	sfence  }
0xbd: {  	s30 =	sld [smem:$0x0];
	_ =	sdelay $0x2  }
0xbe: {  	s31 =	sshll.u32 s1, $0xD;
	s1 =	sshrl.u32 s1, $0x2  }
0xbf: {  	s3 =	sand.u32 $0x4000, s31;
	s1 =	sadd.s32 s1, s30  }
0xc0: {  	s0 =	sor.u32 s3, s0;
	s1 =	sshll.u32 s1, $0x11  }
0xc1: {  	s0 =	sor.u32 s1, s0  }
0xc2: {  	s0 =	sadd.s32 $0x8F2B, s0  }
0xc3: {  	[sflag:s0] =	ssyncadd.remote.s32 $0x1  }
0xc4: {  	_ =	sfence.sel $0xFFFF  }
0xc5: {  	[dreg:$0x0] =	wrdreg $0xFFFFFFFF;
	(pc) =	sbr.abs _section_cstart, $3  }
0xc6: {  	[dreg:$0x1] =	wrdreg $0xFFFFFFFF  }
0xc7: {  	_ =	task.clear_ibuf [dreg:s10], $0x2FFFF;
	_ =	strace $0x9FFFFFFF  }
0xc8: {  	(tm) =	ssettm $0x7FFFFFFF  }
0xc9: {  	_ =	shalt  }
tec
execute0_lowered:
.L_overlay_start_1:
0x0: {  	(tag) =	ssettag $0x1  }
0x1: {  	s0 =	rddreg [dreg:$0x0]  }
0x2: {  	s7 =	rddreg [dreg:$0x1]  }
0x3: {  	s9 =	rddreg [dreg:$0x2]  }
0x4: {  	s11 =	rddreg [dreg:$0x3]  }
0x5: {  	s13 =	rddreg [dreg:$0x4]  }
0x6: {  	s1 =	simm.s32 $0x0;
	s5 =	srdreg.scid;
	s2 =	stileid.u32  }
0x7: {  	s17 =	simm.s32 $0x1;
	s18 =	simm.s32 $0x200;
	s8 =	sand.u32 $0x1, s5  }
0x8: {  	s19 =	simm.s32 $0x0;
	s10 =	sshll.u32 s2, $0xA;
	s12 =	sshll.u32 s8, $0x9  }
0x9: {  	[smem:$0x7FF] =	sst s1;
	s3 =	sadd.s32 $0x4600, s0;
	s10 =	sor.u32 s12, s10  }
0xa: {  	s4 =	sadd.s32 $0x18B000, s0;
	s5 =	sadd.s32 $0x311A00, s0;
	s15 =	sshrl.u32 s10, $0x3  }
0xb: {  	s6 =	sadd.s32 $0x498400, s0;
	_ =	strace $0x80000047;
	s24 =	sadd.s32 s7, s15  }
0xc: {  	s8 =	ssub.s32 $0x2, s8;
	s26 =	sadd.s32 s9, s15;
	[dreg:$0x6] =	wrdreg s24  }
0xd: {  	s12 =	sshll.u32 s10, $0x4;
	s29 =	sadd.s32 s11, s15;
	[dreg:$0x8] =	wrdreg s26  }
0xe: {  	s0 =	sadd.s32 s12, s0;
	s31 =	sadd.s32 s13, s15;
	[dreg:$0xa] =	wrdreg s29  }
0xf: {  	s14 =	sshrl.u32 s8, $0x1;
	s25 =	sadd.s32 $0x61EE00, s0;
	[dreg:$0xc] =	wrdreg s31  }
0x10: {  	s16 =	ssub.s32 s8, s14;
	s28 =	sadd.s32 $0x65EE00, s0;
	[dreg:$0x7] =	wrdreg s25  }
0x11: {  	s15 =	smax.u32 s16, $0x1;
	s30 =	sadd.s32 $0x69EE00, s0;
	[dreg:$0x9] =	wrdreg s28  }
0x12: {  	s16 =	simm.s32 $0x2;
	s14 =	sadd.s32 $0x6DEE00, s0;
	[dreg:$0xb] =	wrdreg s30  }
.LBB2_1:
0x13: {  	s0 =	rddreg [dreg:$0x6]  }
0x14: {  	[tilespmem:s1], [sflag:$0x2] =	stream.linear.gather [hbm4b:s0+s1], $0x200, $0x38;
	[tilespmem:$0x10200] =	vst v63  }
0x15: {  	_ =	swait.ge [sflag:s16], $0x200  }
0x16: {  	[sflag:s16] =	ssyncset.done $0x0  }
0x17: {  	[sflag:s16] =	ssyncadd.s32 $0xFFFFFE00  }
0x18: {  	v0 =	vld [tilespmem:s1+$0x0];
	_ =	sdelay $0x4  }
0x19: {  	v0 =	vshll.u32 v0, $0x4  }
0x1a: {  	(v2sf) =	vpush v0, $0x0  }
0x1b: {  	(v2sf) =	vpush v0, $0x1  }
0x1c: {  	(v2sf) =	vpush v0, $0x2;
	_ =	sdelay $0x1  }
0x1d: {  	(v2sf) =	vpush v0, $0x4;
	_ =	sdelay $0x1  }
0x1e: {  	(v2sf) =	vpush v0, $0x3  }
0x1f: {  	(v2sf) =	vpush v0, $0x5  }
0x20: {  	s21 =	simm.s32 $0x2000;
	s20 =	simm.s32 $0x0;
	s22 =	simm.s32 $0x0;
	(v2sf) =	vpush v0, $0x6  }
.LBB2_2:
0x21: {  	p0 =	sne.s32 s21, $0x3E000  }
0x22: {  	s2 =	sadd.s32 $0x280, s20;
	s26 =	sadd.s32 $0x780, s20;
	s23 =	smov.u32 s21  }
0x23: {  	s21 =	sadd.s32 $0x2000, s21;
	s30 =	sadd.s32 $0x580, s20;
	s24 =	sadd.s32 $0x800, s20;
	(v2sf) =	vpush v0, $0x7  }
0x24: {  	s0 =	sadd.s32 $0x480, s20;
	s29 =	sadd.s32 $0x600, s20;
	s25 =	sadd.s32 $0x880, s20  }
0x25: {  	s7 =	sadd.s32 $0x200, s20;
	s8 =	sadd.s32 $0x400, s20;
	(v2sf) =	vpush v0, $0x8  }
0x26: {  	s9 =	sadd.s32 $0x500, s20;
	s22 =	sadd.s32 $0x10, s22  }
0x27: {  	s10 =	sadd.s32 $0x300, s20;
	s28 =	sadd.s32 $0x700, s20;
	s31 =	spop (v2sf);
	(v2sf) =	vpush v0, $0x9  }
0x28: {  	s11 =	sand.u32 $0x1FFFFFF0, s31;
	s31 =	sadd.s32 $0x680, s20;
	s12 =	spop (v2sf)  }
0x29: {  	s11 =	sadd.s32 s3, s11;
	s12 =	sand.u32 $0x1FFFFFF0, s12;
	s13 =	spop (v2sf);
	(v2sf) =	vpush v0, $0xA  }
0x2a: {  	[tilespmem:s7], [sflag:$0x1] =	stream.linear.gather [hbm4b:s11+s1], $0x80, $0x38;
	[tilespmem:$0x10200] =	vst v63  }
0x2b: {  	s7 =	sadd.s32 s3, s12;
	s11 =	sadd.s32 $0x380, s20;
	s12 =	spop (v2sf);
	(v2sf) =	vpush v0, $0xB  }
0x2c: {  	[tilespmem:s2], [sflag:$0x1] =	stream.linear.gather [hbm4b:s7+s1], $0x80, $0x38;
	[tilespmem:$0x10200] =	vst v63  }
0x2d: {  	s2 =	sand.u32 $0x1FFFFFF0, s13;
	s7 =	sand.u32 $0x1FFFFFF0, s12;
	s12 =	spop (v2sf);
	(v2sf) =	vpush v0, $0xC  }
0x2e: {  	s2 =	sadd.s32 s3, s2;
	s12 =	sand.u32 $0x1FFFFFF0, s12;
	s13 =	spop (v2sf)  }
0x2f: {  	[tilespmem:s10], [sflag:$0x1] =	stream.linear.gather [hbm4b:s2+s1], $0x80, $0x38;
	(v2sf) =	vpush v0, $0xD;
	[tilespmem:$0x10200] =	vst v63  }
0x30: {  	s2 =	sadd.s32 s3, s12;
	s10 =	sand.u32 $0x1FFFFFF0, s13;
	s12 =	spop (v2sf)  }
0x31: {  	[tilespmem:s11], [sflag:$0x1] =	stream.linear.gather [hbm4b:s2+s1], $0x80, $0x38;
	(v2sf) =	vpush v0, $0xE;
	[tilespmem:$0x10200] =	vst v63  }
0x32: {  	s2 =	sadd.s32 s3, s7;
	s7 =	sand.u32 $0x1FFFFFF0, s12;
	s11 =	spop (v2sf)  }
0x33: {  	[tilespmem:s8], [sflag:$0x1] =	stream.linear.gather [hbm4b:s2+s1], $0x80, $0x38;
	(v2sf) =	vpush v0, $0xF;
	[tilespmem:$0x10200] =	vst v63  }
0x34: {  	s2 =	sadd.s32 s3, s10;
	s8 =	sand.u32 $0x1FFFFFF0, s11;
	s10 =	spop (v2sf)  }
0x35: {  	[tilespmem:s0], [sflag:$0x1] =	stream.linear.gather [hbm4b:s2+s1], $0x80, $0x38;
	[tilespmem:$0x10200] =	vst v63  }
0x36: {  	s0 =	sadd.s32 s3, s7;
	s2 =	sand.u32 $0x1FFFFFF0, s10;
	s7 =	spop (v2sf)  }
0x37: {  	[tilespmem:s9], [sflag:$0x1] =	stream.linear.gather [hbm4b:s0+s1], $0x80, $0x38;
	[tilespmem:$0x10200] =	vst v63  }
0x38: {  	s0 =	sadd.s32 s3, s8;
	s7 =	sand.u32 $0x1FFFFFF0, s7;
	s8 =	spop (v2sf)  }
0x39: {  	[tilespmem:s30], [sflag:$0x1] =	stream.linear.gather [hbm4b:s0+s1], $0x80, $0x38;
	[tilespmem:$0x10200] =	vst v63  }
0x3a: {  	s0 =	sadd.s32 s3, s2;
	s2 =	sand.u32 $0x1FFFFFF0, s8;
	s8 =	spop (v2sf)  }
0x3b: {  	[tilespmem:s29], [sflag:$0x1] =	stream.linear.gather [hbm4b:s0+s1], $0x80, $0x38;
	[tilespmem:$0x10200] =	vst v63  }
0x3c: {  	s0 =	sadd.s32 s3, s7;
	s7 =	sand.u32 $0x1FFFFFF0, s8;
	s8 =	spop (v2sf)  }
0x3d: {  	[tilespmem:s31], [sflag:$0x1] =	stream.linear.gather [hbm4b:s0+s1], $0x80, $0x38;
	[tilespmem:$0x10200] =	vst v63  }
0x3e: {  	s0 =	sadd.s32 s3, s2;
	s2 =	sand.u32 $0x1FFFFFF0, s8;
	s8 =	spop (v2sf)  }
0x3f: {  	[tilespmem:s28], [sflag:$0x1] =	stream.linear.gather [hbm4b:s0+s1], $0x80, $0x38;
	[tilespmem:$0x10200] =	vst v63  }
0x40: {  	s0 =	sadd.s32 s3, s7;
	s7 =	sand.u32 $0x1FFFFFF0, s8;
	s8 =	spop (v2sf)  }
0x41: {  	[tilespmem:s26], [sflag:$0x1] =	stream.linear.gather [hbm4b:s0+s1], $0x80, $0x38;
	[tilespmem:$0x10200] =	vst v63  }
0x42: {  	s0 =	sadd.s32 s3, s2;
	s2 =	sand.u32 $0x1FFFFFF0, s8;
	s8 =	spop (v2sf)  }
0x43: {  	[tilespmem:s24], [sflag:$0x1] =	stream.linear.gather [hbm4b:s0+s1], $0x80, $0x38;
	[tilespmem:$0x10200] =	vst v63  }
0x44: {  	s0 =	sadd.s32 s3, s7;
	s7 =	sand.u32 $0x1FFFFFF0, s8  }
0x45: {  	[tilespmem:s25], [sflag:$0x1] =	stream.linear.gather [hbm4b:s0+s1], $0x80, $0x38;
	[tilespmem:$0x10200] =	vst v63  }
0x46: {  	s2 =	sadd.s32 s3, s2;
	s0 =	sadd.s32 $0x900, s20  }
0x47: {  	[tilespmem:s0], [sflag:$0x1] =	stream.linear.gather [hbm4b:s2+s1], $0x80, $0x38;
	[tilespmem:$0x10200] =	vst v63  }
0x48: {  	s0 =	sadd.s32 $0x980, s20;
	s2 =	sadd.s32 s3, s7  }
0x49: {  	[tilespmem:s0], [sflag:$0x1] =	stream.linear.gather [hbm4b:s2+s1], $0x80, $0x38;
	[tilespmem:$0x10200] =	vst v63  }
0x4a: {  	v0 =	vld [tilespmem:s22+$0x0];
	_ =	sdelay $0x4  }
0x4b: {  	v0 =	vshll.u32 v0, $0x4  }
0x4c: {  	(v2sf) =	vpush v0, $0x0  }
0x4d: {  	(v2sf) =	vpush v0, $0x1  }
0x4e: {  	(v2sf) =	vpush v0, $0x2;
	_ =	sdelay $0x1  }
0x4f: {  	(v2sf) =	vpush v0, $0x4  }
.Ltmp0:
0x50: {  	(pc) =	sbr.rel @p0 .LBB2_2-.Ltmp0, $3  }
0x51: {  	(v2sf) =	vpush v0, $0x3  }
0x52: {  	(v2sf) =	vpush v0, $0x5;
	_ =	sdelay $0x1  }
0x53: {  	s20 =	sshra.s32 s23, $0x2;
	(v2sf) =	vpush v0, $0x6  }
0x54: {  	_ =	sdelay $0x1  }
0x55: {  	s0 =	sadd.s32 $0x280, s20;
	s23 =	sadd.s32 $0x780, s20  }
0x56: {  	s2 =	sadd.s32 $0x580, s20;
	s21 =	sadd.s32 $0x800, s20;
	(v2sf) =	vpush v0, $0x7;
	s7 =	sadd.s32 $0x480, s20  }
0x57: {  	s8 =	sadd.s32 $0x600, s20;
	s22 =	sadd.s32 $0x880, s20;
	s9 =	sadd.s32 $0x200, s20  }
0x58: {  	s10 =	sadd.s32 $0x400, s20;
	s11 =	sadd.s32 $0x500, s20;
	(v2sf) =	vpush v0, $0x8;
	s12 =	spop (v2sf)  }
0x59: {  	s13 =	sadd.s32 $0x300, s20;
	s12 =	sand.u32 $0x1FFFFFF0, s12;
	s24 =	spop (v2sf)  }
0x5a: {  	(v2sf) =	vpush v0, $0x9;
	s12 =	sadd.s32 s3, s12;
	s24 =	sand.u32 $0x1FFFFFF0, s24;
	s25 =	spop (v2sf)  }
0x5b: {  	[tilespmem:s9], [sflag:$0x1] =	stream.linear.gather [hbm4b:s12+s1], $0x80, $0x38;
	[tilespmem:$0x10200] =	vst v63  }
0x5c: {  	s26 =	sadd.s32 $0x380, s20;
	(v2sf) =	vpush v0, $0xA;
	s30 =	sadd.s32 s3, s24;
	s31 =	spop (v2sf)  }
0x5d: {  	[tilespmem:s0], [sflag:$0x1] =	stream.linear.gather [hbm4b:s30+s1], $0x80, $0x38;
	[tilespmem:$0x10200] =	vst v63  }
0x5e: {  	s9 =	sadd.s32 $0x700, s20;
	s28 =	sand.u32 $0x1FFFFFF0, s25;
	(v2sf) =	vpush v0, $0xB;
	s29 =	spop (v2sf)  }
0x5f: {  	s12 =	sadd.s32 s3, s28;
	s0 =	sadd.s32 $0x680, s20;
	s25 =	sand.u32 $0x1FFFFFF0, s29  }
0x60: {  	(v2sf) =	vpush v0, $0xC;
	[tilespmem:s13], [sflag:$0x1] =	stream.linear.gather [hbm4b:s12+s1], $0x80, $0x38;
	[tilespmem:$0x10200] =	vst v63  }
0x61: {  	s30 =	sand.u32 $0x1FFFFFF0, s31;
	s31 =	spop (v2sf);
	s28 =	sadd.s32 s3, s25  }
0x62: {  	(v2sf) =	vpush v0, $0xD;
	[tilespmem:s26], [sflag:$0x1] =	stream.linear.gather [hbm4b:s28+s1], $0x80, $0x38;
	[tilespmem:$0x10200] =	vst v63  }
0x63: {  	s12 =	sadd.s32 s3, s30;
	s13 =	sand.u32 $0x1FFFFFF0, s31;
	s29 =	spop (v2sf)  }
0x64: {  	(v2sf) =	vpush v0, $0xE;
	[tilespmem:s10], [sflag:$0x1] =	stream.linear.gather [hbm4b:s12+s1], $0x80, $0x38;
	[tilespmem:$0x10200] =	vst v63  }
0x65: {  	s13 =	sadd.s32 s3, s13;
	s30 =	sand.u32 $0x1FFFFFF0, s29;
	s31 =	spop (v2sf)  }
0x66: {  	(v2sf) =	vpush v0, $0xF;
	[tilespmem:s7], [sflag:$0x1] =	stream.linear.gather [hbm4b:s13+s1], $0x80, $0x38;
	[tilespmem:$0x10200] =	vst v63  }
0x67: {  	s24 =	sand.u32 $0x1FFFFFF0, s31;
	s25 =	spop (v2sf);
	s10 =	sadd.s32 s3, s30  }
0x68: {  	[tilespmem:s11], [sflag:$0x1] =	stream.linear.gather [hbm4b:s10+s1], $0x80, $0x38;
	[tilespmem:$0x10200] =	vst v63  }
0x69: {  	s26 =	sand.u32 $0x1FFFFFF0, s25;
	s7 =	sadd.s32 s3, s24;
	s28 =	spop (v2sf)  }
0x6a: {  	[tilespmem:s2], [sflag:$0x1] =	stream.linear.gather [hbm4b:s7+s1], $0x80, $0x38;
	[tilespmem:$0x10200] =	vst v63  }
0x6b: {  	s10 =	sadd.s32 s3, s26;
	s29 =	sand.u32 $0x1FFFFFF0, s28;
	s30 =	spop (v2sf)  }
0x6c: {  	[tilespmem:s8], [sflag:$0x1] =	stream.linear.gather [hbm4b:s10+s1], $0x80, $0x38;
	[tilespmem:$0x10200] =	vst v63  }
0x6d: {  	s7 =	sand.u32 $0x1FFFFFF0, s30;
	s2 =	sadd.s32 s3, s29;
	s31 =	spop (v2sf)  }
0x6e: {  	[tilespmem:s0], [sflag:$0x1] =	stream.linear.gather [hbm4b:s2+s1], $0x80, $0x38;
	[tilespmem:$0x10200] =	vst v63  }
0x6f: {  	s7 =	sadd.s32 s3, s7;
	s10 =	sand.u32 $0x1FFFFFF0, s31;
	s11 =	spop (v2sf)  }
0x70: {  	[tilespmem:s9], [sflag:$0x1] =	stream.linear.gather [hbm4b:s7+s1], $0x80, $0x38;
	[tilespmem:$0x10200] =	vst v63  }
0x71: {  	s0 =	sadd.s32 s3, s10;
	s2 =	sand.u32 $0x1FFFFFF0, s11;
	s12 =	spop (v2sf)  }
0x72: {  	[tilespmem:s23], [sflag:$0x1] =	stream.linear.gather [hbm4b:s0+s1], $0x80, $0x38;
	[tilespmem:$0x10200] =	vst v63  }
0x73: {  	s13 =	sand.u32 $0x1FFFFFF0, s12;
	s2 =	sadd.s32 s3, s2;
	s23 =	spop (v2sf)  }
0x74: {  	[tilespmem:s21], [sflag:$0x1] =	stream.linear.gather [hbm4b:s2+s1], $0x80, $0x38;
	[tilespmem:$0x10200] =	vst v63  }
0x75: {  	s0 =	sadd.s32 s3, s13;
	s24 =	sand.u32 $0x1FFFFFF0, s23;
	s25 =	spop (v2sf)  }
0x76: {  	[tilespmem:s22], [sflag:$0x1] =	stream.linear.gather [hbm4b:s0+s1], $0x80, $0x38;
	[tilespmem:$0x10200] =	vst v63  }
0x77: {  	s28 =	sadd.s32 $0x900, s20;
	s26 =	sand.u32 $0x1FFFFFF0, s25;
	s2 =	sadd.s32 s3, s24  }
0x78: {  	[tilespmem:s28], [sflag:$0x1] =	stream.linear.gather [hbm4b:s2+s1], $0x80, $0x38;
	[tilespmem:$0x10200] =	vst v63  }
0x79: {  	s29 =	sadd.s32 $0x980, s20;
	s0 =	sadd.s32 s3, s26  }
0x7a: {  	[tilespmem:s29], [sflag:$0x1] =	stream.linear.gather [hbm4b:s0+s1], $0x80, $0x38;
	[tilespmem:$0x10200] =	vst v63  }
0x7b: {  	_ =	swait.ge [sflag:s17], $0x10000  }
0x7c: {  	[sflag:s17] =	ssyncset.done $0x0  }
0x7d: {  	s21 =	simm.s32 $0x0;
	s30 =	rddreg [dreg:$0x7];
	[sflag:s17] =	ssyncadd.s32 $0xFFFF0000  }
0x7e: {  	[hbm4b:s30+s21] =	stream.linear.scatter [tilespmem:s18], [sflag:$0x2], $0x10000, $0x38;
	[tilespmem:$0x10200] =	vst v63  }
0x7f: {  	_ =	swait.ge [sflag:s16], $0x10000  }
0x80: {  	[sflag:s16] =	ssyncset.done $0x0  }
0x81: {  	s31 =	rddreg [dreg:$0x8];
	[sflag:s16] =	ssyncadd.s32 $0xFFFF0000  }
0x82: {  	[tilespmem:s21], [sflag:$0x2] =	stream.linear.gather [hbm4b:s31+s21], $0x200, $0x38;
	[tilespmem:$0x10200] =	vst v63  }
0x83: {  	_ =	swait.ge [sflag:s16], $0x200  }
0x84: {  	[sflag:s16] =	ssyncset.done $0x0  }
0x85: {  	[sflag:s16] =	ssyncadd.s32 $0xFFFFFE00  }
0x86: {  	v0 =	vld [tilespmem:s21+$0x0];
	_ =	sdelay $0x4  }
0x87: {  	v0 =	vshll.u32 v0, $0x4  }
0x88: {  	(v2sf) =	vpush v0, $0x0  }
0x89: {  	(v2sf) =	vpush v0, $0x1  }
0x8a: {  	(v2sf) =	vpush v0, $0x2;
	_ =	sdelay $0x1  }
0x8b: {  	(v2sf) =	vpush v0, $0x4;
	_ =	sdelay $0x1  }
0x8c: {  	(v2sf) =	vpush v0, $0x3  }
0x8d: {  	(v2sf) =	vpush v0, $0x5  }
0x8e: {  	s20 =	simm.s32 $0x0;
	s22 =	simm.s32 $0x2000;
	(v2sf) =	vpush v0, $0x6  }
.LBB2_4:
0x8f: {  	p0 =	sne.s32 s22, $0x3E000  }
0x90: {  	s2 =	sadd.s32 $0x280, s20;
	s26 =	sadd.s32 $0x780, s20;
	s23 =	smov.u32 s22  }
0x91: {  	s22 =	sadd.s32 $0x2000, s22;
	s30 =	sadd.s32 $0x580, s20;
	s24 =	sadd.s32 $0x800, s20;
	(v2sf) =	vpush v0, $0x7  }
0x92: {  	s0 =	sadd.s32 $0x480, s20;
	s29 =	sadd.s32 $0x600, s20;
	s25 =	sadd.s32 $0x880, s20  }
0x93: {  	s7 =	sadd.s32 $0x200, s20;
	s8 =	sadd.s32 $0x400, s20;
	(v2sf) =	vpush v0, $0x8  }
0x94: {  	s9 =	sadd.s32 $0x500, s20;
	s21 =	sadd.s32 $0x10, s21  }
0x95: {  	s10 =	sadd.s32 $0x300, s20;
	s28 =	sadd.s32 $0x700, s20;
	s11 =	spop (v2sf);
	(v2sf) =	vpush v0, $0x9  }
0x96: {  	s31 =	sadd.s32 $0x680, s20;
	s11 =	sand.u32 $0x1FFFFFF0, s11;
	s12 =	spop (v2sf)  }
0x97: {  	s11 =	sadd.s32 s4, s11;
	s12 =	sand.u32 $0x1FFFFFF0, s12;
	s13 =	spop (v2sf);
	(v2sf) =	vpush v0, $0xA  }
0x98: {  	[tilespmem:s7], [sflag:$0x1] =	stream.linear.gather [hbm4b:s11+s1], $0x80, $0x38;
	[tilespmem:$0x10200] =	vst v63  }
0x99: {  	s7 =	sadd.s32 s4, s12;
	s11 =	sadd.s32 $0x380, s20;
	s12 =	spop (v2sf);
	(v2sf) =	vpush v0, $0xB  }
0x9a: {  	[tilespmem:s2], [sflag:$0x1] =	stream.linear.gather [hbm4b:s7+s1], $0x80, $0x38;
	[tilespmem:$0x10200] =	vst v63  }
0x9b: {  	s2 =	sand.u32 $0x1FFFFFF0, s13;
	s7 =	sand.u32 $0x1FFFFFF0, s12;
	s12 =	spop (v2sf);
	(v2sf) =	vpush v0, $0xC  }
0x9c: {  	s2 =	sadd.s32 s4, s2;
	s12 =	sand.u32 $0x1FFFFFF0, s12;
	s13 =	spop (v2sf)  }
0x9d: {  	[tilespmem:s10], [sflag:$0x1] =	stream.linear.gather [hbm4b:s2+s1], $0x80, $0x38;
	(v2sf) =	vpush v0, $0xD;
	[tilespmem:$0x10200] =	vst v63  }
0x9e: {  	s2 =	sadd.s32 s4, s12;
	s10 =	sand.u32 $0x1FFFFFF0, s13;
	s12 =	spop (v2sf)  }
0x9f: {  	[tilespmem:s11], [sflag:$0x1] =	stream.linear.gather [hbm4b:s2+s1], $0x80, $0x38;
	(v2sf) =	vpush v0, $0xE;
	[tilespmem:$0x10200] =	vst v63  }
0xa0: {  	s2 =	sadd.s32 s4, s7;
	s7 =	sand.u32 $0x1FFFFFF0, s12;
	s11 =	spop (v2sf)  }
0xa1: {  	[tilespmem:s8], [sflag:$0x1] =	stream.linear.gather [hbm4b:s2+s1], $0x80, $0x38;
	(v2sf) =	vpush v0, $0xF;
	[tilespmem:$0x10200] =	vst v63  }
0xa2: {  	s2 =	sadd.s32 s4, s10;
	s8 =	sand.u32 $0x1FFFFFF0, s11;
	s10 =	spop (v2sf)  }
0xa3: {  	[tilespmem:s0], [sflag:$0x1] =	stream.linear.gather [hbm4b:s2+s1], $0x80, $0x38;
	[tilespmem:$0x10200] =	vst v63  }
0xa4: {  	s0 =	sadd.s32 s4, s7;
	s2 =	sand.u32 $0x1FFFFFF0, s10;
	s7 =	spop (v2sf)  }
0xa5: {  	[tilespmem:s9], [sflag:$0x1] =	stream.linear.gather [hbm4b:s0+s1], $0x80, $0x38;
	[tilespmem:$0x10200] =	vst v63  }
0xa6: {  	s0 =	sadd.s32 s4, s8;
	s7 =	sand.u32 $0x1FFFFFF0, s7;
	s8 =	spop (v2sf)  }
0xa7: {  	[tilespmem:s30], [sflag:$0x1] =	stream.linear.gather [hbm4b:s0+s1], $0x80, $0x38;
	[tilespmem:$0x10200] =	vst v63  }
0xa8: {  	s0 =	sadd.s32 s4, s2;
	s2 =	sand.u32 $0x1FFFFFF0, s8;
	s8 =	spop (v2sf)  }
0xa9: {  	[tilespmem:s29], [sflag:$0x1] =	stream.linear.gather [hbm4b:s0+s1], $0x80, $0x38;
	[tilespmem:$0x10200] =	vst v63  }
0xaa: {  	s0 =	sadd.s32 s4, s7;
	s7 =	sand.u32 $0x1FFFFFF0, s8;
	s8 =	spop (v2sf)  }
0xab: {  	[tilespmem:s31], [sflag:$0x1] =	stream.linear.gather [hbm4b:s0+s1], $0x80, $0x38;
	[tilespmem:$0x10200] =	vst v63  }
0xac: {  	s0 =	sadd.s32 s4, s2;
	s2 =	sand.u32 $0x1FFFFFF0, s8;
	s8 =	spop (v2sf)  }
0xad: {  	[tilespmem:s28], [sflag:$0x1] =	stream.linear.gather [hbm4b:s0+s1], $0x80, $0x38;
	[tilespmem:$0x10200] =	vst v63  }
0xae: {  	s0 =	sadd.s32 s4, s7;
	s7 =	sand.u32 $0x1FFFFFF0, s8;
	s8 =	spop (v2sf)  }
0xaf: {  	[tilespmem:s26], [sflag:$0x1] =	stream.linear.gather [hbm4b:s0+s1], $0x80, $0x38;
	[tilespmem:$0x10200] =	vst v63  }
0xb0: {  	s0 =	sadd.s32 s4, s2;
	s2 =	sand.u32 $0x1FFFFFF0, s8;
	s8 =	spop (v2sf)  }
0xb1: {  	[tilespmem:s24], [sflag:$0x1] =	stream.linear.gather [hbm4b:s0+s1], $0x80, $0x38;
	[tilespmem:$0x10200] =	vst v63  }
0xb2: {  	s0 =	sadd.s32 s4, s7;
	s7 =	sand.u32 $0x1FFFFFF0, s8  }
0xb3: {  	[tilespmem:s25], [sflag:$0x1] =	stream.linear.gather [hbm4b:s0+s1], $0x80, $0x38;
	[tilespmem:$0x10200] =	vst v63  }
0xb4: {  	s2 =	sadd.s32 s4, s2;
	s0 =	sadd.s32 $0x900, s20  }
0xb5: {  	[tilespmem:s0], [sflag:$0x1] =	stream.linear.gather [hbm4b:s2+s1], $0x80, $0x38;
	[tilespmem:$0x10200] =	vst v63  }
0xb6: {  	s0 =	sadd.s32 $0x980, s20;
	s2 =	sadd.s32 s4, s7  }
0xb7: {  	[tilespmem:s0], [sflag:$0x1] =	stream.linear.gather [hbm4b:s2+s1], $0x80, $0x38;
	[tilespmem:$0x10200] =	vst v63  }
0xb8: {  	v0 =	vld [tilespmem:s21+$0x0];
	_ =	sdelay $0x4  }
0xb9: {  	v0 =	vshll.u32 v0, $0x4  }
0xba: {  	(v2sf) =	vpush v0, $0x0  }
0xbb: {  	(v2sf) =	vpush v0, $0x1  }
0xbc: {  	(v2sf) =	vpush v0, $0x2;
	_ =	sdelay $0x1  }
0xbd: {  	(v2sf) =	vpush v0, $0x4  }
.Ltmp1:
0xbe: {  	(pc) =	sbr.rel @p0 .LBB2_4-.Ltmp1, $3  }
0xbf: {  	(v2sf) =	vpush v0, $0x3  }
0xc0: {  	(v2sf) =	vpush v0, $0x5;
	_ =	sdelay $0x1  }
0xc1: {  	s20 =	sshra.s32 s23, $0x2;
	(v2sf) =	vpush v0, $0x6  }
0xc2: {  	_ =	sdelay $0x1  }
0xc3: {  	s0 =	sadd.s32 $0x280, s20;
	s23 =	sadd.s32 $0x780, s20  }
0xc4: {  	s2 =	sadd.s32 $0x580, s20;
	s21 =	sadd.s32 $0x800, s20;
	(v2sf) =	vpush v0, $0x7;
	s7 =	sadd.s32 $0x480, s20  }
0xc5: {  	s8 =	sadd.s32 $0x600, s20;
	s22 =	sadd.s32 $0x880, s20;
	s9 =	sadd.s32 $0x200, s20  }
0xc6: {  	s10 =	sadd.s32 $0x400, s20;
	s11 =	sadd.s32 $0x500, s20;
	(v2sf) =	vpush v0, $0x8;
	s12 =	spop (v2sf)  }
0xc7: {  	s13 =	sadd.s32 $0x300, s20;
	s12 =	sand.u32 $0x1FFFFFF0, s12;
	s24 =	spop (v2sf)  }
0xc8: {  	(v2sf) =	vpush v0, $0x9;
	s12 =	sadd.s32 s4, s12;
	s24 =	sand.u32 $0x1FFFFFF0, s24;
	s25 =	spop (v2sf)  }
0xc9: {  	[tilespmem:s9], [sflag:$0x1] =	stream.linear.gather [hbm4b:s12+s1], $0x80, $0x38;
	[tilespmem:$0x10200] =	vst v63  }
0xca: {  	s26 =	sadd.s32 $0x380, s20;
	(v2sf) =	vpush v0, $0xA;
	s30 =	sadd.s32 s4, s24;
	s31 =	spop (v2sf)  }
0xcb: {  	[tilespmem:s0], [sflag:$0x1] =	stream.linear.gather [hbm4b:s30+s1], $0x80, $0x38;
	[tilespmem:$0x10200] =	vst v63  }
0xcc: {  	s9 =	sadd.s32 $0x700, s20;
	s28 =	sand.u32 $0x1FFFFFF0, s25;
	(v2sf) =	vpush v0, $0xB;
	s29 =	spop (v2sf)  }
0xcd: {  	s12 =	sadd.s32 s4, s28;
	s0 =	sadd.s32 $0x680, s20;
	s25 =	sand.u32 $0x1FFFFFF0, s29  }
0xce: {  	(v2sf) =	vpush v0, $0xC;
	[tilespmem:s13], [sflag:$0x1] =	stream.linear.gather [hbm4b:s12+s1], $0x80, $0x38;
	[tilespmem:$0x10200] =	vst v63  }
0xcf: {  	s30 =	sand.u32 $0x1FFFFFF0, s31;
	s31 =	spop (v2sf);
	s28 =	sadd.s32 s4, s25  }
0xd0: {  	(v2sf) =	vpush v0, $0xD;
	[tilespmem:s26], [sflag:$0x1] =	stream.linear.gather [hbm4b:s28+s1], $0x80, $0x38;
	[tilespmem:$0x10200] =	vst v63  }
0xd1: {  	s12 =	sadd.s32 s4, s30;
	s13 =	sand.u32 $0x1FFFFFF0, s31;
	s29 =	spop (v2sf)  }
0xd2: {  	(v2sf) =	vpush v0, $0xE;
	[tilespmem:s10], [sflag:$0x1] =	stream.linear.gather [hbm4b:s12+s1], $0x80, $0x38;
	[tilespmem:$0x10200] =	vst v63  }
0xd3: {  	s13 =	sadd.s32 s4, s13;
	s30 =	sand.u32 $0x1FFFFFF0, s29;
	s31 =	spop (v2sf)  }
0xd4: {  	(v2sf) =	vpush v0, $0xF;
	[tilespmem:s7], [sflag:$0x1] =	stream.linear.gather [hbm4b:s13+s1], $0x80, $0x38;
	[tilespmem:$0x10200] =	vst v63  }
0xd5: {  	s24 =	sand.u32 $0x1FFFFFF0, s31;
	s25 =	spop (v2sf);
	s10 =	sadd.s32 s4, s30  }
0xd6: {  	[tilespmem:s11], [sflag:$0x1] =	stream.linear.gather [hbm4b:s10+s1], $0x80, $0x38;
	[tilespmem:$0x10200] =	vst v63  }
0xd7: {  	s26 =	sand.u32 $0x1FFFFFF0, s25;
	s7 =	sadd.s32 s4, s24;
	s28 =	spop (v2sf)  }
0xd8: {  	[tilespmem:s2], [sflag:$0x1] =	stream.linear.gather [hbm4b:s7+s1], $0x80, $0x38;
	[tilespmem:$0x10200] =	vst v63  }
0xd9: {  	s10 =	sadd.s32 s4, s26;
	s29 =	sand.u32 $0x1FFFFFF0, s28;
	s30 =	spop (v2sf)  }
0xda: {  	[tilespmem:s8], [sflag:$0x1] =	stream.linear.gather [hbm4b:s10+s1], $0x80, $0x38;
	[tilespmem:$0x10200] =	vst v63  }
0xdb: {  	s7 =	sand.u32 $0x1FFFFFF0, s30;
	s2 =	sadd.s32 s4, s29;
	s31 =	spop (v2sf)  }
0xdc: {  	[tilespmem:s0], [sflag:$0x1] =	stream.linear.gather [hbm4b:s2+s1], $0x80, $0x38;
	[tilespmem:$0x10200] =	vst v63  }
0xdd: {  	s7 =	sadd.s32 s4, s7;
	s10 =	sand.u32 $0x1FFFFFF0, s31;
	s11 =	spop (v2sf)  }
0xde: {  	[tilespmem:s9], [sflag:$0x1] =	stream.linear.gather [hbm4b:s7+s1], $0x80, $0x38;
	[tilespmem:$0x10200] =	vst v63  }
0xdf: {  	s0 =	sadd.s32 s4, s10;
	s2 =	sand.u32 $0x1FFFFFF0, s11;
	s12 =	spop (v2sf)  }
0xe0: {  	[tilespmem:s23], [sflag:$0x1] =	stream.linear.gather [hbm4b:s0+s1], $0x80, $0x38;
	[tilespmem:$0x10200] =	vst v63  }
0xe1: {  	s13 =	sand.u32 $0x1FFFFFF0, s12;
	s2 =	sadd.s32 s4, s2;
	s23 =	spop (v2sf)  }
0xe2: {  	[tilespmem:s21], [sflag:$0x1] =	stream.linear.gather [hbm4b:s2+s1], $0x80, $0x38;
	[tilespmem:$0x10200] =	vst v63  }
0xe3: {  	s0 =	sadd.s32 s4, s13;
	s24 =	sand.u32 $0x1FFFFFF0, s23;
	s25 =	spop (v2sf)  }
0xe4: {  	[tilespmem:s22], [sflag:$0x1] =	stream.linear.gather [hbm4b:s0+s1], $0x80, $0x38;
	[tilespmem:$0x10200] =	vst v63  }
0xe5: {  	s28 =	sadd.s32 $0x900, s20;
	s26 =	sand.u32 $0x1FFFFFF0, s25;
	s2 =	sadd.s32 s4, s24  }
0xe6: {  	[tilespmem:s28], [sflag:$0x1] =	stream.linear.gather [hbm4b:s2+s1], $0x80, $0x38;
	[tilespmem:$0x10200] =	vst v63  }
0xe7: {  	s29 =	sadd.s32 $0x980, s20;
	s0 =	sadd.s32 s4, s26  }
0xe8: {  	[tilespmem:s29], [sflag:$0x1] =	stream.linear.gather [hbm4b:s0+s1], $0x80, $0x38;
	[tilespmem:$0x10200] =	vst v63  }
0xe9: {  	_ =	swait.ge [sflag:s17], $0x10000  }
0xea: {  	[sflag:s17] =	ssyncset.done $0x0  }
0xeb: {  	s21 =	simm.s32 $0x0;
	s30 =	rddreg [dreg:$0x9];
	[sflag:s17] =	ssyncadd.s32 $0xFFFF0000  }
0xec: {  	[hbm4b:s30+s21] =	stream.linear.scatter [tilespmem:s18], [sflag:$0x2], $0x10000, $0x38;
	[tilespmem:$0x10200] =	vst v63  }
0xed: {  	_ =	swait.ge [sflag:s16], $0x10000  }
0xee: {  	[sflag:s16] =	ssyncset.done $0x0  }
0xef: {  	s31 =	rddreg [dreg:$0xa];
	[sflag:s16] =	ssyncadd.s32 $0xFFFF0000  }
0xf0: {  	[tilespmem:s21], [sflag:$0x2] =	stream.linear.gather [hbm4b:s31+s21], $0x200, $0x38;
	[tilespmem:$0x10200] =	vst v63  }
0xf1: {  	_ =	swait.ge [sflag:s16], $0x200  }
0xf2: {  	[sflag:s16] =	ssyncset.done $0x0  }
0xf3: {  	[sflag:s16] =	ssyncadd.s32 $0xFFFFFE00  }
0xf4: {  	v0 =	vld [tilespmem:s21+$0x0];
	_ =	sdelay $0x4  }
0xf5: {  	v0 =	vshll.u32 v0, $0x4  }
0xf6: {  	(v2sf) =	vpush v0, $0x0  }
0xf7: {  	(v2sf) =	vpush v0, $0x1  }
0xf8: {  	(v2sf) =	vpush v0, $0x2;
	_ =	sdelay $0x1  }
0xf9: {  	(v2sf) =	vpush v0, $0x4;
	_ =	sdelay $0x1  }
0xfa: {  	(v2sf) =	vpush v0, $0x3  }
0xfb: {  	(v2sf) =	vpush v0, $0x5  }
0xfc: {  	s20 =	simm.s32 $0x0;
	s22 =	simm.s32 $0x2000;
	(v2sf) =	vpush v0, $0x6  }
.LBB2_6:
0xfd: {  	p0 =	sne.s32 s22, $0x3E000  }
0xfe: {  	s2 =	sadd.s32 $0x280, s20;
	s26 =	sadd.s32 $0x780, s20;
	s23 =	smov.u32 s22  }
0xff: {  	s22 =	sadd.s32 $0x2000, s22;
	s30 =	sadd.s32 $0x580, s20;
	s24 =	sadd.s32 $0x800, s20;
	(v2sf) =	vpush v0, $0x7  }
0x100: {  	s0 =	sadd.s32 $0x480, s20;
	s29 =	sadd.s32 $0x600, s20;
	s25 =	sadd.s32 $0x880, s20  }
0x101: {  	s7 =	sadd.s32 $0x200, s20;
	s8 =	sadd.s32 $0x400, s20;
	(v2sf) =	vpush v0, $0x8  }
0x102: {  	s9 =	sadd.s32 $0x500, s20;
	s21 =	sadd.s32 $0x10, s21  }
0x103: {  	s10 =	sadd.s32 $0x300, s20;
	s28 =	sadd.s32 $0x700, s20;
	s11 =	spop (v2sf);
	(v2sf) =	vpush v0, $0x9  }
0x104: {  	s31 =	sadd.s32 $0x680, s20;
	s11 =	sand.u32 $0x1FFFFFF0, s11;
	s12 =	spop (v2sf)  }
0x105: {  	s11 =	sadd.s32 s5, s11;
	s12 =	sand.u32 $0x1FFFFFF0, s12;
	s13 =	spop (v2sf);
	(v2sf) =	vpush v0, $0xA  }
0x106: {  	[tilespmem:s7], [sflag:$0x1] =	stream.linear.gather [hbm4b:s11+s1], $0x80, $0x38;
	[tilespmem:$0x10200] =	vst v63  }
0x107: {  	s7 =	sadd.s32 s5, s12;
	s11 =	sadd.s32 $0x380, s20;
	s12 =	spop (v2sf);
	(v2sf) =	vpush v0, $0xB  }
0x108: {  	[tilespmem:s2], [sflag:$0x1] =	stream.linear.gather [hbm4b:s7+s1], $0x80, $0x38;
	[tilespmem:$0x10200] =	vst v63  }
0x109: {  	s2 =	sand.u32 $0x1FFFFFF0, s13;
	s7 =	sand.u32 $0x1FFFFFF0, s12;
	s12 =	spop (v2sf);
	(v2sf) =	vpush v0, $0xC  }
0x10a: {  	s2 =	sadd.s32 s5, s2;
	s12 =	sand.u32 $0x1FFFFFF0, s12;
	s13 =	spop (v2sf)  }
0x10b: {  	[tilespmem:s10], [sflag:$0x1] =	stream.linear.gather [hbm4b:s2+s1], $0x80, $0x38;
	(v2sf) =	vpush v0, $0xD;
	[tilespmem:$0x10200] =	vst v63  }
0x10c: {  	s2 =	sadd.s32 s5, s12;
	s10 =	sand.u32 $0x1FFFFFF0, s13;
	s12 =	spop (v2sf)  }
0x10d: {  	[tilespmem:s11], [sflag:$0x1] =	stream.linear.gather [hbm4b:s2+s1], $0x80, $0x38;
	(v2sf) =	vpush v0, $0xE;
	[tilespmem:$0x10200] =	vst v63  }
0x10e: {  	s2 =	sadd.s32 s5, s7;
	s7 =	sand.u32 $0x1FFFFFF0, s12;
	s11 =	spop (v2sf)  }
0x10f: {  	[tilespmem:s8], [sflag:$0x1] =	stream.linear.gather [hbm4b:s2+s1], $0x80, $0x38;
	(v2sf) =	vpush v0, $0xF;
	[tilespmem:$0x10200] =	vst v63  }
0x110: {  	s2 =	sadd.s32 s5, s10;
	s8 =	sand.u32 $0x1FFFFFF0, s11;
	s10 =	spop (v2sf)  }
0x111: {  	[tilespmem:s0], [sflag:$0x1] =	stream.linear.gather [hbm4b:s2+s1], $0x80, $0x38;
	[tilespmem:$0x10200] =	vst v63  }
0x112: {  	s0 =	sadd.s32 s5, s7;
	s2 =	sand.u32 $0x1FFFFFF0, s10;
	s7 =	spop (v2sf)  }
0x113: {  	[tilespmem:s9], [sflag:$0x1] =	stream.linear.gather [hbm4b:s0+s1], $0x80, $0x38;
	[tilespmem:$0x10200] =	vst v63  }
0x114: {  	s0 =	sadd.s32 s5, s8;
	s7 =	sand.u32 $0x1FFFFFF0, s7;
	s8 =	spop (v2sf)  }
0x115: {  	[tilespmem:s30], [sflag:$0x1] =	stream.linear.gather [hbm4b:s0+s1], $0x80, $0x38;
	[tilespmem:$0x10200] =	vst v63  }
0x116: {  	s0 =	sadd.s32 s5, s2;
	s2 =	sand.u32 $0x1FFFFFF0, s8;
	s8 =	spop (v2sf)  }
0x117: {  	[tilespmem:s29], [sflag:$0x1] =	stream.linear.gather [hbm4b:s0+s1], $0x80, $0x38;
	[tilespmem:$0x10200] =	vst v63  }
0x118: {  	s0 =	sadd.s32 s5, s7;
	s7 =	sand.u32 $0x1FFFFFF0, s8;
	s8 =	spop (v2sf)  }
0x119: {  	[tilespmem:s31], [sflag:$0x1] =	stream.linear.gather [hbm4b:s0+s1], $0x80, $0x38;
	[tilespmem:$0x10200] =	vst v63  }
0x11a: {  	s0 =	sadd.s32 s5, s2;
	s2 =	sand.u32 $0x1FFFFFF0, s8;
	s8 =	spop (v2sf)  }
0x11b: {  	[tilespmem:s28], [sflag:$0x1] =	stream.linear.gather [hbm4b:s0+s1], $0x80, $0x38;
	[tilespmem:$0x10200] =	vst v63  }
0x11c: {  	s0 =	sadd.s32 s5, s7;
	s7 =	sand.u32 $0x1FFFFFF0, s8;
	s8 =	spop (v2sf)  }
0x11d: {  	[tilespmem:s26], [sflag:$0x1] =	stream.linear.gather [hbm4b:s0+s1], $0x80, $0x38;
	[tilespmem:$0x10200] =	vst v63  }
0x11e: {  	s0 =	sadd.s32 s5, s2;
	s2 =	sand.u32 $0x1FFFFFF0, s8;
	s8 =	spop (v2sf)  }
0x11f: {  	[tilespmem:s24], [sflag:$0x1] =	stream.linear.gather [hbm4b:s0+s1], $0x80, $0x38;
	[tilespmem:$0x10200] =	vst v63  }
0x120: {  	s0 =	sadd.s32 s5, s7;
	s7 =	sand.u32 $0x1FFFFFF0, s8  }
0x121: {  	[tilespmem:s25], [sflag:$0x1] =	stream.linear.gather [hbm4b:s0+s1], $0x80, $0x38;
	[tilespmem:$0x10200] =	vst v63  }
0x122: {  	s2 =	sadd.s32 s5, s2;
	s0 =	sadd.s32 $0x900, s20  }
0x123: {  	[tilespmem:s0], [sflag:$0x1] =	stream.linear.gather [hbm4b:s2+s1], $0x80, $0x38;
	[tilespmem:$0x10200] =	vst v63  }
0x124: {  	s0 =	sadd.s32 $0x980, s20;
	s2 =	sadd.s32 s5, s7  }
0x125: {  	[tilespmem:s0], [sflag:$0x1] =	stream.linear.gather [hbm4b:s2+s1], $0x80, $0x38;
	[tilespmem:$0x10200] =	vst v63  }
0x126: {  	v0 =	vld [tilespmem:s21+$0x0];
	_ =	sdelay $0x4  }
0x127: {  	v0 =	vshll.u32 v0, $0x4  }
0x128: {  	(v2sf) =	vpush v0, $0x0  }
0x129: {  	(v2sf) =	vpush v0, $0x1  }
0x12a: {  	(v2sf) =	vpush v0, $0x2;
	_ =	sdelay $0x1  }
0x12b: {  	(v2sf) =	vpush v0, $0x4  }
.Ltmp2:
0x12c: {  	(pc) =	sbr.rel @p0 .LBB2_6-.Ltmp2, $3  }
0x12d: {  	(v2sf) =	vpush v0, $0x3  }
0x12e: {  	(v2sf) =	vpush v0, $0x5;
	_ =	sdelay $0x1  }
0x12f: {  	s20 =	sshra.s32 s23, $0x2;
	(v2sf) =	vpush v0, $0x6  }
0x130: {  	_ =	sdelay $0x1  }
0x131: {  	s0 =	sadd.s32 $0x280, s20;
	s23 =	sadd.s32 $0x780, s20  }
0x132: {  	s2 =	sadd.s32 $0x580, s20;
	s21 =	sadd.s32 $0x800, s20;
	(v2sf) =	vpush v0, $0x7;
	s7 =	sadd.s32 $0x480, s20  }
0x133: {  	s8 =	sadd.s32 $0x600, s20;
	s22 =	sadd.s32 $0x880, s20;
	s9 =	sadd.s32 $0x200, s20  }
0x134: {  	s10 =	sadd.s32 $0x400, s20;
	s11 =	sadd.s32 $0x500, s20;
	(v2sf) =	vpush v0, $0x8;
	s12 =	spop (v2sf)  }
0x135: {  	s13 =	sadd.s32 $0x300, s20;
	s12 =	sand.u32 $0x1FFFFFF0, s12;
	s24 =	spop (v2sf)  }
0x136: {  	(v2sf) =	vpush v0, $0x9;
	s12 =	sadd.s32 s5, s12;
	s24 =	sand.u32 $0x1FFFFFF0, s24;
	s25 =	spop (v2sf)  }
0x137: {  	[tilespmem:s9], [sflag:$0x1] =	stream.linear.gather [hbm4b:s12+s1], $0x80, $0x38;
	[tilespmem:$0x10200] =	vst v63  }
0x138: {  	s26 =	sadd.s32 $0x380, s20;
	(v2sf) =	vpush v0, $0xA;
	s30 =	sadd.s32 s5, s24;
	s31 =	spop (v2sf)  }
0x139: {  	[tilespmem:s0], [sflag:$0x1] =	stream.linear.gather [hbm4b:s30+s1], $0x80, $0x38;
	[tilespmem:$0x10200] =	vst v63  }
0x13a: {  	s9 =	sadd.s32 $0x700, s20;
	s28 =	sand.u32 $0x1FFFFFF0, s25;
	(v2sf) =	vpush v0, $0xB;
	s29 =	spop (v2sf)  }
0x13b: {  	s12 =	sadd.s32 s5, s28;
	s0 =	sadd.s32 $0x680, s20;
	s25 =	sand.u32 $0x1FFFFFF0, s29  }
0x13c: {  	(v2sf) =	vpush v0, $0xC;
	[tilespmem:s13], [sflag:$0x1] =	stream.linear.gather [hbm4b:s12+s1], $0x80, $0x38;
	[tilespmem:$0x10200] =	vst v63  }
0x13d: {  	s30 =	sand.u32 $0x1FFFFFF0, s31;
	s31 =	spop (v2sf);
	s28 =	sadd.s32 s5, s25  }
0x13e: {  	(v2sf) =	vpush v0, $0xD;
	[tilespmem:s26], [sflag:$0x1] =	stream.linear.gather [hbm4b:s28+s1], $0x80, $0x38;
	[tilespmem:$0x10200] =	vst v63  }
0x13f: {  	s12 =	sadd.s32 s5, s30;
	s13 =	sand.u32 $0x1FFFFFF0, s31;
	s29 =	spop (v2sf)  }
0x140: {  	(v2sf) =	vpush v0, $0xE;
	[tilespmem:s10], [sflag:$0x1] =	stream.linear.gather [hbm4b:s12+s1], $0x80, $0x38;
	[tilespmem:$0x10200] =	vst v63  }
0x141: {  	s13 =	sadd.s32 s5, s13;
	s30 =	sand.u32 $0x1FFFFFF0, s29;
	s31 =	spop (v2sf)  }
0x142: {  	(v2sf) =	vpush v0, $0xF;
	[tilespmem:s7], [sflag:$0x1] =	stream.linear.gather [hbm4b:s13+s1], $0x80, $0x38;
	[tilespmem:$0x10200] =	vst v63  }
0x143: {  	s24 =	sand.u32 $0x1FFFFFF0, s31;
	s25 =	spop (v2sf);
	s10 =	sadd.s32 s5, s30  }
0x144: {  	[tilespmem:s11], [sflag:$0x1] =	stream.linear.gather [hbm4b:s10+s1], $0x80, $0x38;
	[tilespmem:$0x10200] =	vst v63  }
0x145: {  	s26 =	sand.u32 $0x1FFFFFF0, s25;
	s7 =	sadd.s32 s5, s24;
	s28 =	spop (v2sf)  }
0x146: {  	[tilespmem:s2], [sflag:$0x1] =	stream.linear.gather [hbm4b:s7+s1], $0x80, $0x38;
	[tilespmem:$0x10200] =	vst v63  }
0x147: {  	s10 =	sadd.s32 s5, s26;
	s29 =	sand.u32 $0x1FFFFFF0, s28;
	s30 =	spop (v2sf)  }
0x148: {  	[tilespmem:s8], [sflag:$0x1] =	stream.linear.gather [hbm4b:s10+s1], $0x80, $0x38;
	[tilespmem:$0x10200] =	vst v63  }
0x149: {  	s7 =	sand.u32 $0x1FFFFFF0, s30;
	s2 =	sadd.s32 s5, s29;
	s31 =	spop (v2sf)  }
0x14a: {  	[tilespmem:s0], [sflag:$0x1] =	stream.linear.gather [hbm4b:s2+s1], $0x80, $0x38;
	[tilespmem:$0x10200] =	vst v63  }
0x14b: {  	s7 =	sadd.s32 s5, s7;
	s10 =	sand.u32 $0x1FFFFFF0, s31;
	s11 =	spop (v2sf)  }
0x14c: {  	[tilespmem:s9], [sflag:$0x1] =	stream.linear.gather [hbm4b:s7+s1], $0x80, $0x38;
	[tilespmem:$0x10200] =	vst v63  }
0x14d: {  	s0 =	sadd.s32 s5, s10;
	s2 =	sand.u32 $0x1FFFFFF0, s11;
	s12 =	spop (v2sf)  }
0x14e: {  	[tilespmem:s23], [sflag:$0x1] =	stream.linear.gather [hbm4b:s0+s1], $0x80, $0x38;
	[tilespmem:$0x10200] =	vst v63  }
0x14f: {  	s13 =	sand.u32 $0x1FFFFFF0, s12;
	s2 =	sadd.s32 s5, s2;
	s23 =	spop (v2sf)  }
0x150: {  	[tilespmem:s21], [sflag:$0x1] =	stream.linear.gather [hbm4b:s2+s1], $0x80, $0x38;
	[tilespmem:$0x10200] =	vst v63  }
0x151: {  	s0 =	sadd.s32 s5, s13;
	s24 =	sand.u32 $0x1FFFFFF0, s23;
	s25 =	spop (v2sf)  }
0x152: {  	[tilespmem:s22], [sflag:$0x1] =	stream.linear.gather [hbm4b:s0+s1], $0x80, $0x38;
	[tilespmem:$0x10200] =	vst v63  }
0x153: {  	s28 =	sadd.s32 $0x900, s20;
	s26 =	sand.u32 $0x1FFFFFF0, s25;
	s2 =	sadd.s32 s5, s24  }
0x154: {  	[tilespmem:s28], [sflag:$0x1] =	stream.linear.gather [hbm4b:s2+s1], $0x80, $0x38;
	[tilespmem:$0x10200] =	vst v63  }
0x155: {  	s29 =	sadd.s32 $0x980, s20;
	s0 =	sadd.s32 s5, s26  }
0x156: {  	[tilespmem:s29], [sflag:$0x1] =	stream.linear.gather [hbm4b:s0+s1], $0x80, $0x38;
	[tilespmem:$0x10200] =	vst v63  }
0x157: {  	_ =	swait.ge [sflag:s17], $0x10000  }
0x158: {  	[sflag:s17] =	ssyncset.done $0x0  }
0x159: {  	s21 =	simm.s32 $0x0;
	s30 =	rddreg [dreg:$0xb];
	[sflag:s17] =	ssyncadd.s32 $0xFFFF0000  }
0x15a: {  	[hbm4b:s30+s21] =	stream.linear.scatter [tilespmem:s18], [sflag:$0x2], $0x10000, $0x38;
	[tilespmem:$0x10200] =	vst v63  }
0x15b: {  	_ =	swait.ge [sflag:s16], $0x10000  }
0x15c: {  	[sflag:s16] =	ssyncset.done $0x0  }
0x15d: {  	s31 =	rddreg [dreg:$0xc];
	[sflag:s16] =	ssyncadd.s32 $0xFFFF0000  }
0x15e: {  	[tilespmem:s21], [sflag:$0x2] =	stream.linear.gather [hbm4b:s31+s21], $0x200, $0x38;
	[tilespmem:$0x10200] =	vst v63  }
0x15f: {  	_ =	swait.ge [sflag:s16], $0x200  }
0x160: {  	[sflag:s16] =	ssyncset.done $0x0  }
0x161: {  	[sflag:s16] =	ssyncadd.s32 $0xFFFFFE00  }
0x162: {  	v0 =	vld [tilespmem:s21+$0x0];
	_ =	sdelay $0x4  }
0x163: {  	v0 =	vshll.u32 v0, $0x4  }
0x164: {  	(v2sf) =	vpush v0, $0x0  }
0x165: {  	(v2sf) =	vpush v0, $0x1  }
0x166: {  	(v2sf) =	vpush v0, $0x2;
	_ =	sdelay $0x1  }
0x167: {  	(v2sf) =	vpush v0, $0x4;
	_ =	sdelay $0x1  }
0x168: {  	(v2sf) =	vpush v0, $0x3  }
0x169: {  	(v2sf) =	vpush v0, $0x5  }
0x16a: {  	s20 =	simm.s32 $0x0;
	s22 =	simm.s32 $0x2000;
	(v2sf) =	vpush v0, $0x6  }
.LBB2_8:
0x16b: {  	p0 =	sne.s32 s22, $0x3E000  }
0x16c: {  	s2 =	sadd.s32 $0x280, s20;
	s26 =	sadd.s32 $0x780, s20;
	s23 =	smov.u32 s22  }
0x16d: {  	s22 =	sadd.s32 $0x2000, s22;
	s30 =	sadd.s32 $0x580, s20;
	s24 =	sadd.s32 $0x800, s20;
	(v2sf) =	vpush v0, $0x7  }
0x16e: {  	s0 =	sadd.s32 $0x480, s20;
	s29 =	sadd.s32 $0x600, s20;
	s25 =	sadd.s32 $0x880, s20  }
0x16f: {  	s7 =	sadd.s32 $0x200, s20;
	s8 =	sadd.s32 $0x400, s20;
	(v2sf) =	vpush v0, $0x8  }
0x170: {  	s9 =	sadd.s32 $0x500, s20;
	s21 =	sadd.s32 $0x10, s21  }
0x171: {  	s10 =	sadd.s32 $0x300, s20;
	s28 =	sadd.s32 $0x700, s20;
	s11 =	spop (v2sf);
	(v2sf) =	vpush v0, $0x9  }
0x172: {  	s31 =	sadd.s32 $0x680, s20;
	s11 =	sand.u32 $0x1FFFFFF0, s11;
	s12 =	spop (v2sf)  }
0x173: {  	s11 =	sadd.s32 s6, s11;
	s12 =	sand.u32 $0x1FFFFFF0, s12;
	s13 =	spop (v2sf);
	(v2sf) =	vpush v0, $0xA  }
0x174: {  	[tilespmem:s7], [sflag:$0x1] =	stream.linear.gather [hbm4b:s11+s1], $0x80, $0x38;
	[tilespmem:$0x10200] =	vst v63  }
0x175: {  	s7 =	sadd.s32 s6, s12;
	s11 =	sadd.s32 $0x380, s20;
	s12 =	spop (v2sf);
	(v2sf) =	vpush v0, $0xB  }
0x176: {  	[tilespmem:s2], [sflag:$0x1] =	stream.linear.gather [hbm4b:s7+s1], $0x80, $0x38;
	[tilespmem:$0x10200] =	vst v63  }
0x177: {  	s2 =	sand.u32 $0x1FFFFFF0, s13;
	s7 =	sand.u32 $0x1FFFFFF0, s12;
	s12 =	spop (v2sf);
	(v2sf) =	vpush v0, $0xC  }
0x178: {  	s2 =	sadd.s32 s6, s2;
	s12 =	sand.u32 $0x1FFFFFF0, s12;
	s13 =	spop (v2sf)  }
0x179: {  	[tilespmem:s10], [sflag:$0x1] =	stream.linear.gather [hbm4b:s2+s1], $0x80, $0x38;
	(v2sf) =	vpush v0, $0xD;
	[tilespmem:$0x10200] =	vst v63  }
0x17a: {  	s2 =	sadd.s32 s6, s12;
	s10 =	sand.u32 $0x1FFFFFF0, s13;
	s12 =	spop (v2sf)  }
0x17b: {  	[tilespmem:s11], [sflag:$0x1] =	stream.linear.gather [hbm4b:s2+s1], $0x80, $0x38;
	(v2sf) =	vpush v0, $0xE;
	[tilespmem:$0x10200] =	vst v63  }
0x17c: {  	s2 =	sadd.s32 s6, s7;
	s7 =	sand.u32 $0x1FFFFFF0, s12;
	s11 =	spop (v2sf)  }
0x17d: {  	[tilespmem:s8], [sflag:$0x1] =	stream.linear.gather [hbm4b:s2+s1], $0x80, $0x38;
	(v2sf) =	vpush v0, $0xF;
	[tilespmem:$0x10200] =	vst v63  }
0x17e: {  	s2 =	sadd.s32 s6, s10;
	s8 =	sand.u32 $0x1FFFFFF0, s11;
	s10 =	spop (v2sf)  }
0x17f: {  	[tilespmem:s0], [sflag:$0x1] =	stream.linear.gather [hbm4b:s2+s1], $0x80, $0x38;
	[tilespmem:$0x10200] =	vst v63  }
0x180: {  	s0 =	sadd.s32 s6, s7;
	s2 =	sand.u32 $0x1FFFFFF0, s10;
	s7 =	spop (v2sf)  }
0x181: {  	[tilespmem:s9], [sflag:$0x1] =	stream.linear.gather [hbm4b:s0+s1], $0x80, $0x38;
	[tilespmem:$0x10200] =	vst v63  }
0x182: {  	s0 =	sadd.s32 s6, s8;
	s7 =	sand.u32 $0x1FFFFFF0, s7;
	s8 =	spop (v2sf)  }
0x183: {  	[tilespmem:s30], [sflag:$0x1] =	stream.linear.gather [hbm4b:s0+s1], $0x80, $0x38;
	[tilespmem:$0x10200] =	vst v63  }
0x184: {  	s0 =	sadd.s32 s6, s2;
	s2 =	sand.u32 $0x1FFFFFF0, s8;
	s8 =	spop (v2sf)  }
0x185: {  	[tilespmem:s29], [sflag:$0x1] =	stream.linear.gather [hbm4b:s0+s1], $0x80, $0x38;
	[tilespmem:$0x10200] =	vst v63  }
0x186: {  	s0 =	sadd.s32 s6, s7;
	s7 =	sand.u32 $0x1FFFFFF0, s8;
	s8 =	spop (v2sf)  }
0x187: {  	[tilespmem:s31], [sflag:$0x1] =	stream.linear.gather [hbm4b:s0+s1], $0x80, $0x38;
	[tilespmem:$0x10200] =	vst v63  }
0x188: {  	s0 =	sadd.s32 s6, s2;
	s2 =	sand.u32 $0x1FFFFFF0, s8;
	s8 =	spop (v2sf)  }
0x189: {  	[tilespmem:s28], [sflag:$0x1] =	stream.linear.gather [hbm4b:s0+s1], $0x80, $0x38;
	[tilespmem:$0x10200] =	vst v63  }
0x18a: {  	s0 =	sadd.s32 s6, s7;
	s7 =	sand.u32 $0x1FFFFFF0, s8;
	s8 =	spop (v2sf)  }
0x18b: {  	[tilespmem:s26], [sflag:$0x1] =	stream.linear.gather [hbm4b:s0+s1], $0x80, $0x38;
	[tilespmem:$0x10200] =	vst v63  }
0x18c: {  	s0 =	sadd.s32 s6, s2;
	s2 =	sand.u32 $0x1FFFFFF0, s8;
	s8 =	spop (v2sf)  }
0x18d: {  	[tilespmem:s24], [sflag:$0x1] =	stream.linear.gather [hbm4b:s0+s1], $0x80, $0x38;
	[tilespmem:$0x10200] =	vst v63  }
0x18e: {  	s0 =	sadd.s32 s6, s7;
	s7 =	sand.u32 $0x1FFFFFF0, s8  }
0x18f: {  	[tilespmem:s25], [sflag:$0x1] =	stream.linear.gather [hbm4b:s0+s1], $0x80, $0x38;
	[tilespmem:$0x10200] =	vst v63  }
0x190: {  	s2 =	sadd.s32 s6, s2;
	s0 =	sadd.s32 $0x900, s20  }
0x191: {  	[tilespmem:s0], [sflag:$0x1] =	stream.linear.gather [hbm4b:s2+s1], $0x80, $0x38;
	[tilespmem:$0x10200] =	vst v63  }
0x192: {  	s0 =	sadd.s32 $0x980, s20;
	s2 =	sadd.s32 s6, s7  }
0x193: {  	[tilespmem:s0], [sflag:$0x1] =	stream.linear.gather [hbm4b:s2+s1], $0x80, $0x38;
	[tilespmem:$0x10200] =	vst v63  }
0x194: {  	v0 =	vld [tilespmem:s21+$0x0];
	_ =	sdelay $0x4  }
0x195: {  	v0 =	vshll.u32 v0, $0x4  }
0x196: {  	(v2sf) =	vpush v0, $0x0  }
0x197: {  	(v2sf) =	vpush v0, $0x1  }
0x198: {  	(v2sf) =	vpush v0, $0x2;
	_ =	sdelay $0x1  }
0x199: {  	(v2sf) =	vpush v0, $0x4  }
.Ltmp3:
0x19a: {  	(pc) =	sbr.rel @p0 .LBB2_8-.Ltmp3, $3  }
0x19b: {  	(v2sf) =	vpush v0, $0x3  }
0x19c: {  	(v2sf) =	vpush v0, $0x5;
	_ =	sdelay $0x1  }
0x19d: {  	s20 =	sshra.s32 s23, $0x2;
	(v2sf) =	vpush v0, $0x6  }
0x19e: {  	_ =	sdelay $0x1  }
0x19f: {  	s0 =	sadd.s32 $0x280, s20;
	s23 =	sadd.s32 $0x780, s20  }
0x1a0: {  	s2 =	sadd.s32 $0x580, s20;
	s21 =	sadd.s32 $0x800, s20;
	(v2sf) =	vpush v0, $0x7;
	s7 =	sadd.s32 $0x480, s20  }
0x1a1: {  	s8 =	sadd.s32 $0x600, s20;
	s22 =	sadd.s32 $0x880, s20;
	s9 =	sadd.s32 $0x200, s20  }
0x1a2: {  	s10 =	sadd.s32 $0x400, s20;
	s11 =	sadd.s32 $0x500, s20;
	(v2sf) =	vpush v0, $0x8;
	s12 =	spop (v2sf)  }
0x1a3: {  	s13 =	sadd.s32 $0x300, s20;
	s12 =	sand.u32 $0x1FFFFFF0, s12;
	s24 =	spop (v2sf)  }
0x1a4: {  	(v2sf) =	vpush v0, $0x9;
	s12 =	sadd.s32 s6, s12;
	s24 =	sand.u32 $0x1FFFFFF0, s24;
	s25 =	spop (v2sf)  }
0x1a5: {  	[tilespmem:s9], [sflag:$0x1] =	stream.linear.gather [hbm4b:s12+s1], $0x80, $0x38;
	[tilespmem:$0x10200] =	vst v63  }
0x1a6: {  	(v2sf) =	vpush v0, $0xA;
	s26 =	sadd.s32 s6, s24;
	s29 =	sand.u32 $0x1FFFFFF0, s25;
	s28 =	spop (v2sf)  }
0x1a7: {  	[tilespmem:s0], [sflag:$0x1] =	stream.linear.gather [hbm4b:s26+s1], $0x80, $0x38;
	[tilespmem:$0x10200] =	vst v63  }
0x1a8: {  	s9 =	sadd.s32 $0x700, s20;
	(v2sf) =	vpush v0, $0xB;
	s12 =	sadd.s32 s6, s29;
	s30 =	spop (v2sf)  }
0x1a9: {  	s0 =	sadd.s32 $0x680, s20;
	s26 =	sadd.s32 $0x380, s20;
	s25 =	sand.u32 $0x1FFFFFF0, s30  }
0x1aa: {  	(v2sf) =	vpush v0, $0xC;
	[tilespmem:s13], [sflag:$0x1] =	stream.linear.gather [hbm4b:s12+s1], $0x80, $0x38;
	[tilespmem:$0x10200] =	vst v63  }
0x1ab: {  	s31 =	sand.u32 $0x1FFFFFF0, s28;
	s28 =	spop (v2sf);
	s29 =	sadd.s32 s6, s25  }
0x1ac: {  	(v2sf) =	vpush v0, $0xD;
	[tilespmem:s26], [sflag:$0x1] =	stream.linear.gather [hbm4b:s29+s1], $0x80, $0x38;
	[tilespmem:$0x10200] =	vst v63  }
0x1ad: {  	s12 =	sadd.s32 s6, s31;
	s13 =	sand.u32 $0x1FFFFFF0, s28;
	s30 =	spop (v2sf)  }
0x1ae: {  	(v2sf) =	vpush v0, $0xE;
	[tilespmem:s10], [sflag:$0x1] =	stream.linear.gather [hbm4b:s12+s1], $0x80, $0x38;
	[tilespmem:$0x10200] =	vst v63  }
0x1af: {  	s13 =	sadd.s32 s6, s13;
	s31 =	sand.u32 $0x1FFFFFF0, s30;
	s24 =	spop (v2sf)  }
0x1b0: {  	(v2sf) =	vpush v0, $0xF;
	[tilespmem:s7], [sflag:$0x1] =	stream.linear.gather [hbm4b:s13+s1], $0x80, $0x38;
	[tilespmem:$0x10200] =	vst v63  }
0x1b1: {  	s25 =	sand.u32 $0x1FFFFFF0, s24;
	s26 =	spop (v2sf);
	s10 =	sadd.s32 s6, s31  }
0x1b2: {  	[tilespmem:s11], [sflag:$0x1] =	stream.linear.gather [hbm4b:s10+s1], $0x80, $0x38;
	[tilespmem:$0x10200] =	vst v63  }
0x1b3: {  	s28 =	sand.u32 $0x1FFFFFF0, s26;
	s7 =	sadd.s32 s6, s25;
	s29 =	spop (v2sf)  }
0x1b4: {  	[tilespmem:s2], [sflag:$0x1] =	stream.linear.gather [hbm4b:s7+s1], $0x80, $0x38;
	[tilespmem:$0x10200] =	vst v63  }
0x1b5: {  	s10 =	sadd.s32 s6, s28;
	s30 =	sand.u32 $0x1FFFFFF0, s29;
	s31 =	spop (v2sf)  }
0x1b6: {  	[tilespmem:s8], [sflag:$0x1] =	stream.linear.gather [hbm4b:s10+s1], $0x80, $0x38;
	[tilespmem:$0x10200] =	vst v63  }
0x1b7: {  	s7 =	sand.u32 $0x1FFFFFF0, s31;
	s2 =	sadd.s32 s6, s30;
	s10 =	spop (v2sf)  }
0x1b8: {  	[tilespmem:s0], [sflag:$0x1] =	stream.linear.gather [hbm4b:s2+s1], $0x80, $0x38;
	[tilespmem:$0x10200] =	vst v63  }
0x1b9: {  	s7 =	sadd.s32 s6, s7;
	s11 =	sand.u32 $0x1FFFFFF0, s10;
	s12 =	spop (v2sf)  }
0x1ba: {  	[tilespmem:s9], [sflag:$0x1] =	stream.linear.gather [hbm4b:s7+s1], $0x80, $0x38;
	[tilespmem:$0x10200] =	vst v63  }
0x1bb: {  	s0 =	sadd.s32 s6, s11;
	s2 =	sand.u32 $0x1FFFFFF0, s12;
	s13 =	spop (v2sf)  }
0x1bc: {  	[tilespmem:s23], [sflag:$0x1] =	stream.linear.gather [hbm4b:s0+s1], $0x80, $0x38;
	[tilespmem:$0x10200] =	vst v63  }
0x1bd: {  	s24 =	sand.u32 $0x1FFFFFF0, s13;
	s2 =	sadd.s32 s6, s2;
	s25 =	spop (v2sf)  }
0x1be: {  	[tilespmem:s21], [sflag:$0x1] =	stream.linear.gather [hbm4b:s2+s1], $0x80, $0x38;
	[tilespmem:$0x10200] =	vst v63  }
0x1bf: {  	s26 =	sand.u32 $0x1FFFFFF0, s25;
	s28 =	spop (v2sf);
	s0 =	sadd.s32 s6, s24  }
0x1c0: {  	[tilespmem:s22], [sflag:$0x1] =	stream.linear.gather [hbm4b:s0+s1], $0x80, $0x38;
	[tilespmem:$0x10200] =	vst v63  }
0x1c1: {  	s30 =	sadd.s32 $0x900, s20;
	s29 =	sand.u32 $0x1FFFFFF0, s28;
	s2 =	sadd.s32 s6, s26  }
0x1c2: {  	[tilespmem:s30], [sflag:$0x1] =	stream.linear.gather [hbm4b:s2+s1], $0x80, $0x38;
	[tilespmem:$0x10200] =	vst v63  }
0x1c3: {  	s31 =	sadd.s32 $0x980, s20;
	s0 =	sadd.s32 s6, s29  }
0x1c4: {  	[tilespmem:s31], [sflag:$0x1] =	stream.linear.gather [hbm4b:s0+s1], $0x80, $0x38;
	[tilespmem:$0x10200] =	vst v63  }
0x1c5: {  	s19 =	sadd.s32 $0x1, s19;
	_ =	swait.ge [sflag:s17], $0x10000  }
0x1c6: {  	p0 =	sne.s32 s19, s15;
	[sflag:s17] =	ssyncset.done $0x0  }
.Ltmp4:
0x1c7: {  	[sflag:s17] =	ssyncadd.s32 $0xFFFF0000;
	(pc) =	sbr.rel @p0 .LBB2_1-.Ltmp4, $4  }
0x1c8: {  	[hbm4b:s14+s1] =	stream.linear.scatter [tilespmem:s18], [sflag:$0x2], $0x10000, $0x38;
	[tilespmem:$0x10200] =	vst v63  }
0x1c9: {  	_ =	swait.ge [sflag:s16], $0x10000  }
0x1ca: {  	[sflag:s16] =	ssyncset.done $0x0  }
0x1cb: {  	[sflag:s16] =	ssyncadd.s32 $0xFFFF0000  }
0x1cc: {  	_ =	sfence.sel $0x180000  }
0x1cd: {  	[bflag:$0x0] =	sbarrier.arrive $0xFFFF  }
0x1ce: {  	_ =	strace $0x90000047  }
0x1cf: {  	s0 =	stileid.u32;
	[bflag:$0x2] =	sbarrier.arrive $0xFFFF  }
0x1d0: {  	p0 =	sne.s32 s0, $0x0;
	s0 =	rddreg [dreg:$0x5]  }
0x1d1: {  	s0 =	sadd.s32 @!p0 $0x100000, s0  }
0x1d2: {  	[sflag:s0] =	ssyncadd.tile.s32 @!p0 $0x1;
	_ =	shalt  }
.Lfunc_end2:
_tile_overlayer_lowered:
.L_overlay_start_2:
0x1d3: {  	(tag) =	ssettag $0x2  }
0x1d4: {  	s0 =	rddreg [dreg:$0x0];
	s2 =	stileid.u32  }
0x1d5: {  	s1 =	rddreg [dreg:$0x1];
	p0 =	sne.s32 s2, $0x0  }
0x1d6: {  	s3 =	rddreg [dreg:$0x2];
	[bflag:$0x3] =	sbarrier.arrive $0xFFFF;
	s2 =	simm.s32 @!p0 $0x1C02  }
0x1d7: {  	[timem:s3], [sflag:s2] =	dma.local @!p0 [hbm:s0], s1  }
0x1d8: {  	s0 =	simm.s32 @!p0 $0x2  }
0x1d9: {  	_ =	swait.ge @!p0 [sflag:s0], s1  }
0x1da: {  	s1 =	ssub.s32 @!p0 $0x0, s1;
	[sflag:s0] =	ssyncset.done @!p0 $0x0  }
0x1db: {  	[sflag:s0] =	ssyncadd.s32 @!p0 s1  }
0x1dc: {  	[bflag:$0x3] =	sbarrier.arrive $0xFFFF  }
0x1dd: {  	_ =	shalt  }

// kernel: kernel.8.cloned.1.call-start
scs
__scs_entry_jumppad:
0x0: {  	(pc) =	sbr.rel $0x88, $3  }
0x1: {  	(tag) =	ssettag $0x0;
	lr =	simm.s32 $0x1  }
0x2: {  	[smem:$0x3F8B] =	sst lr;
	_ =	strace $0xD0000000  }
0x3: {  	_ = 	snop  }
0x4: {  	_ = 	snop  }
0x5: {  	_ = 	snop  }
0x6: {  	_ = 	snop  }
0x7: {  	_ = 	snop  }
__scs_overlays_trampoline_lowered:
0x8: {  	[smem:$0x3F9A] =	sst s0  }
0x9: {  	[smem:$0x3F9B] =	sst s1  }
0xa: {  	[smem:$0x3F9C] =	sst s2  }
0xb: {  	[smem:$0x3F9D] =	sst s3  }
0xc: {  	[smem:$0x3F9E] =	sst s4  }
0xd: {  	[smem:$0x3F9F] =	sst s5  }
0xe: {  	[smem:$0x3FA0] =	sst s6  }
0xf: {  	[smem:$0x3FA1] =	sst s7  }
0x10: {  	[smem:$0x3FA2] =	sst s8  }
0x11: {  	[smem:$0x3FA3] =	sst s9;
	s0 =	simm.s32 @!p0 $0x0  }
0x12: {  	s1 =	sld [smem:$0x3F89];
	s0 =	simm.s32 @p0 $0x1  }
0x13: {  	[smem:$0x3FA4] =	sst s0;
	s0 =	simm.s32 @!p1 $0x0  }
0x14: {  	s2 =	sld [smem:$0x3F88];
	s0 =	simm.s32 @p1 $0x1  }
0x15: {  	[smem:$0x3FA5] =	sst s0;
	s0 =	simm.s32 @!p2 $0x0  }
0x16: {  	s3 =	sld [smem:$0x3FDB];
	s0 =	simm.s32 @p2 $0x1  }
0x17: {  	s4 =	simm.s32 $0x1BF5;
	[smem:$0x3FA7] =	sst s0  }
0x18: {  	s0 =	sld [smem:$0x3F8A];
	_ =	swait.ge [sflag:s4], $0x0  }
0x19: {  	s7 =	sld [smem:$0x3F8B]  }
0x1a: {  	s8 =	sadd.s32 $0xFFFFE003, lr  }
0x1b: {  	s9 =	sadd.s32 $0xFFFFFEF7, lr;
	s5 =	simm.s32 $0xFFFFFFFF;
	p2 =	slt.u32 s8, $0xFFFFF086  }
0x1c: {  	p1 =	slt.u32 s9, $0xF7A;
	s5 =	simm.s32 @!p2 $0x0  }
0x1d: {  	s5 =	simm.s32 @p1 $0x1;
	p0 =	seq.s32 s7, s2  }
0x1e: {  	s7 =	smul.u32 @!p0 $0xF7A, s2;
	p2 =	seq.s32 @!p0 s5, $0x0  }
0x1f: {  	s9 =	smul.u32 $0xF7A, s1;
	s8 =	simm.s32 @!p0 $0x1BF5;
	p2 =	por !p2, p0  }
0x20: {  	[sflag:s8] =	ssyncset.s32 @!p0 $0xFFFFF086;
	s6 =	sadd.s32 @!p0 s3, s7;
	s7 =	simm.s32 @!p0 $0x108  }
0x21: {  	s3 =	sadd.s32 s3, s9;
	s6 =	sadd.s32 @!p0 $0x88, s6;
	s7 =	simm.s32 @p2 $0x1082  }
0x22: {  	[simem:s7], [sflag:s8] =	dma.local @!p0 [hbm:s6], $0xF7A  }
0x23: {  	s9 =	sor.u32 $0xD0000000, s2;
	s6 =	simm.s32 $0x108;
	_ =	swait.ge @!p0 [sflag:s8], $0x0  }
0x24: {  	s3 =	sadd.s32 $0x88, s3;
	s6 =	simm.s32 @!p1 $0x1082;
	[sflag:s4] =	ssyncset.s32 $0xFFFFF086  }
0x25: {  	[simem:s6], [sflag:s4] =	dma.local [hbm:s3], $0xF7A  }
0x26: {  	[smem:$0x3F8B] =	sst s1;
	(tag) =	ssettag s2;
	_ =	strace s9  }
0x27: {  	s1 =	sld [smem:$0x3F9B]  }
0x28: {  	s2 =	sld [smem:$0x3F9C]  }
0x29: {  	s4 =	sld [smem:$0x3F9E]  }
0x2a: {  	p0 =	seq.s32 s5, $0x0;
	s5 =	sld [smem:$0x3F9F]  }
0x2b: {  	s6 =	sld [smem:$0x3FA0]  }
0x2c: {  	s7 =	sld [smem:$0x3FA1]  }
0x2d: {  	s3 =	simm.s32 $0x108;
	s8 =	sld [smem:$0x3FA2]  }
0x2e: {  	s3 =	simm.s32 @!p0 $0x1082;
	s9 =	sld [smem:$0x3FA3]  }
0x2f: {  	lr =	sadd.s32 s0, s3;
	s0 =	sld [smem:$0x3F9A]  }
0x30: {  	s3 =	sld [smem:$0x3F9D]  }
0x31: {  	[smem:$0x3FA6] =	sst s10  }
0x32: {  	s10 =	sld [smem:$0x3FA4];
	_ =	sdelay $0x3  }
0x33: {  	p0 =	seq.s32 s10, $0x1;
	s10 =	sld [smem:$0x3FA6];
	_ =	sdelay $0x3  }
0x34: {  	[smem:$0x3FA6] =	sst s10  }
0x35: {  	s10 =	sld [smem:$0x3FA5];
	_ =	sdelay $0x3  }
0x36: {  	p1 =	seq.s32 s10, $0x1;
	s10 =	sld [smem:$0x3FA6];
	_ =	sdelay $0x3  }
0x37: {  	[smem:$0x3FA6] =	sst s10  }
0x38: {  	s10 =	sld [smem:$0x3FA7]  }
0x39: {  	_ = 	snop;
	(pc) =	sbr.ind lr, $3  }
0x3a: {  	_ = 	snop  }
0x3b: {  	_ = 	snop  }
0x3c: {  	p2 =	seq.s32 s10, $0x1;
	s10 =	sld [smem:$0x3FA6]  }
0x3d: {  	_ =	shalt  }
0x3e: {  	_ =	shalt  }
0x3f: {  	_ =	shalt  }
0x40: {  	_ =	shalt  }
0x41: {  	_ =	shalt  }
0x42: {  	_ =	shalt  }
0x43: {  	_ =	shalt  }
0x44: {  	_ =	shalt  }
0x45: {  	_ =	shalt  }
0x46: {  	_ =	shalt  }
0x47: {  	_ =	shalt  }
0x48: {  	_ =	shalt  }
0x49: {  	_ =	shalt  }
0x4a: {  	_ =	shalt  }
0x4b: {  	_ =	shalt  }
0x4c: {  	_ =	shalt  }
0x4d: {  	_ =	shalt  }
0x4e: {  	_ =	shalt  }
0x4f: {  	_ =	shalt  }
0x50: {  	_ =	shalt  }
0x51: {  	_ =	shalt  }
0x52: {  	_ =	shalt  }
0x53: {  	_ =	shalt  }
0x54: {  	_ =	shalt  }
0x55: {  	_ =	shalt  }
0x56: {  	_ =	shalt  }
0x57: {  	_ =	shalt  }
0x58: {  	_ =	shalt  }
0x59: {  	_ =	shalt  }
0x5a: {  	_ =	shalt  }
0x5b: {  	_ =	shalt  }
0x5c: {  	_ =	shalt  }
0x5d: {  	_ =	shalt  }
0x5e: {  	_ =	shalt  }
0x5f: {  	_ =	shalt  }
0x60: {  	_ =	shalt  }
0x61: {  	_ =	shalt  }
0x62: {  	_ =	shalt  }
0x63: {  	_ =	shalt  }
0x64: {  	_ =	shalt  }
0x65: {  	_ =	shalt  }
0x66: {  	_ =	shalt  }
0x67: {  	_ =	shalt  }
0x68: {  	_ =	shalt  }
0x69: {  	_ =	shalt  }
0x6a: {  	_ =	shalt  }
0x6b: {  	_ =	shalt  }
0x6c: {  	_ =	shalt  }
0x6d: {  	_ =	shalt  }
0x6e: {  	_ =	shalt  }
0x6f: {  	_ =	shalt  }
0x70: {  	_ =	shalt  }
0x71: {  	_ =	shalt  }
0x72: {  	_ =	shalt  }
0x73: {  	_ =	shalt  }
0x74: {  	_ =	shalt  }
0x75: {  	_ =	shalt  }
0x76: {  	_ =	shalt  }
0x77: {  	_ =	shalt  }
0x78: {  	_ =	shalt  }
0x79: {  	_ =	shalt  }
0x7a: {  	_ =	shalt  }
0x7b: {  	_ =	shalt  }
0x7c: {  	_ =	shalt  }
0x7d: {  	_ =	shalt  }
0x7e: {  	_ =	shalt  }
0x7f: {  	_ =	shalt  }
0x80: {  	_ =	shalt  }
0x81: {  	_ =	shalt  }
0x82: {  	_ =	shalt  }
0x83: {  	_ =	shalt  }
0x84: {  	_ =	shalt  }
0x85: {  	_ =	shalt  }
0x86: {  	_ =	shalt  }
0x87: {  	_ =	shalt  }
.Lfunc_end0:
.L_simem_size_0:
called_computation.1_lowered:
.L_overlay_start_0:
0x88: {  	s2 =	sld [smem:$0x3FD9]  }
0x89: {  	s3 =	sld [smem:$0x3FFE];
	_ =	sdelay $0x1  }
0x8a: {  	s1 =	srdreg.scid  }
0x8b: {  	s0 =	sand.u32 $0x1, s1  }
0x8c: {  	s17 =	sshll.u32 s0, $0xA;
	s2 =	sadd.s32 s3, s2  }
0x8d: {  	s2 =	sadd.s32 s2, s17  }
0x8e: {  	[smem:$0x3FB2] =	sst s2  }
0x8f: {  	_ = 	snop  }
0x90: {  	s18 =	sld [smem:$0x3FC9];
	(tm) =	ssettm $0x1  }
0x91: {  	s19 =	sld [smem:$0x3FFB];
	_ =	sdelay $0x3  }
0x92: {  	_ =	strace s19  }
0x93: {  	s2 =	sld [smem:$0x3FFC];
	_ =	sdelay $0x3  }
0x94: {  	_ =	strace s2  }
0x95: {  	s2 =	sld [smem:$0x3FFD];
	_ =	sdelay $0x3  }
0x96: {  	_ =	strace s2  }
0x97: {  	_ =	strace $0x8FFFFFFF  }
0x98: {  	s20 =	sld [smem:$0x3FDB];
	_ =	sdelay $0x1  }
0x99: {  	s4 =	simm.s32 $_scs_section_size  }
0x9a: {  	s5 =	simm.s32 $_size__tile_overlayer_lowered;
	s6 =	simm.s32 $_tile_overlayer_lowered  }
0x9b: {  	s7 =	simm.s32 $0x1BFF;
	s21 =	sshll.u32 s6, $0x1;
	s4 =	sadd.s32 s4, s20  }
0x9c: {  	s22 =	simm.s32 $0x0;
	s5 =	sshll.u32 s5, $0x1;
	s6 =	sadd.s32 s21, s4  }
0x9d: {  	[timem:s22], [sflag:s7] =	dma.local [hbm:s6], s5  }
0x9e: {  	_ =	swait.ge [sflag:s7], s5  }
0x9f: {  	s5 =	ssub.s32 $0x0, s5;
	[sflag:s7] =	ssyncset.done $0x0  }
0xa0: {  	[sflag:s7] =	ssyncadd.s32 s5;
	_ =	sdelay $0x1  }
0xa1: {  	s23 =	simm.s32 $0x1B8B  }
0xa2: {  	_ =	swait.ge [sflag:s23], $0x1  }
0xa3: {  	[sflag:s23] =	ssyncset.done $0x0  }
0xa4: {  	[sflag:s23] =	ssyncadd.s32 $0xFFFFFFFF  }
0xa5: {  	s5 =	sld [smem:$0x0]  }
0xa6: {  	s6 =	sand.u32 $0xFFFFFFFE, s1  }
0xa7: {  	p0 =	sne.s32 s1, s6  }
0xa8: {  	s6 =	sshll.u32 @p0 s6, $0xE  }
0xa9: {  	s6 =	sadd.s32 @p0 $0x11B8D, s6;
	s7 =	sshll.u32 @p0 s5, $0x11  }
0xaa: {  	s6 =	sor.u32 @p0 s7, s6  }
0xab: {  	[sflag:s6] =	ssyncadd.remote.s32 @p0 $0x1;
	_ =	sdelay $0x1  }
0xac: {  	s6 =	simm.s32 @p0 $0x1B8D  }
0xad: {  	_ =	swait.eq @p0 [sflag:s6], $0x1  }
0xae: {  	[sflag:s6] =	ssyncadd.s32 @p0 $0xFFFFFFFF  }
0xaf: {  	s7 =	sshll.u32 @!p0 s1, $0xE  }
0xb0: {  	s7 =	sor.u32 @!p0 $0x4000, s7;
	s6 =	simm.s32 @!p0 $0x1B8D  }
0xb1: {  	s5 =	sshll.u32 @!p0 s5, $0x11;
	s7 =	sadd.s32 @!p0 $0x11B8D, s7;
	_ =	swait.eq @!p0 [sflag:s6], $0x1  }
0xb2: {  	s5 =	sor.u32 @!p0 s5, s7;
	[sflag:s6] =	ssyncadd.s32 @!p0 $0xFFFFFFFF  }
0xb3: {  	s25 =	simm.s32 $0x1B8E;
	s24 =	sld [smem:$0x3FFE];
	[sflag:s5] =	ssyncadd.remote.s32 @!p0 $0x1  }
0xb4: {  	s26 =	simm.s32 $execute0_lowered;
	[smem:$0x3FD2] =	sst s25  }
0xb5: {  	s6 =	sshll.u32 s26, $0x1;
	_ =	strace $0x80000049;
	[dreg:$0x1] =	wrdreg $0xFFFFFFFF  }
0xb6: {  	s28 =	simm.s32 $_size_execute0_lowered;
	s4 =	sadd.s32 s4, s6;
	[dreg:$0x0] =	wrdreg $0x0  }
0xb7: {  	s6 =	sshll.u32 s28, $0x1;
	[dreg:$0x2] =	wrdreg s4  }
0xb8: {  	[dreg:$0x3] =	wrdreg s6  }
0xb9: {  	[dreg:$0x4] =	wrdreg $0xC0  }
0xba: {  	_ =	task [dreg:s22], $0x5FFFF  }
0xbb: {  	[dreg:$0x1] =	wrdreg $0xFFFFFFFF  }
0xbc: {  	[dreg:$0x0] =	wrdreg $0x60  }
0xbd: {  	[dreg:$0x2] =	wrdreg s24  }
0xbe: {  	[dreg:$0x3] =	wrdreg s18  }
0xbf: {  	[dreg:$0x4] =	wrdreg $0xA  }
0xc0: {  	_ =	task.clear_ibuf [dreg:s22], $0x5FFFF;
	_ =	strace $0x90000049  }
0xc1: {  	s29 =	simm.s32 $0xA;
	_ =	strace $0x8000004B  }
0xc2: {  	_ =	swait.ge [sflag:s29], $0x1  }
0xc3: {  	[sflag:s29] =	ssyncadd.s32 $0xFFFFFFFF  }
0xc4: {  	_ =	strace $0x9000004B  }
0xc5: {  	_ =	sfence  }
0xc6: {  	s30 =	sld [smem:$0x0];
	_ =	sdelay $0x2  }
0xc7: {  	s31 =	sshll.u32 s1, $0xD;
	s1 =	sshrl.u32 s1, $0x2  }
0xc8: {  	s4 =	sand.u32 $0x4000, s31;
	s1 =	sadd.s32 s1, s30  }
0xc9: {  	s0 =	sor.u32 s4, s0;
	s1 =	sshll.u32 s1, $0x11  }
0xca: {  	s0 =	sor.u32 s1, s0  }
0xcb: {  	s0 =	sadd.s32 $0x8F2B, s0  }
0xcc: {  	[sflag:s0] =	ssyncadd.remote.s32 $0x1  }
0xcd: {  	_ =	sfence.sel $0xFFFF  }
0xce: {  	[dreg:$0x0] =	wrdreg $0xFFFFFFFF;
	(pc) =	sbr.abs _section_cstart, $3  }
0xcf: {  	[dreg:$0x1] =	wrdreg $0xFFFFFFFF  }
0xd0: {  	_ =	task.clear_ibuf [dreg:s22], $0x2FFFF;
	_ =	strace $0x9FFFFFFF  }
0xd1: {  	(tm) =	ssettm $0x7FFFFFFF  }
tec
execute0_lowered:
.L_overlay_start_1:
0x0: {  	(tag) =	ssettag $0x1  }
0x1: {  	s4 =	rddreg [dreg:$0x0]  }
0x2: {  	s5 =	rddreg [dreg:$0x1]  }
0x3: {  	s0 =	rddreg [dreg:$0x2];
	s2 =	simm.s32 $0x0;
	s3 =	srdreg.scid  }
0x4: {  	s1 =	stileid.u32;
	s10 =	simm.s32 $0x0;
	s6 =	sand.u32 $0x1, s3  }
0x5: {  	[smem:$0x7FF] =	sst s2;
	s7 =	sshll.u32 s1, $0xA;
	s8 =	sshll.u32 s6, $0x9  }
0x6: {  	s3 =	sadd.s32 $0x71EE00, s4;
	s6 =	ssub.s32 $0x2, s6;
	s7 =	sor.u32 s8, s7  }
0x7: {  	_ =	strace $0x8000004A;
	s9 =	sshrl.u32 s6, $0x1;
	s8 =	sshll.u32 s7, $0x4  }
0x8: {  	s7 =	sshrl.u32 s7, $0x3;
	s6 =	ssub.s32 s6, s9;
	s9 =	simm.s32 $0x200  }
0x9: {  	s8 =	sadd.s32 s8, s4;
	s4 =	sadd.s32 s5, s7;
	s6 =	smax.u32 s6, $0x1  }
0xa: {  	s7 =	simm.s32 $0x2;
	s5 =	sadd.s32 $0x1661200, s8;
	s8 =	simm.s32 $0x1  }
.LBB2_1:
0xb: {  	[tilespmem:s2], [sflag:$0x2] =	stream.linear.gather [hbm4b:s4+s2], $0x200, $0x38;
	[tilespmem:$0x10200] =	vst v63  }
0xc: {  	_ =	swait.ge [sflag:s7], $0x200  }
0xd: {  	[sflag:s7] =	ssyncset.done $0x0  }
0xe: {  	[sflag:s7] =	ssyncadd.s32 $0xFFFFFE00  }
0xf: {  	v0 =	vld [tilespmem:s2+$0x0];
	_ =	sdelay $0x4  }
0x10: {  	v0 =	vshll.u32 v0, $0x4  }
0x11: {  	(v2sf) =	vpush v0, $0x0  }
0x12: {  	(v2sf) =	vpush v0, $0x1  }
0x13: {  	(v2sf) =	vpush v0, $0x2;
	_ =	sdelay $0x1  }
0x14: {  	(v2sf) =	vpush v0, $0x4;
	_ =	sdelay $0x1  }
0x15: {  	(v2sf) =	vpush v0, $0x3  }
0x16: {  	(v2sf) =	vpush v0, $0x5  }
0x17: {  	s12 =	simm.s32 $0x2000;
	s11 =	simm.s32 $0x0;
	s13 =	simm.s32 $0x0;
	(v2sf) =	vpush v0, $0x6  }
.LBB2_2:
0x18: {  	p0 =	sne.s32 s12, $0x3E000  }
0x19: {  	s23 =	sadd.s32 $0x280, s11;
	s17 =	sadd.s32 $0x780, s11;
	s14 =	smov.u32 s12  }
0x1a: {  	s12 =	sadd.s32 $0x2000, s12;
	s20 =	sadd.s32 $0x580, s11;
	s15 =	sadd.s32 $0x800, s11;
	(v2sf) =	vpush v0, $0x7  }
0x1b: {  	s22 =	sadd.s32 $0x480, s11;
	s19 =	sadd.s32 $0x600, s11;
	s16 =	sadd.s32 $0x880, s11  }
0x1c: {  	s24 =	sadd.s32 $0x200, s11;
	s25 =	sadd.s32 $0x400, s11;
	(v2sf) =	vpush v0, $0x8  }
0x1d: {  	s26 =	sadd.s32 $0x500, s11;
	s13 =	sadd.s32 $0x10, s13  }
0x1e: {  	s28 =	sadd.s32 $0x300, s11;
	s18 =	sadd.s32 $0x700, s11;
	s21 =	spop (v2sf);
	(v2sf) =	vpush v0, $0x9  }
0x1f: {  	s29 =	sand.u32 $0x1FFFFFF0, s21;
	s21 =	sadd.s32 $0x680, s11;
	s30 =	spop (v2sf)  }
0x20: {  	s29 =	sadd.s32 s3, s29;
	s30 =	sand.u32 $0x1FFFFFF0, s30;
	s31 =	spop (v2sf);
	(v2sf) =	vpush v0, $0xA  }
0x21: {  	[tilespmem:s24], [sflag:$0x1] =	stream.linear.gather [hbm4b:s29+s2], $0x80, $0x38;
	[tilespmem:$0x10200] =	vst v63  }
0x22: {  	s24 =	sadd.s32 s3, s30;
	s29 =	sadd.s32 $0x380, s11;
	s30 =	spop (v2sf);
	(v2sf) =	vpush v0, $0xB  }
0x23: {  	[tilespmem:s23], [sflag:$0x1] =	stream.linear.gather [hbm4b:s24+s2], $0x80, $0x38;
	[tilespmem:$0x10200] =	vst v63  }
0x24: {  	s23 =	sand.u32 $0x1FFFFFF0, s31;
	s24 =	sand.u32 $0x1FFFFFF0, s30;
	s30 =	spop (v2sf);
	(v2sf) =	vpush v0, $0xC  }
0x25: {  	s23 =	sadd.s32 s3, s23;
	s30 =	sand.u32 $0x1FFFFFF0, s30;
	s31 =	spop (v2sf)  }
0x26: {  	[tilespmem:s28], [sflag:$0x1] =	stream.linear.gather [hbm4b:s23+s2], $0x80, $0x38;
	(v2sf) =	vpush v0, $0xD;
	[tilespmem:$0x10200] =	vst v63  }
0x27: {  	s23 =	sadd.s32 s3, s30;
	s28 =	sand.u32 $0x1FFFFFF0, s31;
	s30 =	spop (v2sf)  }
0x28: {  	[tilespmem:s29], [sflag:$0x1] =	stream.linear.gather [hbm4b:s23+s2], $0x80, $0x38;
	(v2sf) =	vpush v0, $0xE;
	[tilespmem:$0x10200] =	vst v63  }
0x29: {  	s23 =	sadd.s32 s3, s24;
	s24 =	sand.u32 $0x1FFFFFF0, s30;
	s29 =	spop (v2sf)  }
0x2a: {  	[tilespmem:s25], [sflag:$0x1] =	stream.linear.gather [hbm4b:s23+s2], $0x80, $0x38;
	(v2sf) =	vpush v0, $0xF;
	[tilespmem:$0x10200] =	vst v63  }
0x2b: {  	s23 =	sadd.s32 s3, s28;
	s25 =	sand.u32 $0x1FFFFFF0, s29;
	s28 =	spop (v2sf)  }
0x2c: {  	[tilespmem:s22], [sflag:$0x1] =	stream.linear.gather [hbm4b:s23+s2], $0x80, $0x38;
	[tilespmem:$0x10200] =	vst v63  }
0x2d: {  	s22 =	sadd.s32 s3, s24;
	s23 =	sand.u32 $0x1FFFFFF0, s28;
	s24 =	spop (v2sf)  }
0x2e: {  	[tilespmem:s26], [sflag:$0x1] =	stream.linear.gather [hbm4b:s22+s2], $0x80, $0x38;
	[tilespmem:$0x10200] =	vst v63  }
0x2f: {  	s22 =	sadd.s32 s3, s25;
	s24 =	sand.u32 $0x1FFFFFF0, s24;
	s25 =	spop (v2sf)  }
0x30: {  	[tilespmem:s20], [sflag:$0x1] =	stream.linear.gather [hbm4b:s22+s2], $0x80, $0x38;
	[tilespmem:$0x10200] =	vst v63  }
0x31: {  	s20 =	sadd.s32 s3, s23;
	s22 =	sand.u32 $0x1FFFFFF0, s25;
	s23 =	spop (v2sf)  }
0x32: {  	[tilespmem:s19], [sflag:$0x1] =	stream.linear.gather [hbm4b:s20+s2], $0x80, $0x38;
	[tilespmem:$0x10200] =	vst v63  }
0x33: {  	s19 =	sadd.s32 s3, s24;
	s20 =	sand.u32 $0x1FFFFFF0, s23;
	s23 =	spop (v2sf)  }
0x34: {  	[tilespmem:s21], [sflag:$0x1] =	stream.linear.gather [hbm4b:s19+s2], $0x80, $0x38;
	[tilespmem:$0x10200] =	vst v63  }
0x35: {  	s19 =	sadd.s32 s3, s22;
	s21 =	sand.u32 $0x1FFFFFF0, s23;
	s22 =	spop (v2sf)  }
0x36: {  	[tilespmem:s18], [sflag:$0x1] =	stream.linear.gather [hbm4b:s19+s2], $0x80, $0x38;
	[tilespmem:$0x10200] =	vst v63  }
0x37: {  	s18 =	sadd.s32 s3, s20;
	s19 =	sand.u32 $0x1FFFFFF0, s22;
	s20 =	spop (v2sf)  }
0x38: {  	[tilespmem:s17], [sflag:$0x1] =	stream.linear.gather [hbm4b:s18+s2], $0x80, $0x38;
	[tilespmem:$0x10200] =	vst v63  }
0x39: {  	s17 =	sadd.s32 s3, s21;
	s18 =	sand.u32 $0x1FFFFFF0, s20;
	s20 =	spop (v2sf)  }
0x3a: {  	[tilespmem:s15], [sflag:$0x1] =	stream.linear.gather [hbm4b:s17+s2], $0x80, $0x38;
	[tilespmem:$0x10200] =	vst v63  }
0x3b: {  	s15 =	sadd.s32 s3, s19;
	s17 =	sand.u32 $0x1FFFFFF0, s20  }
0x3c: {  	[tilespmem:s16], [sflag:$0x1] =	stream.linear.gather [hbm4b:s15+s2], $0x80, $0x38;
	[tilespmem:$0x10200] =	vst v63  }
0x3d: {  	s15 =	sadd.s32 $0x900, s11;
	s16 =	sadd.s32 s3, s18  }
0x3e: {  	[tilespmem:s15], [sflag:$0x1] =	stream.linear.gather [hbm4b:s16+s2], $0x80, $0x38;
	[tilespmem:$0x10200] =	vst v63  }
0x3f: {  	s11 =	sadd.s32 $0x980, s11;
	s15 =	sadd.s32 s3, s17  }
0x40: {  	[tilespmem:s11], [sflag:$0x1] =	stream.linear.gather [hbm4b:s15+s2], $0x80, $0x38;
	[tilespmem:$0x10200] =	vst v63  }
0x41: {  	v0 =	vld [tilespmem:s13+$0x0];
	_ =	sdelay $0x4  }
0x42: {  	v0 =	vshll.u32 v0, $0x4  }
0x43: {  	(v2sf) =	vpush v0, $0x0  }
0x44: {  	(v2sf) =	vpush v0, $0x1  }
0x45: {  	(v2sf) =	vpush v0, $0x2;
	_ =	sdelay $0x1  }
0x46: {  	(v2sf) =	vpush v0, $0x4  }
.Ltmp0:
0x47: {  	(pc) =	sbr.rel @p0 .LBB2_2-.Ltmp0, $3  }
0x48: {  	(v2sf) =	vpush v0, $0x3  }
0x49: {  	(v2sf) =	vpush v0, $0x5;
	_ =	sdelay $0x1  }
0x4a: {  	s11 =	sshra.s32 s14, $0x2;
	(v2sf) =	vpush v0, $0x6  }
0x4b: {  	_ =	sdelay $0x1  }
0x4c: {  	s15 =	sadd.s32 $0x280, s11;
	s14 =	sadd.s32 $0x780, s11  }
0x4d: {  	s16 =	sadd.s32 $0x580, s11;
	s12 =	sadd.s32 $0x800, s11;
	(v2sf) =	vpush v0, $0x7;
	s17 =	sadd.s32 $0x480, s11  }
0x4e: {  	s18 =	sadd.s32 $0x600, s11;
	s13 =	sadd.s32 $0x880, s11;
	s19 =	sadd.s32 $0x200, s11  }
0x4f: {  	s20 =	sadd.s32 $0x400, s11;
	s21 =	sadd.s32 $0x500, s11;
	(v2sf) =	vpush v0, $0x8;
	s22 =	spop (v2sf)  }
0x50: {  	s23 =	sadd.s32 $0x300, s11;
	s22 =	sand.u32 $0x1FFFFFF0, s22;
	s24 =	spop (v2sf)  }
0x51: {  	(v2sf) =	vpush v0, $0x9;
	s22 =	sadd.s32 s3, s22;
	s24 =	sand.u32 $0x1FFFFFF0, s24;
	s25 =	spop (v2sf)  }
0x52: {  	[tilespmem:s19], [sflag:$0x1] =	stream.linear.gather [hbm4b:s22+s2], $0x80, $0x38;
	[tilespmem:$0x10200] =	vst v63  }
0x53: {  	s26 =	sadd.s32 $0x380, s11;
	(v2sf) =	vpush v0, $0xA;
	s30 =	sadd.s32 s3, s24;
	s31 =	spop (v2sf)  }
0x54: {  	[tilespmem:s15], [sflag:$0x1] =	stream.linear.gather [hbm4b:s30+s2], $0x80, $0x38;
	[tilespmem:$0x10200] =	vst v63  }
0x55: {  	s19 =	sadd.s32 $0x700, s11;
	s28 =	sand.u32 $0x1FFFFFF0, s25;
	(v2sf) =	vpush v0, $0xB;
	s29 =	spop (v2sf)  }
0x56: {  	s22 =	sadd.s32 s3, s28;
	s15 =	sadd.s32 $0x680, s11;
	s25 =	sand.u32 $0x1FFFFFF0, s29  }
0x57: {  	(v2sf) =	vpush v0, $0xC;
	[tilespmem:s23], [sflag:$0x1] =	stream.linear.gather [hbm4b:s22+s2], $0x80, $0x38;
	[tilespmem:$0x10200] =	vst v63  }
0x58: {  	s30 =	sand.u32 $0x1FFFFFF0, s31;
	s31 =	spop (v2sf);
	s28 =	sadd.s32 s3, s25  }
0x59: {  	(v2sf) =	vpush v0, $0xD;
	[tilespmem:s26], [sflag:$0x1] =	stream.linear.gather [hbm4b:s28+s2], $0x80, $0x38;
	[tilespmem:$0x10200] =	vst v63  }
0x5a: {  	s22 =	sadd.s32 s3, s30;
	s23 =	sand.u32 $0x1FFFFFF0, s31;
	s29 =	spop (v2sf)  }
0x5b: {  	(v2sf) =	vpush v0, $0xE;
	[tilespmem:s20], [sflag:$0x1] =	stream.linear.gather [hbm4b:s22+s2], $0x80, $0x38;
	[tilespmem:$0x10200] =	vst v63  }
0x5c: {  	s23 =	sadd.s32 s3, s23;
	s30 =	sand.u32 $0x1FFFFFF0, s29;
	s31 =	spop (v2sf)  }
0x5d: {  	(v2sf) =	vpush v0, $0xF;
	[tilespmem:s17], [sflag:$0x1] =	stream.linear.gather [hbm4b:s23+s2], $0x80, $0x38;
	[tilespmem:$0x10200] =	vst v63  }
0x5e: {  	s24 =	sand.u32 $0x1FFFFFF0, s31;
	s25 =	spop (v2sf);
	s20 =	sadd.s32 s3, s30  }
0x5f: {  	[tilespmem:s21], [sflag:$0x1] =	stream.linear.gather [hbm4b:s20+s2], $0x80, $0x38;
	[tilespmem:$0x10200] =	vst v63  }
0x60: {  	s26 =	sand.u32 $0x1FFFFFF0, s25;
	s17 =	sadd.s32 s3, s24;
	s28 =	spop (v2sf)  }
0x61: {  	[tilespmem:s16], [sflag:$0x1] =	stream.linear.gather [hbm4b:s17+s2], $0x80, $0x38;
	[tilespmem:$0x10200] =	vst v63  }
0x62: {  	s20 =	sadd.s32 s3, s26;
	s29 =	sand.u32 $0x1FFFFFF0, s28;
	s30 =	spop (v2sf)  }
0x63: {  	[tilespmem:s18], [sflag:$0x1] =	stream.linear.gather [hbm4b:s20+s2], $0x80, $0x38;
	[tilespmem:$0x10200] =	vst v63  }
0x64: {  	s17 =	sand.u32 $0x1FFFFFF0, s30;
	s16 =	sadd.s32 s3, s29;
	s31 =	spop (v2sf)  }
0x65: {  	[tilespmem:s15], [sflag:$0x1] =	stream.linear.gather [hbm4b:s16+s2], $0x80, $0x38;
	[tilespmem:$0x10200] =	vst v63  }
0x66: {  	s17 =	sadd.s32 s3, s17;
	s20 =	sand.u32 $0x1FFFFFF0, s31;
	s21 =	spop (v2sf)  }
0x67: {  	[tilespmem:s19], [sflag:$0x1] =	stream.linear.gather [hbm4b:s17+s2], $0x80, $0x38;
	[tilespmem:$0x10200] =	vst v63  }
0x68: {  	s15 =	sadd.s32 s3, s20;
	s16 =	sand.u32 $0x1FFFFFF0, s21;
	s22 =	spop (v2sf)  }
0x69: {  	[tilespmem:s14], [sflag:$0x1] =	stream.linear.gather [hbm4b:s15+s2], $0x80, $0x38;
	[tilespmem:$0x10200] =	vst v63  }
0x6a: {  	s23 =	sand.u32 $0x1FFFFFF0, s22;
	s16 =	sadd.s32 s3, s16;
	s24 =	spop (v2sf)  }
0x6b: {  	[tilespmem:s12], [sflag:$0x1] =	stream.linear.gather [hbm4b:s16+s2], $0x80, $0x38;
	[tilespmem:$0x10200] =	vst v63  }
0x6c: {  	s25 =	sand.u32 $0x1FFFFFF0, s24;
	s26 =	spop (v2sf);
	s14 =	sadd.s32 s3, s23  }
0x6d: {  	[tilespmem:s13], [sflag:$0x1] =	stream.linear.gather [hbm4b:s14+s2], $0x80, $0x38;
	[tilespmem:$0x10200] =	vst v63  }
0x6e: {  	s29 =	sadd.s32 $0x900, s11;
	s28 =	sand.u32 $0x1FFFFFF0, s26;
	s12 =	sadd.s32 s3, s25  }
0x6f: {  	[tilespmem:s29], [sflag:$0x1] =	stream.linear.gather [hbm4b:s12+s2], $0x80, $0x38;
	[tilespmem:$0x10200] =	vst v63  }
0x70: {  	s30 =	sadd.s32 $0x980, s11;
	s31 =	sadd.s32 s3, s28  }
0x71: {  	[tilespmem:s30], [sflag:$0x1] =	stream.linear.gather [hbm4b:s31+s2], $0x80, $0x38;
	[tilespmem:$0x10200] =	vst v63  }
0x72: {  	s10 =	sadd.s32 $0x1, s10;
	_ =	swait.ge [sflag:s8], $0x10000  }
0x73: {  	p0 =	sne.s32 s10, s6;
	[sflag:s8] =	ssyncset.done $0x0  }
.Ltmp1:
0x74: {  	[sflag:s8] =	ssyncadd.s32 $0xFFFF0000;
	(pc) =	sbr.rel @p0 .LBB2_1-.Ltmp1, $4  }
0x75: {  	[hbm4b:s5+s2] =	stream.linear.scatter [tilespmem:s9], [sflag:$0x2], $0x10000, $0x38;
	[tilespmem:$0x10200] =	vst v63  }
0x76: {  	_ =	swait.ge [sflag:s7], $0x10000  }
0x77: {  	[sflag:s7] =	ssyncset.done $0x0  }
0x78: {  	[sflag:s7] =	ssyncadd.s32 $0xFFFF0000  }
0x79: {  	_ =	sfence.sel $0x180000  }
0x7a: {  	[bflag:$0x0] =	sbarrier.arrive $0xFFFF  }
0x7b: {  	p0 =	sne.s32 s1, $0x0;
	_ =	strace $0x9000004A  }
0x7c: {  	s0 =	sadd.s32 @!p0 $0x100000, s0;
	[bflag:$0x2] =	sbarrier.arrive $0xFFFF  }
0x7d: {  	[sflag:s0] =	ssyncadd.tile.s32 @!p0 $0x1;
	_ =	shalt  }
.Lfunc_end2:
_tile_overlayer_lowered:
.L_overlay_start_2:
0x7e: {  	(tag) =	ssettag $0x2  }
0x7f: {  	s0 =	rddreg [dreg:$0x0];
	s2 =	stileid.u32  }
0x80: {  	s1 =	rddreg [dreg:$0x1];
	p0 =	sne.s32 s2, $0x0  }
0x81: {  	s3 =	rddreg [dreg:$0x2];
	[bflag:$0x3] =	sbarrier.arrive $0xFFFF;
	s2 =	simm.s32 @!p0 $0x1C02  }
0x82: {  	[timem:s3], [sflag:s2] =	dma.local @!p0 [hbm:s0], s1  }
0x83: {  	s0 =	simm.s32 @!p0 $0x2  }
0x84: {  	_ =	swait.ge @!p0 [sflag:s0], s1  }
0x85: {  	s1 =	ssub.s32 @!p0 $0x0, s1;
	[sflag:s0] =	ssyncset.done @!p0 $0x0  }
0x86: {  	[sflag:s0] =	ssyncadd.s32 @!p0 s1  }
0x87: {  	[bflag:$0x3] =	sbarrier.arrive $0xFFFF  }
0x88: {  	_ =	shalt  }

</sc_bundles>
